<compile_context>
chip_gen: v7x
topology: tpu7x:2x2x1
jax: 0.10.2.dev20260603
libtpu: 0.0.44.dev20260713+nightly
codegen_flags: <defaults>
</compile_context>

<pallas_src>
import functools

import jax
import jax.numpy as jnp
from jax import lax
from jax.experimental import pallas as pl
from jax.experimental.pallas import tpu as pltpu
from jax.experimental.pallas import tpu_sc as plsc

VOCAB = 1000000
T = 200
D = 32
B = 1024
N = B * T

NC, NS, L = 2, 16, 16
NW = NC * NS
PER_W = N // NW
CHUNK = 800
NCH = PER_W // CHUNK
REP = CHUNK // T
HALVES = D // L
NB = 4


def _body(tok_hbm, pos_hbm, x_hbm, out_hbm, idx_v, pos_v,
          rows0, rows1, rows2, rows3,
          g0, g1, g2, g3, s0, s1, s2, s3):
    wid = lax.axis_index("s") * NC + lax.axis_index("c")
    base = wid * PER_W

    pltpu.sync_copy(x_hbm.at[pl.ds(base, PER_W)], idx_v)
    pltpu.sync_copy(pos_hbm, pos_v)

    bufs = (rows0, rows1, rows2, rows3)
    gsems = (g0, g1, g2, g3)
    ssems = (s0, s1, s2, s3)

    def start_gather(c):
        return pltpu.async_copy(
            tok_hbm.at[idx_v.at[pl.ds(c * CHUNK, CHUNK)]],
            bufs[c % NB], gsems[c % NB])

    def start_store(c):
        b0 = wid * (PER_W // T) + c * REP
        return [pltpu.async_copy(
                    bufs[c % NB].at[pl.ds(r * T, T), :],
                    out_hbm.at[b0 + r], ssems[c % NB])
                for r in range(REP)]

    def add_pos(buf):
        def body_t(t, _):
            for h in range(HALVES):
                pv = pos_v[t, pl.ds(h * L, L)]
                for r in range(REP):
                    j = r * T + t
                    buf[j, pl.ds(h * L, L)] = buf[j, pl.ds(h * L, L)] + pv
            return 0
        lax.fori_loop(0, T, body_t, 0)

    gd = [None] * NCH
    sd = [None] * NCH
    gd[0] = start_gather(0)
    gd[1] = start_gather(1)
    for c in range(NCH):
        gd[c].wait()
        if c + 2 < NCH:
            if c - 2 >= 0:
                for d in sd[c - 2]:
                    d.wait()
            gd[c + 2] = start_gather(c + 2)
        add_pos(bufs[c % NB])
        sd[c] = start_store(c)
    for c in range(max(0, NCH - NB), NCH):
        for d in sd[c]:
            d.wait()


_mesh = plsc.VectorSubcoreMesh(core_axis_name="c", subcore_axis_name="s")

_embed = functools.partial(
    pl.kernel,
    out_type=jax.ShapeDtypeStruct((B, T, D), jnp.float32),
    mesh=_mesh,
    scratch_types=(
        [pltpu.VMEM((PER_W,), jnp.int32),
         pltpu.VMEM((T, D), jnp.float32)]
        + [pltpu.VMEM((CHUNK, D), jnp.float32) for _ in range(NB)]
        + [pltpu.SemaphoreType.DMA for _ in range(2 * NB)]
    ),
    compiler_params=pltpu.CompilerParams(use_tc_tiling_on_sc=False),
)(_body)


def kernel(token_table, pos_table, x):
    x_flat = x.reshape(-1).astype(jnp.int32)
    return _embed(token_table, pos_table, x_flat)

# --- scband reference (transcript-rebuilt; emitter-appended) ---
"""Pipeline reference for scband-token-and-position-embedding-49847390438040 (READ-ONLY COPY).

The authoritative reference and input builder live on the scoring server;
editing this copy changes nothing except your own understanding.
"""

import jax, jax.numpy as jnp
import numpy as np

VOCAB = 1000000
MAXLEN = 200
DIM = 32
BATCH = 1024


def setup_inputs(seed: int = 0) -> dict:
    key = jax.random.key(seed)
    k1, k2, k3 = jax.random.split(key, 3)
    x = jax.random.randint(k1, (BATCH, MAXLEN), 0, VOCAB)
    token_table = jax.random.normal(k2, (VOCAB, DIM), dtype=jnp.float32)
    # padding_idx=0 -> embedding row 0 is zero-initialized in torch
    token_table = token_table.at[0].set(0.0)
    pos_table = jax.random.normal(k3, (MAXLEN, DIM), dtype=jnp.float32)
    return {"token_table": token_table, "pos_table": pos_table, "x": x}


def reference(token_table, pos_table, x):
    positions = jnp.arange(0, MAXLEN)
    pos = jnp.take(pos_table, positions, axis=0)          # [MAXLEN, DIM]
    tok = jnp.take(token_table, x, axis=0)                # [B, MAXLEN, DIM]
    return tok + pos[None, :, :]

if __name__ == "__main__":
    import jax
    _d = setup_inputs()
    print(jax.jit(kernel)(*tuple(_d.values())))

</pallas_src>

<mosaic_0001>
#map = affine_map<(d0, d1) -> (0, 0)>
#map1 = affine_map<(d0, d1) -> (0)>
#map2 = affine_map<(d0, d1) -> (0, 0, 0)>
module attributes {stable_mosaic.version = 14 : i64} {
  func.func @_body(%arg0: i32, %arg1: i32, %arg2: memref<1000000x32xf32, #tpu.memory_space<hbm>>, %arg3: memref<200x32xf32, #tpu.memory_space<hbm>>, %arg4: memref<204800xi32, #tpu.memory_space<hbm>>, %arg5: memref<1024x200x32xf32, #tpu.memory_space<hbm>>, %arg6: memref<6400xi32, #tpu.memory_space<vmem>>, %arg7: memref<200x32xf32, #tpu.memory_space<vmem>>, %arg8: memref<800x32xf32, #tpu.memory_space<vmem>>, %arg9: memref<800x32xf32, #tpu.memory_space<vmem>>, %arg10: memref<800x32xf32, #tpu.memory_space<vmem>>, %arg11: memref<800x32xf32, #tpu.memory_space<vmem>>, %arg12: memref<!tpu.dma_semaphore, #tpu.memory_space<semaphore_mem>>, %arg13: memref<!tpu.dma_semaphore, #tpu.memory_space<semaphore_mem>>, %arg14: memref<!tpu.dma_semaphore, #tpu.memory_space<semaphore_mem>>, %arg15: memref<!tpu.dma_semaphore, #tpu.memory_space<semaphore_mem>>, %arg16: memref<!tpu.dma_semaphore, #tpu.memory_space<semaphore_mem>>, %arg17: memref<!tpu.dma_semaphore, #tpu.memory_space<semaphore_mem>>, %arg18: memref<!tpu.dma_semaphore, #tpu.memory_space<semaphore_mem>>, %arg19: memref<!tpu.dma_semaphore, #tpu.memory_space<semaphore_mem>>) attributes {dimension_semantics = [#tpu.dimension_semantics<core_parallel>, #tpu.dimension_semantics<subcore_parallel>], iteration_bounds = array<i64: 2, 16>, scalar_prefetch = 0 : i64, scratch_operands = 14 : i64, tpu.core_type = #tpu.core_type<sc_vector_subcore>, window_params = [{transform_indices = #map}, {transform_indices = #map}, {transform_indices = #map1}, {transform_indices = #map2}]} {
    %mul3A = arith.constant 2 : i32
    %mul3A_0 = arith.muli %arg1, %mul3A : i32
    %add3A = arith.addi %mul3A_0, %arg0 : i32
    %mul3A_1 = arith.constant 6400 : i32
    %mul3A_2 = arith.muli %add3A, %mul3A_1 : i32
    "tpu.region"() ({
      %run_scoped3A = tpu.sem_alloc : memref<!tpu.dma_semaphore, #tpu.memory_space<semaphore_mem>>
      %dma_start3A_1128 = tpu.memref_slice %arg4[%mul3A_2] : memref<204800xi32, #tpu.memory_space<hbm>> -> memref<6400xi32, #tpu.memory_space<hbm>>
      %dma_start3A_1129 = tpu.memref_slice %arg4[%mul3A_2] : memref<204800xi32, #tpu.memory_space<hbm>> -> memref<6400xi32, #tpu.memory_space<hbm>>
      tpu.enqueue_dma source(%dma_start3A_1129 : memref<6400xi32, #tpu.memory_space<hbm>>) target(%arg6 : memref<6400xi32, #tpu.memory_space<vmem>>) target_semaphore(%run_scoped3A : memref<!tpu.dma_semaphore, #tpu.memory_space<semaphore_mem>>)
      %dma_wait3A_1130 = tpu.memref_slice %arg4[%mul3A_2] : memref<204800xi32, #tpu.memory_space<hbm>> -> memref<6400xi32, #tpu.memory_space<hbm>>
      %dma_wait3A_1131 = tpu.memref_slice %arg4[%mul3A_2] : memref<204800xi32, #tpu.memory_space<hbm>> -> memref<6400xi32, #tpu.memory_space<hbm>>
      tpu.wait_dma2 semaphore(%run_scoped3A : memref<!tpu.dma_semaphore, #tpu.memory_space<semaphore_mem>>) src(%dma_wait3A_1131 : memref<6400xi32, #tpu.memory_space<hbm>>) dst(%arg6 : memref<6400xi32, #tpu.memory_space<vmem>>)
      tpu.yield
    }) : () -> ()
    "tpu.region"() ({
      %run_scoped3A = tpu.sem_alloc : memref<!tpu.dma_semaphore, #tpu.memory_space<semaphore_mem>>
      tpu.enqueue_dma source(%arg3 : memref<200x32xf32, #tpu.memory_space<hbm>>) target(%arg7 : memref<200x32xf32, #tpu.memory_space<vmem>>) target_semaphore(%run_scoped3A : memref<!tpu.dma_semaphore, #tpu.memory_space<semaphore_mem>>)
      tpu.wait_dma2 semaphore(%run_scoped3A : memref<!tpu.dma_semaphore, #tpu.memory_space<semaphore_mem>>) src(%arg3 : memref<200x32xf32, #tpu.memory_space<hbm>>) dst(%arg7 : memref<200x32xf32, #tpu.memory_space<vmem>>)
      tpu.yield
    }) : () -> ()
    %dma_start3A = arith.constant 0 : i32
    %dma_start3A_3 = tpu.memref_slice %arg6[%dma_start3A] : memref<6400xi32, #tpu.memory_space<vmem>> -> memref<800xi32, #tpu.memory_space<vmem>>
    %dma_start3A_4 = arith.constant 0 : i32
    %dma_start3A_5 = arith.constant 0 : i32
    %dma_start3A_6 = tpu.memref_slice %arg2[%dma_start3A_4, %dma_start3A_5] : memref<1000000x32xf32, #tpu.memory_space<hbm>> -> memref<1000000x32xf32, #tpu.memory_space<hbm>>
    tpu.enqueue_indirect_dma source(%dma_start3A_6 : memref<1000000x32xf32, #tpu.memory_space<hbm>>) target(%arg8 : memref<800x32xf32, #tpu.memory_space<vmem>>) offsets(%dma_start3A_3 : memref<800xi32, #tpu.memory_space<vmem>>) semaphore(%arg12 : memref<!tpu.dma_semaphore, #tpu.memory_space<semaphore_mem>>)
    %dma_start3A_7 = arith.constant 800 : i32
    %dma_start3A_8 = tpu.memref_slice %arg6[%dma_start3A_7] : memref<6400xi32, #tpu.memory_space<vmem>> -> memref<800xi32, #tpu.memory_space<vmem>>
    %dma_start3A_9 = arith.constant 0 : i32
    %dma_start3A_10 = arith.constant 0 : i32
    %dma_start3A_11 = tpu.memref_slice %arg2[%dma_start3A_9, %dma_start3A_10] : memref<1000000x32xf32, #tpu.memory_space<hbm>> -> memref<1000000x32xf32, #tpu.memory_space<hbm>>
    tpu.enqueue_indirect_dma source(%dma_start3A_11 : memref<1000000x32xf32, #tpu.memory_space<hbm>>) target(%arg9 : memref<800x32xf32, #tpu.memory_space<vmem>>) offsets(%dma_start3A_8 : memref<800xi32, #tpu.memory_space<vmem>>) semaphore(%arg13 : memref<!tpu.dma_semaphore, #tpu.memory_space<semaphore_mem>>)
    %dma_wait3A = arith.constant 0 : i32
    %dma_wait3A_12 = tpu.memref_slice %arg6[%dma_wait3A] : memref<6400xi32, #tpu.memory_space<vmem>> -> memref<800xi32, #tpu.memory_space<vmem>>
    %dma_wait3A_13 = arith.constant 0 : i32
    %dma_wait3A_14 = arith.constant 0 : i32
    %dma_wait3A_15 = tpu.memref_slice %arg2[%dma_wait3A_13, %dma_wait3A_14] : memref<1000000x32xf32, #tpu.memory_space<hbm>> -> memref<1000000x32xf32, #tpu.memory_space<hbm>>
    tpu.wait_indirect_dma semaphore(%arg12 : memref<!tpu.dma_semaphore, #tpu.memory_space<semaphore_mem>>) src(%dma_wait3A_15 : memref<1000000x32xf32, #tpu.memory_space<hbm>>) dst(%arg8 : memref<800x32xf32, #tpu.memory_space<vmem>>)
    %dma_start3A_16 = arith.constant 1600 : i32
    %dma_start3A_17 = tpu.memref_slice %arg6[%dma_start3A_16] : memref<6400xi32, #tpu.memory_space<vmem>> -> memref<800xi32, #tpu.memory_space<vmem>>
    %dma_start3A_18 = arith.constant 0 : i32
    %dma_start3A_19 = arith.constant 0 : i32
    %dma_start3A_20 = tpu.memref_slice %arg2[%dma_start3A_18, %dma_start3A_19] : memref<1000000x32xf32, #tpu.memory_space<hbm>> -> memref<1000000x32xf32, #tpu.memory_space<hbm>>
    tpu.enqueue_indirect_dma source(%dma_start3A_20 : memref<1000000x32xf32, #tpu.memory_space<hbm>>) target(%arg10 : memref<800x32xf32, #tpu.memory_space<vmem>>) offsets(%dma_start3A_17 : memref<800xi32, #tpu.memory_space<vmem>>) semaphore(%arg14 : memref<!tpu.dma_semaphore, #tpu.memory_space<semaphore_mem>>)
    %scan3A = arith.constant 0 : i32
    %scan3A_21 = arith.constant 0 : i32
    %scan3A_22 = arith.constant 200 : i32
    %scan3A_23 = arith.addi %scan3A_21, %scan3A_22 : i32
    %scan3A_24 = arith.constant 1 : i32
    %scan3A_25 = scf.for %scan3A_1128 = %scan3A_21 to %scan3A_23 step %scan3A_24 iter_args(%scan3A_1129 = %scan3A) -> (i32)  : i32 {
      %get3A = arith.index_cast %scan3A_1128 : i32 to index
      %get3A_1130 = arith.constant 0 : index
      %get3A_1131 = tpu.vector_load %arg7[%get3A, %get3A_1130] {strides = array<i32>} : memref<200x32xf32, #tpu.memory_space<vmem>>, vector<1x16xf32>,
      %get3A_1132 = vector.shape_cast %get3A_1131 : vector<1x16xf32> to vector<16xf32>
      %add3A_1133 = arith.constant 0 : i32
      %add3A_1134 = arith.addi %add3A_1133, %scan3A_1128 : i32
      %get3A_1135 = arith.index_cast %add3A_1134 : i32 to index
      %get3A_1136 = arith.constant 0 : index
      %get3A_1137 = tpu.vector_load %arg8[%get3A_1135, %get3A_1136] {strides = array<i32>} : memref<800x32xf32, #tpu.memory_space<vmem>>, vector<1x16xf32>,
      %get3A_1138 = vector.shape_cast %get3A_1137 : vector<1x16xf32> to vector<16xf32>
      %add3A_1139 = arith.addf %get3A_1138, %get3A_1132 : vector<16xf32>
      %swap3A = arith.index_cast %add3A_1134 : i32 to index
      %swap3A_1140 = arith.constant 0 : index
      %swap3A_1141 = tpu.vector_load %arg8[%swap3A, %swap3A_1140] {strides = array<i32>} : memref<800x32xf32, #tpu.memory_space<vmem>>, vector<1x16xf32>,
      %swap3A_1142 = vector.shape_cast %swap3A_1141 : vector<1x16xf32> to vector<16xf32>
      %swap3A_1143 = vector.shape_cast %add3A_1139 : vector<16xf32> to vector<1x16xf32>
      tpu.vector_store %arg8[%swap3A, %swap3A_1140], %swap3A_1143 {strides = array<i32>} : memref<800x32xf32, #tpu.memory_space<vmem>>, vector<1x16xf32>,
      %add3A_1144 = arith.constant 200 : i32
      %add3A_1145 = arith.addi %add3A_1144, %scan3A_1128 : i32
      %get3A_1146 = arith.index_cast %add3A_1145 : i32 to index
      %get3A_1147 = arith.constant 0 : index
      %get3A_1148 = tpu.vector_load %arg8[%get3A_1146, %get3A_1147] {strides = array<i32>} : memref<800x32xf32, #tpu.memory_space<vmem>>, vector<1x16xf32>,
      %get3A_1149 = vector.shape_cast %get3A_1148 : vector<1x16xf32> to vector<16xf32>
      %add3A_1150 = arith.addf %get3A_1149, %get3A_1132 : vector<16xf32>
      %swap3A_1151 = arith.index_cast %add3A_1145 : i32 to index
      %swap3A_1152 = arith.constant 0 : index
      %swap3A_1153 = tpu.vector_load %arg8[%swap3A_1151, %swap3A_1152] {strides = array<i32>} : memref<800x32xf32, #tpu.memory_space<vmem>>, vector<1x16xf32>,
      %swap3A_1154 = vector.shape_cast %swap3A_1153 : vector<1x16xf32> to vector<16xf32>
      %swap3A_1155 = vector.shape_cast %add3A_1150 : vector<16xf32> to vector<1x16xf32>
      tpu.vector_store %arg8[%swap3A_1151, %swap3A_1152], %swap3A_1155 {strides = array<i32>} : memref<800x32xf32, #tpu.memory_space<vmem>>, vector<1x16xf32>,
      %add3A_1156 = arith.constant 400 : i32
      %add3A_1157 = arith.addi %add3A_1156, %scan3A_1128 : i32
      %get3A_1158 = arith.index_cast %add3A_1157 : i32 to index
      %get3A_1159 = arith.constant 0 : index
      %get3A_1160 = tpu.vector_load %arg8[%get3A_1158, %get3A_1159] {strides = array<i32>} : memref<800x32xf32, #tpu.memory_space<vmem>>, vector<1x16xf32>,
      %get3A_1161 = vector.shape_cast %get3A_1160 : vector<1x16xf32> to vector<16xf32>
      %add3A_1162 = arith.addf %get3A_1161, %get3A_1132 : vector<16xf32>
      %swap3A_1163 = arith.index_cast %add3A_1157 : i32 to index
      %swap3A_1164 = arith.constant 0 : index
      %swap3A_1165 = tpu.vector_load %arg8[%swap3A_1163, %swap3A_1164] {strides = array<i32>} : memref<800x32xf32, #tpu.memory_space<vmem>>, vector<1x16xf32>,
      %swap3A_1166 = vector.shape_cast %swap3A_1165 : vector<1x16xf32> to vector<16xf32>
      %swap3A_1167 = vector.shape_cast %add3A_1162 : vector<16xf32> to vector<1x16xf32>
      tpu.vector_store %arg8[%swap3A_1163, %swap3A_1164], %swap3A_1167 {strides = array<i32>} : memref<800x32xf32, #tpu.memory_space<vmem>>, vector<1x16xf32>,
      %add3A_1168 = arith.constant 600 : i32
      %add3A_1169 = arith.addi %add3A_1168, %scan3A_1128 : i32
      %get3A_1170 = arith.index_cast %add3A_1169 : i32 to index
      %get3A_1171 = arith.constant 0 : index
      %get3A_1172 = tpu.vector_load %arg8[%get3A_1170, %get3A_1171] {strides = array<i32>} : memref<800x32xf32, #tpu.memory_space<vmem>>, vector<1x16xf32>,
      %get3A_1173 = vector.shape_cast %get3A_1172 : vector<1x16xf32> to vector<16xf32>
      %add3A_1174 = arith.addf %get3A_1173, %get3A_1132 : vector<16xf32>
      %swap3A_1175 = arith.index_cast %add3A_1169 : i32 to index
      %swap3A_1176 = arith.constant 0 : index
      %swap3A_1177 = tpu.vector_load %arg8[%swap3A_1175, %swap3A_1176] {strides = array<i32>} : memref<800x32xf32, #tpu.memory_space<vmem>>, vector<1x16xf32>,
      %swap3A_1178 = vector.shape_cast %swap3A_1177 : vector<1x16xf32> to vector<16xf32>
      %swap3A_1179 = vector.shape_cast %add3A_1174 : vector<16xf32> to vector<1x16xf32>
      tpu.vector_store %arg8[%swap3A_1175, %swap3A_1176], %swap3A_1179 {strides = array<i32>} : memref<800x32xf32, #tpu.memory_space<vmem>>, vector<1x16xf32>,
      %get3A_1180 = arith.index_cast %scan3A_1128 : i32 to index
      %get3A_1181 = arith.constant 16 : index
      %get3A_1182 = tpu.vector_load %arg7[%get3A_1180, %get3A_1181] {strides = array<i32>} : memref<200x32xf32, #tpu.memory_space<vmem>>, vector<1x16xf32>,
      %get3A_1183 = vector.shape_cast %get3A_1182 : vector<1x16xf32> to vector<16xf32>
      %add3A_1184 = arith.constant 0 : i32
      %add3A_1185 = arith.addi %add3A_1184, %scan3A_1128 : i32
      %get3A_1186 = arith.index_cast %add3A_1185 : i32 to index
      %get3A_1187 = arith.constant 16 : index
      %get3A_1188 = tpu.vector_load %arg8[%get3A_1186, %get3A_1187] {strides = array<i32>} : memref<800x32xf32, #tpu.memory_space<vmem>>, vector<1x16xf32>,
      %get3A_1189 = vector.shape_cast %get3A_1188 : vector<1x16xf32> to vector<16xf32>
      %add3A_1190 = arith.addf %get3A_1189, %get3A_1183 : vector<16xf32>
      %swap3A_1191 = arith.index_cast %add3A_1185 : i32 to index
      %swap3A_1192 = arith.constant 16 : index
      %swap3A_1193 = tpu.vector_load %arg8[%swap3A_1191, %swap3A_1192] {strides = array<i32>} : memref<800x32xf32, #tpu.memory_space<vmem>>, vector<1x16xf32>,
      %swap3A_1194 = vector.shape_cast %swap3A_1193 : vector<1x16xf32> to vector<16xf32>
      %swap3A_1195 = vector.shape_cast %add3A_1190 : vector<16xf32> to vector<1x16xf32>
      tpu.vector_store %arg8[%swap3A_1191, %swap3A_1192], %swap3A_1195 {strides = array<i32>} : memref<800x32xf32, #tpu.memory_space<vmem>>, vector<1x16xf32>,
      %add3A_1196 = arith.constant 200 : i32
      %add3A_1197 = arith.addi %add3A_1196, %scan3A_1128 : i32
      %get3A_1198 = arith.index_cast %add3A_1197 : i32 to index
      %get3A_1199 = arith.constant 16 : index
      %get3A_1200 = tpu.vector_load %arg8[%get3A_1198, %get3A_1199] {strides = array<i32>} : memref<800x32xf32, #tpu.memory_space<vmem>>, vector<1x16xf32>,
      %get3A_1201 = vector.shape_cast %get3A_1200 : vector<1x16xf32> to vector<16xf32>
      %add3A_1202 = arith.addf %get3A_1201, %get3A_1183 : vector<16xf32>
      %swap3A_1203 = arith.index_cast %add3A_1197 : i32 to index
      %swap3A_1204 = arith.constant 16 : index
      %swap3A_1205 = tpu.vector_load %arg8[%swap3A_1203, %swap3A_1204] {strides = array<i32>} : memref<800x32xf32, #tpu.memory_space<vmem>>, vector<1x16xf32>,
      %swap3A_1206 = vector.shape_cast %swap3A_1205 : vector<1x16xf32> to vector<16xf32>
      %swap3A_1207 = vector.shape_cast %add3A_1202 : vector<16xf32> to vector<1x16xf32>
      tpu.vector_store %arg8[%swap3A_1203, %swap3A_1204], %swap3A_1207 {strides = array<i32>} : memref<800x32xf32, #tpu.memory_space<vmem>>, vector<1x16xf32>,
      %add3A_1208 = arith.constant 400 : i32
      %add3A_1209 = arith.addi %add3A_1208, %scan3A_1128 : i32
      %get3A_1210 = arith.index_cast %add3A_1209 : i32 to index
      %get3A_1211 = arith.constant 16 : index
      %get3A_1212 = tpu.vector_load %arg8[%get3A_1210, %get3A_1211] {strides = array<i32>} : memref<800x32xf32, #tpu.memory_space<vmem>>, vector<1x16xf32>,
      %get3A_1213 = vector.shape_cast %get3A_1212 : vector<1x16xf32> to vector<16xf32>
      %add3A_1214 = arith.addf %get3A_1213, %get3A_1183 : vector<16xf32>
      %swap3A_1215 = arith.index_cast %add3A_1209 : i32 to index
      %swap3A_1216 = arith.constant 16 : index
      %swap3A_1217 = tpu.vector_load %arg8[%swap3A_1215, %swap3A_1216] {strides = array<i32>} : memref<800x32xf32, #tpu.memory_space<vmem>>, vector<1x16xf32>,
      %swap3A_1218 = vector.shape_cast %swap3A_1217 : vector<1x16xf32> to vector<16xf32>
      %swap3A_1219 = vector.shape_cast %add3A_1214 : vector<16xf32> to vector<1x16xf32>
      tpu.vector_store %arg8[%swap3A_1215, %swap3A_1216], %swap3A_1219 {strides = array<i32>} : memref<800x32xf32, #tpu.memory_space<vmem>>, vector<1x16xf32>,
      %add3A_1220 = arith.constant 600 : i32
      %add3A_1221 = arith.addi %add3A_1220, %scan3A_1128 : i32
      %get3A_1222 = arith.index_cast %add3A_1221 : i32 to index
      %get3A_1223 = arith.constant 16 : index
      %get3A_1224 = tpu.vector_load %arg8[%get3A_1222, %get3A_1223] {strides = array<i32>} : memref<800x32xf32, #tpu.memory_space<vmem>>, vector<1x16xf32>,
      %get3A_1225 = vector.shape_cast %get3A_1224 : vector<1x16xf32> to vector<16xf32>
      %add3A_1226 = arith.addf %get3A_1225, %get3A_1183 : vector<16xf32>
      %swap3A_1227 = arith.index_cast %add3A_1221 : i32 to index
      %swap3A_1228 = arith.constant 16 : index
      %swap3A_1229 = tpu.vector_load %arg8[%swap3A_1227, %swap3A_1228] {strides = array<i32>} : memref<800x32xf32, #tpu.memory_space<vmem>>, vector<1x16xf32>,
      %swap3A_1230 = vector.shape_cast %swap3A_1229 : vector<1x16xf32> to vector<16xf32>
      %swap3A_1231 = vector.shape_cast %add3A_1226 : vector<16xf32> to vector<1x16xf32>
      tpu.vector_store %arg8[%swap3A_1227, %swap3A_1228], %swap3A_1231 {strides = array<i32>} : memref<800x32xf32, #tpu.memory_space<vmem>>, vector<1x16xf32>,
      %scan3A_1232 = arith.constant 0 : i32
      scf.yield %scan3A_1232 : i32
    }
    %scan3A_26 = arith.constant 200 : i32
    %mul3A_27 = arith.constant 32 : i32
    %mul3A_28 = arith.muli %add3A, %mul3A_27 : i32
    %add3A_29 = arith.constant 0 : i32
    %add3A_30 = arith.addi %mul3A_28, %add3A_29 : i32
    %add3A_31 = arith.constant 0 : i32
    %add3A_32 = arith.addi %add3A_30, %add3A_31 : i32
    %dma_start3A_33 = arith.constant 0 : i32
    %dma_start3A_34 = arith.constant 0 : i32
    %dma_start3A_35 = tpu.memref_slice %arg8[%dma_start3A_33, %dma_start3A_34] : memref<800x32xf32, #tpu.memory_space<vmem>> -> memref<200x32xf32, #tpu.memory_space<vmem>>
    %dma_start3A_36 = arith.constant 0 : i32
    %dma_start3A_37 = arith.constant 0 : i32
    %dma_start3A_38 = tpu.memref_slice %arg5[%add3A_32, %dma_start3A_36, %dma_start3A_37] : memref<1024x200x32xf32, #tpu.memory_space<hbm>> -> memref<1x200x32xf32, #tpu.memory_space<hbm>>
    %dma_start3A_39 = tpu.memref_squeeze %dma_start3A_38 : memref<1x200x32xf32, #tpu.memory_space<hbm>> -> memref<200x32xf32, #tpu.memory_space<hbm>>
    %dma_start3A_40 = arith.constant 0 : i32
    %dma_start3A_41 = arith.constant 0 : i32
    %dma_start3A_42 = tpu.memref_slice %arg5[%add3A_32, %dma_start3A_40, %dma_start3A_41] : memref<1024x200x32xf32, #tpu.memory_space<hbm>> -> memref<1x200x32xf32, #tpu.memory_space<hbm>>
    %dma_start3A_43 = tpu.memref_squeeze %dma_start3A_42 : memref<1x200x32xf32, #tpu.memory_space<hbm>> -> memref<200x32xf32, #tpu.memory_space<hbm>>
    %dma_start3A_44 = arith.constant 0 : i32
    %dma_start3A_45 = arith.constant 0 : i32
    %dma_start3A_46 = tpu.memref_slice %arg8[%dma_start3A_44, %dma_start3A_45] : memref<800x32xf32, #tpu.memory_space<vmem>> -> memref<200x32xf32, #tpu.memory_space<vmem>>
    tpu.enqueue_dma source(%dma_start3A_46 : memref<200x32xf32, #tpu.memory_space<vmem>>) target(%dma_start3A_43 : memref<200x32xf32, #tpu.memory_space<hbm>>) target_semaphore(%arg16 : memref<!tpu.dma_semaphore, #tpu.memory_space<semaphore_mem>>)
    %add3A_47 = arith.constant 1 : i32
    %add3A_48 = arith.addi %add3A_30, %add3A_47 : i32
    %dma_start3A_49 = arith.constant 200 : i32
    %dma_start3A_50 = arith.constant 0 : i32
    %dma_start3A_51 = tpu.memref_slice %arg8[%dma_start3A_49, %dma_start3A_50] : memref<800x32xf32, #tpu.memory_space<vmem>> -> memref<200x32xf32, #tpu.memory_space<vmem>>
    %dma_start3A_52 = arith.constant 0 : i32
    %dma_start3A_53 = arith.constant 0 : i32
    %dma_start3A_54 = tpu.memref_slice %arg5[%add3A_48, %dma_start3A_52, %dma_start3A_53] : memref<1024x200x32xf32, #tpu.memory_space<hbm>> -> memref<1x200x32xf32, #tpu.memory_space<hbm>>
    %dma_start3A_55 = tpu.memref_squeeze %dma_start3A_54 : memref<1x200x32xf32, #tpu.memory_space<hbm>> -> memref<200x32xf32, #tpu.memory_space<hbm>>
    %dma_start3A_56 = arith.constant 0 : i32
    %dma_start3A_57 = arith.constant 0 : i32
    %dma_start3A_58 = tpu.memref_slice %arg5[%add3A_48, %dma_start3A_56, %dma_start3A_57] : memref<1024x200x32xf32, #tpu.memory_space<hbm>> -> memref<1x200x32xf32, #tpu.memory_space<hbm>>
    %dma_start3A_59 = tpu.memref_squeeze %dma_start3A_58 : memref<1x200x32xf32, #tpu.memory_space<hbm>> -> memref<200x32xf32, #tpu.memory_space<hbm>>
    %dma_start3A_60 = arith.constant 200 : i32
    %dma_start3A_61 = arith.constant 0 : i32
    %dma_start3A_62 = tpu.memref_slice %arg8[%dma_start3A_60, %dma_start3A_61] : memref<800x32xf32, #tpu.memory_space<vmem>> -> memref<200x32xf32, #tpu.memory_space<vmem>>
    tpu.enqueue_dma source(%dma_start3A_62 : memref<200x32xf32, #tpu.memory_space<vmem>>) target(%dma_start3A_59 : memref<200x32xf32, #tpu.memory_space<hbm>>) target_semaphore(%arg16 : memref<!tpu.dma_semaphore, #tpu.memory_space<semaphore_mem>>)
    %add3A_63 = arith.constant 2 : i32
    %add3A_64 = arith.addi %add3A_30, %add3A_63 : i32
    %dma_start3A_65 = arith.constant 400 : i32
    %dma_start3A_66 = arith.constant 0 : i32
    %dma_start3A_67 = tpu.memref_slice %arg8[%dma_start3A_65, %dma_start3A_66] : memref<800x32xf32, #tpu.memory_space<vmem>> -> memref<200x32xf32, #tpu.memory_space<vmem>>
    %dma_start3A_68 = arith.constant 0 : i32
    %dma_start3A_69 = arith.constant 0 : i32
    %dma_start3A_70 = tpu.memref_slice %arg5[%add3A_64, %dma_start3A_68, %dma_start3A_69] : memref<1024x200x32xf32, #tpu.memory_space<hbm>> -> memref<1x200x32xf32, #tpu.memory_space<hbm>>
    %dma_start3A_71 = tpu.memref_squeeze %dma_start3A_70 : memref<1x200x32xf32, #tpu.memory_space<hbm>> -> memref<200x32xf32, #tpu.memory_space<hbm>>
    %dma_start3A_72 = arith.constant 0 : i32
    %dma_start3A_73 = arith.constant 0 : i32
    %dma_start3A_74 = tpu.memref_slice %arg5[%add3A_64, %dma_start3A_72, %dma_start3A_73] : memref<1024x200x32xf32, #tpu.memory_space<hbm>> -> memref<1x200x32xf32, #tpu.memory_space<hbm>>
    %dma_start3A_75 = tpu.memref_squeeze %dma_start3A_74 : memref<1x200x32xf32, #tpu.memory_space<hbm>> -> memref<200x32xf32, #tpu.memory_space<hbm>>
    %dma_start3A_76 = arith.constant 400 : i32
    %dma_start3A_77 = arith.constant 0 : i32
    %dma_start3A_78 = tpu.memref_slice %arg8[%dma_start3A_76, %dma_start3A_77] : memref<800x32xf32, #tpu.memory_space<vmem>> -> memref<200x32xf32, #tpu.memory_space<vmem>>
    tpu.enqueue_dma source(%dma_start3A_78 : memref<200x32xf32, #tpu.memory_space<vmem>>) target(%dma_start3A_75 : memref<200x32xf32, #tpu.memory_space<hbm>>) target_semaphore(%arg16 : memref<!tpu.dma_semaphore, #tpu.memory_space<semaphore_mem>>)
    %add3A_79 = arith.constant 3 : i32
    %add3A_80 = arith.addi %add3A_30, %add3A_79 : i32
    %dma_start3A_81 = arith.constant 600 : i32
    %dma_start3A_82 = arith.constant 0 : i32
    %dma_start3A_83 = tpu.memref_slice %arg8[%dma_start3A_81, %dma_start3A_82] : memref<800x32xf32, #tpu.memory_space<vmem>> -> memref<200x32xf32, #tpu.memory_space<vmem>>
    %dma_start3A_84 = arith.constant 0 : i32
    %dma_start3A_85 = arith.constant 0 : i32
    %dma_start3A_86 = tpu.memref_slice %arg5[%add3A_80, %dma_start3A_84, %dma_start3A_85] : memref<1024x200x32xf32, #tpu.memory_space<hbm>> -> memref<1x200x32xf32, #tpu.memory_space<hbm>>
    %dma_start3A_87 = tpu.memref_squeeze %dma_start3A_86 : memref<1x200x32xf32, #tpu.memory_space<hbm>> -> memref<200x32xf32, #tpu.memory_space<hbm>>
    %dma_start3A_88 = arith.constant 0 : i32
    %dma_start3A_89 = arith.constant 0 : i32
    %dma_start3A_90 = tpu.memref_slice %arg5[%add3A_80, %dma_start3A_88, %dma_start3A_89] : memref<1024x200x32xf32, #tpu.memory_space<hbm>> -> memref<1x200x32xf32, #tpu.memory_space<hbm>>
    %dma_start3A_91 = tpu.memref_squeeze %dma_start3A_90 : memref<1x200x32xf32, #tpu.memory_space<hbm>> -> memref<200x32xf32, #tpu.memory_space<hbm>>
    %dma_start3A_92 = arith.constant 600 : i32
    %dma_start3A_93 = arith.constant 0 : i32
    %dma_start3A_94 = tpu.memref_slice %arg8[%dma_start3A_92, %dma_start3A_93] : memref<800x32xf32, #tpu.memory_space<vmem>> -> memref<200x32xf32, #tpu.memory_space<vmem>>
    tpu.enqueue_dma source(%dma_start3A_94 : memref<200x32xf32, #tpu.memory_space<vmem>>) target(%dma_start3A_91 : memref<200x32xf32, #tpu.memory_space<hbm>>) target_semaphore(%arg16 : memref<!tpu.dma_semaphore, #tpu.memory_space<semaphore_mem>>)
    %dma_wait3A_95 = arith.constant 800 : i32
    %dma_wait3A_96 = tpu.memref_slice %arg6[%dma_wait3A_95] : memref<6400xi32, #tpu.memory_space<vmem>> -> memref<800xi32, #tpu.memory_space<vmem>>
    %dma_wait3A_97 = arith.constant 0 : i32
    %dma_wait3A_98 = arith.constant 0 : i32
    %dma_wait3A_99 = tpu.memref_slice %arg2[%dma_wait3A_97, %dma_wait3A_98] : memref<1000000x32xf32, #tpu.memory_space<hbm>> -> memref<1000000x32xf32, #tpu.memory_space<hbm>>
    tpu.wait_indirect_dma semaphore(%arg13 : memref<!tpu.dma_semaphore, #tpu.memory_space<semaphore_mem>>) src(%dma_wait3A_99 : memref<1000000x32xf32, #tpu.memory_space<hbm>>) dst(%arg9 : memref<800x32xf32, #tpu.memory_space<vmem>>)
    %dma_start3A_100 = arith.constant 2400 : i32
    %dma_start3A_101 = tpu.memref_slice %arg6[%dma_start3A_100] : memref<6400xi32, #tpu.memory_space<vmem>> -> memref<800xi32, #tpu.memory_space<vmem>>
    %dma_start3A_102 = arith.constant 0 : i32
    %dma_start3A_103 = arith.constant 0 : i32
    %dma_start3A_104 = tpu.memref_slice %arg2[%dma_start3A_102, %dma_start3A_103] : memref<1000000x32xf32, #tpu.memory_space<hbm>> -> memref<1000000x32xf32, #tpu.memory_space<hbm>>
    tpu.enqueue_indirect_dma source(%dma_start3A_104 : memref<1000000x32xf32, #tpu.memory_space<hbm>>) target(%arg11 : memref<800x32xf32, #tpu.memory_space<vmem>>) offsets(%dma_start3A_101 : memref<800xi32, #tpu.memory_space<vmem>>) semaphore(%arg15 : memref<!tpu.dma_semaphore, #tpu.memory_space<semaphore_mem>>)
    %scan3A_105 = arith.constant 0 : i32
    %scan3A_106 = arith.constant 0 : i32
    %scan3A_107 = arith.constant 200 : i32
    %scan3A_108 = arith.addi %scan3A_106, %scan3A_107 : i32
    %scan3A_109 = arith.constant 1 : i32
    %scan3A_110 = scf.for %scan3A_1128 = %scan3A_106 to %scan3A_108 step %scan3A_109 iter_args(%scan3A_1129 = %scan3A_105) -> (i32)  : i32 {
      %get3A = arith.index_cast %scan3A_1128 : i32 to index
      %get3A_1130 = arith.constant 0 : index
      %get3A_1131 = tpu.vector_load %arg7[%get3A, %get3A_1130] {strides = array<i32>} : memref<200x32xf32, #tpu.memory_space<vmem>>, vector<1x16xf32>,
      %get3A_1132 = vector.shape_cast %get3A_1131 : vector<1x16xf32> to vector<16xf32>
      %add3A_1133 = arith.constant 0 : i32
      %add3A_1134 = arith.addi %add3A_1133, %scan3A_1128 : i32
      %get3A_1135 = arith.index_cast %add3A_1134 : i32 to index
      %get3A_1136 = arith.constant 0 : index
      %get3A_1137 = tpu.vector_load %arg9[%get3A_1135, %get3A_1136] {strides = array<i32>} : memref<800x32xf32, #tpu.memory_space<vmem>>, vector<1x16xf32>,
      %get3A_1138 = vector.shape_cast %get3A_1137 : vector<1x16xf32> to vector<16xf32>
      %add3A_1139 = arith.addf %get3A_1138, %get3A_1132 : vector<16xf32>
      %swap3A = arith.index_cast %add3A_1134 : i32 to index
      %swap3A_1140 = arith.constant 0 : index
      %swap3A_1141 = tpu.vector_load %arg9[%swap3A, %swap3A_1140] {strides = array<i32>} : memref<800x32xf32, #tpu.memory_space<vmem>>, vector<1x16xf32>,
      %swap3A_1142 = vector.shape_cast %swap3A_1141 : vector<1x16xf32> to vector<16xf32>
      %swap3A_1143 = vector.shape_cast %add3A_1139 : vector<16xf32> to vector<1x16xf32>
      tpu.vector_store %arg9[%swap3A, %swap3A_1140], %swap3A_1143 {strides = array<i32>} : memref<800x32xf32, #tpu.memory_space<vmem>>, vector<1x16xf32>,
      %add3A_1144 = arith.constant 200 : i32
      %add3A_1145 = arith.addi %add3A_1144, %scan3A_1128 : i32
      %get3A_1146 = arith.index_cast %add3A_1145 : i32 to index
      %get3A_1147 = arith.constant 0 : index
      %get3A_1148 = tpu.vector_load %arg9[%get3A_1146, %get3A_1147] {strides = array<i32>} : memref<800x32xf32, #tpu.memory_space<vmem>>, vector<1x16xf32>,
      %get3A_1149 = vector.shape_cast %get3A_1148 : vector<1x16xf32> to vector<16xf32>
      %add3A_1150 = arith.addf %get3A_1149, %get3A_1132 : vector<16xf32>
      %swap3A_1151 = arith.index_cast %add3A_1145 : i32 to index
      %swap3A_1152 = arith.constant 0 : index
      %swap3A_1153 = tpu.vector_load %arg9[%swap3A_1151, %swap3A_1152] {strides = array<i32>} : memref<800x32xf32, #tpu.memory_space<vmem>>, vector<1x16xf32>,
      %swap3A_1154 = vector.shape_cast %swap3A_1153 : vector<1x16xf32> to vector<16xf32>
      %swap3A_1155 = vector.shape_cast %add3A_1150 : vector<16xf32> to vector<1x16xf32>
      tpu.vector_store %arg9[%swap3A_1151, %swap3A_1152], %swap3A_1155 {strides = array<i32>} : memref<800x32xf32, #tpu.memory_space<vmem>>, vector<1x16xf32>,
      %add3A_1156 = arith.constant 400 : i32
      %add3A_1157 = arith.addi %add3A_1156, %scan3A_1128 : i32
      %get3A_1158 = arith.index_cast %add3A_1157 : i32 to index
      %get3A_1159 = arith.constant 0 : index
      %get3A_1160 = tpu.vector_load %arg9[%get3A_1158, %get3A_1159] {strides = array<i32>} : memref<800x32xf32, #tpu.memory_space<vmem>>, vector<1x16xf32>,
      %get3A_1161 = vector.shape_cast %get3A_1160 : vector<1x16xf32> to vector<16xf32>
      %add3A_1162 = arith.addf %get3A_1161, %get3A_1132 : vector<16xf32>
      %swap3A_1163 = arith.index_cast %add3A_1157 : i32 to index
      %swap3A_1164 = arith.constant 0 : index
      %swap3A_1165 = tpu.vector_load %arg9[%swap3A_1163, %swap3A_1164] {strides = array<i32>} : memref<800x32xf32, #tpu.memory_space<vmem>>, vector<1x16xf32>,
      %swap3A_1166 = vector.shape_cast %swap3A_1165 : vector<1x16xf32> to vector<16xf32>
      %swap3A_1167 = vector.shape_cast %add3A_1162 : vector<16xf32> to vector<1x16xf32>
      tpu.vector_store %arg9[%swap3A_1163, %swap3A_1164], %swap3A_1167 {strides = array<i32>} : memref<800x32xf32, #tpu.memory_space<vmem>>, vector<1x16xf32>,
      %add3A_1168 = arith.constant 600 : i32
      %add3A_1169 = arith.addi %add3A_1168, %scan3A_1128 : i32
      %get3A_1170 = arith.index_cast %add3A_1169 : i32 to index
      %get3A_1171 = arith.constant 0 : index
      %get3A_1172 = tpu.vector_load %arg9[%get3A_1170, %get3A_1171] {strides = array<i32>} : memref<800x32xf32, #tpu.memory_space<vmem>>, vector<1x16xf32>,
      %get3A_1173 = vector.shape_cast %get3A_1172 : vector<1x16xf32> to vector<16xf32>
      %add3A_1174 = arith.addf %get3A_1173, %get3A_1132 : vector<16xf32>
      %swap3A_1175 = arith.index_cast %add3A_1169 : i32 to index
      %swap3A_1176 = arith.constant 0 : index
      %swap3A_1177 = tpu.vector_load %arg9[%swap3A_1175, %swap3A_1176] {strides = array<i32>} : memref<800x32xf32, #tpu.memory_space<vmem>>, vector<1x16xf32>,
      %swap3A_1178 = vector.shape_cast %swap3A_1177 : vector<1x16xf32> to vector<16xf32>
      %swap3A_1179 = vector.shape_cast %add3A_1174 : vector<16xf32> to vector<1x16xf32>
      tpu.vector_store %arg9[%swap3A_1175, %swap3A_1176], %swap3A_1179 {strides = array<i32>} : memref<800x32xf32, #tpu.memory_space<vmem>>, vector<1x16xf32>,
      %get3A_1180 = arith.index_cast %scan3A_1128 : i32 to index
      %get3A_1181 = arith.constant 16 : index
      %get3A_1182 = tpu.vector_load %arg7[%get3A_1180, %get3A_1181] {strides = array<i32>} : memref<200x32xf32, #tpu.memory_space<vmem>>, vector<1x16xf32>,
      %get3A_1183 = vector.shape_cast %get3A_1182 : vector<1x16xf32> to vector<16xf32>
      %add3A_1184 = arith.constant 0 : i32
      %add3A_1185 = arith.addi %add3A_1184, %scan3A_1128 : i32
      %get3A_1186 = arith.index_cast %add3A_1185 : i32 to index
      %get3A_1187 = arith.constant 16 : index
      %get3A_1188 = tpu.vector_load %arg9[%get3A_1186, %get3A_1187] {strides = array<i32>} : memref<800x32xf32, #tpu.memory_space<vmem>>, vector<1x16xf32>,
      %get3A_1189 = vector.shape_cast %get3A_1188 : vector<1x16xf32> to vector<16xf32>
      %add3A_1190 = arith.addf %get3A_1189, %get3A_1183 : vector<16xf32>
      %swap3A_1191 = arith.index_cast %add3A_1185 : i32 to index
      %swap3A_1192 = arith.constant 16 : index
      %swap3A_1193 = tpu.vector_load %arg9[%swap3A_1191, %swap3A_1192] {strides = array<i32>} : memref<800x32xf32, #tpu.memory_space<vmem>>, vector<1x16xf32>,
      %swap3A_1194 = vector.shape_cast %swap3A_1193 : vector<1x16xf32> to vector<16xf32>
      %swap3A_1195 = vector.shape_cast %add3A_1190 : vector<16xf32> to vector<1x16xf32>
      tpu.vector_store %arg9[%swap3A_1191, %swap3A_1192], %swap3A_1195 {strides = array<i32>} : memref<800x32xf32, #tpu.memory_space<vmem>>, vector<1x16xf32>,
      %add3A_1196 = arith.constant 200 : i32
      %add3A_1197 = arith.addi %add3A_1196, %scan3A_1128 : i32
      %get3A_1198 = arith.index_cast %add3A_1197 : i32 to index
      %get3A_1199 = arith.constant 16 : index
      %get3A_1200 = tpu.vector_load %arg9[%get3A_1198, %get3A_1199] {strides = array<i32>} : memref<800x32xf32, #tpu.memory_space<vmem>>, vector<1x16xf32>,
      %get3A_1201 = vector.shape_cast %get3A_1200 : vector<1x16xf32> to vector<16xf32>
      %add3A_1202 = arith.addf %get3A_1201, %get3A_1183 : vector<16xf32>
      %swap3A_1203 = arith.index_cast %add3A_1197 : i32 to index
      %swap3A_1204 = arith.constant 16 : index
      %swap3A_1205 = tpu.vector_load %arg9[%swap3A_1203, %swap3A_1204] {strides = array<i32>} : memref<800x32xf32, #tpu.memory_space<vmem>>, vector<1x16xf32>,
      %swap3A_1206 = vector.shape_cast %swap3A_1205 : vector<1x16xf32> to vector<16xf32>
      %swap3A_1207 = vector.shape_cast %add3A_1202 : vector<16xf32> to vector<1x16xf32>
      tpu.vector_store %arg9[%swap3A_1203, %swap3A_1204], %swap3A_1207 {strides = array<i32>} : memref<800x32xf32, #tpu.memory_space<vmem>>, vector<1x16xf32>,
      %add3A_1208 = arith.constant 400 : i32
      %add3A_1209 = arith.addi %add3A_1208, %scan3A_1128 : i32
      %get3A_1210 = arith.index_cast %add3A_1209 : i32 to index
      %get3A_1211 = arith.constant 16 : index
      %get3A_1212 = tpu.vector_load %arg9[%get3A_1210, %get3A_1211] {strides = array<i32>} : memref<800x32xf32, #tpu.memory_space<vmem>>, vector<1x16xf32>,
      %get3A_1213 = vector.shape_cast %get3A_1212 : vector<1x16xf32> to vector<16xf32>
      %add3A_1214 = arith.addf %get3A_1213, %get3A_1183 : vector<16xf32>
      %swap3A_1215 = arith.index_cast %add3A_1209 : i32 to index
      %swap3A_1216 = arith.constant 16 : index
      %swap3A_1217 = tpu.vector_load %arg9[%swap3A_1215, %swap3A_1216] {strides = array<i32>} : memref<800x32xf32, #tpu.memory_space<vmem>>, vector<1x16xf32>,
      %swap3A_1218 = vector.shape_cast %swap3A_1217 : vector<1x16xf32> to vector<16xf32>
      %swap3A_1219 = vector.shape_cast %add3A_1214 : vector<16xf32> to vector<1x16xf32>
      tpu.vector_store %arg9[%swap3A_1215, %swap3A_1216], %swap3A_1219 {strides = array<i32>} : memref<800x32xf32, #tpu.memory_space<vmem>>, vector<1x16xf32>,
      %add3A_1220 = arith.constant 600 : i32
      %add3A_1221 = arith.addi %add3A_1220, %scan3A_1128 : i32
      %get3A_1222 = arith.index_cast %add3A_1221 : i32 to index
      %get3A_1223 = arith.constant 16 : index
      %get3A_1224 = tpu.vector_load %arg9[%get3A_1222, %get3A_1223] {strides = array<i32>} : memref<800x32xf32, #tpu.memory_space<vmem>>, vector<1x16xf32>,
      %get3A_1225 = vector.shape_cast %get3A_1224 : vector<1x16xf32> to vector<16xf32>
      %add3A_1226 = arith.addf %get3A_1225, %get3A_1183 : vector<16xf32>
      %swap3A_1227 = arith.index_cast %add3A_1221 : i32 to index
      %swap3A_1228 = arith.constant 16 : index
      %swap3A_1229 = tpu.vector_load %arg9[%swap3A_1227, %swap3A_1228] {strides = array<i32>} : memref<800x32xf32, #tpu.memory_space<vmem>>, vector<1x16xf32>,
      %swap3A_1230 = vector.shape_cast %swap3A_1229 : vector<1x16xf32> to vector<16xf32>
      %swap3A_1231 = vector.shape_cast %add3A_1226 : vector<16xf32> to vector<1x16xf32>
      tpu.vector_store %arg9[%swap3A_1227, %swap3A_1228], %swap3A_1231 {strides = array<i32>} : memref<800x32xf32, #tpu.memory_space<vmem>>, vector<1x16xf32>,
      %scan3A_1232 = arith.constant 0 : i32
      scf.yield %scan3A_1232 : i32
    }
    %scan3A_111 = arith.constant 200 : i32
    %mul3A_112 = arith.constant 32 : i32
    %mul3A_113 = arith.muli %add3A, %mul3A_112 : i32
    %add3A_114 = arith.constant 4 : i32
    %add3A_115 = arith.addi %mul3A_113, %add3A_114 : i32
    %add3A_116 = arith.constant 0 : i32
    %add3A_117 = arith.addi %add3A_115, %add3A_116 : i32
    %dma_start3A_118 = arith.constant 0 : i32
    %dma_start3A_119 = arith.constant 0 : i32
    %dma_start3A_120 = tpu.memref_slice %arg9[%dma_start3A_118, %dma_start3A_119] : memref<800x32xf32, #tpu.memory_space<vmem>> -> memref<200x32xf32, #tpu.memory_space<vmem>>
    %dma_start3A_121 = arith.constant 0 : i32
    %dma_start3A_122 = arith.constant 0 : i32
    %dma_start3A_123 = tpu.memref_slice %arg5[%add3A_117, %dma_start3A_121, %dma_start3A_122] : memref<1024x200x32xf32, #tpu.memory_space<hbm>> -> memref<1x200x32xf32, #tpu.memory_space<hbm>>
    %dma_start3A_124 = tpu.memref_squeeze %dma_start3A_123 : memref<1x200x32xf32, #tpu.memory_space<hbm>> -> memref<200x32xf32, #tpu.memory_space<hbm>>
    %dma_start3A_125 = arith.constant 0 : i32
    %dma_start3A_126 = arith.constant 0 : i32
    %dma_start3A_127 = tpu.memref_slice %arg5[%add3A_117, %dma_start3A_125, %dma_start3A_126] : memref<1024x200x32xf32, #tpu.memory_space<hbm>> -> memref<1x200x32xf32, #tpu.memory_space<hbm>>
    %dma_start3A_128 = tpu.memref_squeeze %dma_start3A_127 : memref<1x200x32xf32, #tpu.memory_space<hbm>> -> memref<200x32xf32, #tpu.memory_space<hbm>>
    %dma_start3A_129 = arith.constant 0 : i32
    %dma_start3A_130 = arith.constant 0 : i32
    %dma_start3A_131 = tpu.memref_slice %arg9[%dma_start3A_129, %dma_start3A_130] : memref<800x32xf32, #tpu.memory_space<vmem>> -> memref<200x32xf32, #tpu.memory_space<vmem>>
    tpu.enqueue_dma source(%dma_start3A_131 : memref<200x32xf32, #tpu.memory_space<vmem>>) target(%dma_start3A_128 : memref<200x32xf32, #tpu.memory_space<hbm>>) target_semaphore(%arg17 : memref<!tpu.dma_semaphore, #tpu.memory_space<semaphore_mem>>)
    %add3A_132 = arith.constant 1 : i32
    %add3A_133 = arith.addi %add3A_115, %add3A_132 : i32
    %dma_start3A_134 = arith.constant 200 : i32
    %dma_start3A_135 = arith.constant 0 : i32
    %dma_start3A_136 = tpu.memref_slice %arg9[%dma_start3A_134, %dma_start3A_135] : memref<800x32xf32, #tpu.memory_space<vmem>> -> memref<200x32xf32, #tpu.memory_space<vmem>>
    %dma_start3A_137 = arith.constant 0 : i32
    %dma_start3A_138 = arith.constant 0 : i32
    %dma_start3A_139 = tpu.memref_slice %arg5[%add3A_133, %dma_start3A_137, %dma_start3A_138] : memref<1024x200x32xf32, #tpu.memory_space<hbm>> -> memref<1x200x32xf32, #tpu.memory_space<hbm>>
    %dma_start3A_140 = tpu.memref_squeeze %dma_start3A_139 : memref<1x200x32xf32, #tpu.memory_space<hbm>> -> memref<200x32xf32, #tpu.memory_space<hbm>>
    %dma_start3A_141 = arith.constant 0 : i32
    %dma_start3A_142 = arith.constant 0 : i32
    %dma_start3A_143 = tpu.memref_slice %arg5[%add3A_133, %dma_start3A_141, %dma_start3A_142] : memref<1024x200x32xf32, #tpu.memory_space<hbm>> -> memref<1x200x32xf32, #tpu.memory_space<hbm>>
    %dma_start3A_144 = tpu.memref_squeeze %dma_start3A_143 : memref<1x200x32xf32, #tpu.memory_space<hbm>> -> memref<200x32xf32, #tpu.memory_space<hbm>>
    %dma_start3A_145 = arith.constant 200 : i32
    %dma_start3A_146 = arith.constant 0 : i32
    %dma_start3A_147 = tpu.memref_slice %arg9[%dma_start3A_145, %dma_start3A_146] : memref<800x32xf32, #tpu.memory_space<vmem>> -> memref<200x32xf32, #tpu.memory_space<vmem>>
    tpu.enqueue_dma source(%dma_start3A_147 : memref<200x32xf32, #tpu.memory_space<vmem>>) target(%dma_start3A_144 : memref<200x32xf32, #tpu.memory_space<hbm>>) target_semaphore(%arg17 : memref<!tpu.dma_semaphore, #tpu.memory_space<semaphore_mem>>)
    %add3A_148 = arith.constant 2 : i32
    %add3A_149 = arith.addi %add3A_115, %add3A_148 : i32
    %dma_start3A_150 = arith.constant 400 : i32
    %dma_start3A_151 = arith.constant 0 : i32
    %dma_start3A_152 = tpu.memref_slice %arg9[%dma_start3A_150, %dma_start3A_151] : memref<800x32xf32, #tpu.memory_space<vmem>> -> memref<200x32xf32, #tpu.memory_space<vmem>>
    %dma_start3A_153 = arith.constant 0 : i32
    %dma_start3A_154 = arith.constant 0 : i32
    %dma_start3A_155 = tpu.memref_slice %arg5[%add3A_149, %dma_start3A_153, %dma_start3A_154] : memref<1024x200x32xf32, #tpu.memory_space<hbm>> -> memref<1x200x32xf32, #tpu.memory_space<hbm>>
    %dma_start3A_156 = tpu.memref_squeeze %dma_start3A_155 : memref<1x200x32xf32, #tpu.memory_space<hbm>> -> memref<200x32xf32, #tpu.memory_space<hbm>>
    %dma_start3A_157 = arith.constant 0 : i32
    %dma_start3A_158 = arith.constant 0 : i32
    %dma_start3A_159 = tpu.memref_slice %arg5[%add3A_149, %dma_start3A_157, %dma_start3A_158] : memref<1024x200x32xf32, #tpu.memory_space<hbm>> -> memref<1x200x32xf32, #tpu.memory_space<hbm>>
    %dma_start3A_160 = tpu.memref_squeeze %dma_start3A_159 : memref<1x200x32xf32, #tpu.memory_space<hbm>> -> memref<200x32xf32, #tpu.memory_space<hbm>>
    %dma_start3A_161 = arith.constant 400 : i32
    %dma_start3A_162 = arith.constant 0 : i32
    %dma_start3A_163 = tpu.memref_slice %arg9[%dma_start3A_161, %dma_start3A_162] : memref<800x32xf32, #tpu.memory_space<vmem>> -> memref<200x32xf32, #tpu.memory_space<vmem>>
    tpu.enqueue_dma source(%dma_start3A_163 : memref<200x32xf32, #tpu.memory_space<vmem>>) target(%dma_start3A_160 : memref<200x32xf32, #tpu.memory_space<hbm>>) target_semaphore(%arg17 : memref<!tpu.dma_semaphore, #tpu.memory_space<semaphore_mem>>)
    %add3A_164 = arith.constant 3 : i32
    %add3A_165 = arith.addi %add3A_115, %add3A_164 : i32
    %dma_start3A_166 = arith.constant 600 : i32
    %dma_start3A_167 = arith.constant 0 : i32
    %dma_start3A_168 = tpu.memref_slice %arg9[%dma_start3A_166, %dma_start3A_167] : memref<800x32xf32, #tpu.memory_space<vmem>> -> memref<200x32xf32, #tpu.memory_space<vmem>>
    %dma_start3A_169 = arith.constant 0 : i32
    %dma_start3A_170 = arith.constant 0 : i32
    %dma_start3A_171 = tpu.memref_slice %arg5[%add3A_165, %dma_start3A_169, %dma_start3A_170] : memref<1024x200x32xf32, #tpu.memory_space<hbm>> -> memref<1x200x32xf32, #tpu.memory_space<hbm>>
    %dma_start3A_172 = tpu.memref_squeeze %dma_start3A_171 : memref<1x200x32xf32, #tpu.memory_space<hbm>> -> memref<200x32xf32, #tpu.memory_space<hbm>>
    %dma_start3A_173 = arith.constant 0 : i32
    %dma_start3A_174 = arith.constant 0 : i32
    %dma_start3A_175 = tpu.memref_slice %arg5[%add3A_165, %dma_start3A_173, %dma_start3A_174] : memref<1024x200x32xf32, #tpu.memory_space<hbm>> -> memref<1x200x32xf32, #tpu.memory_space<hbm>>
    %dma_start3A_176 = tpu.memref_squeeze %dma_start3A_175 : memref<1x200x32xf32, #tpu.memory_space<hbm>> -> memref<200x32xf32, #tpu.memory_space<hbm>>
    %dma_start3A_177 = arith.constant 600 : i32
    %dma_start3A_178 = arith.constant 0 : i32
    %dma_start3A_179 = tpu.memref_slice %arg9[%dma_start3A_177, %dma_start3A_178] : memref<800x32xf32, #tpu.memory_space<vmem>> -> memref<200x32xf32, #tpu.memory_space<vmem>>
    tpu.enqueue_dma source(%dma_start3A_179 : memref<200x32xf32, #tpu.memory_space<vmem>>) target(%dma_start3A_176 : memref<200x32xf32, #tpu.memory_space<hbm>>) target_semaphore(%arg17 : memref<!tpu.dma_semaphore, #tpu.memory_space<semaphore_mem>>)
    %dma_wait3A_180 = arith.constant 1600 : i32
    %dma_wait3A_181 = tpu.memref_slice %arg6[%dma_wait3A_180] : memref<6400xi32, #tpu.memory_space<vmem>> -> memref<800xi32, #tpu.memory_space<vmem>>
    %dma_wait3A_182 = arith.constant 0 : i32
    %dma_wait3A_183 = arith.constant 0 : i32
    %dma_wait3A_184 = tpu.memref_slice %arg2[%dma_wait3A_182, %dma_wait3A_183] : memref<1000000x32xf32, #tpu.memory_space<hbm>> -> memref<1000000x32xf32, #tpu.memory_space<hbm>>
    tpu.wait_indirect_dma semaphore(%arg14 : memref<!tpu.dma_semaphore, #tpu.memory_space<semaphore_mem>>) src(%dma_wait3A_184 : memref<1000000x32xf32, #tpu.memory_space<hbm>>) dst(%arg10 : memref<800x32xf32, #tpu.memory_space<vmem>>)
    %dma_wait3A_185 = arith.constant 0 : i32
    %dma_wait3A_186 = arith.constant 0 : i32
    %dma_wait3A_187 = tpu.memref_slice %arg8[%dma_wait3A_185, %dma_wait3A_186] : memref<800x32xf32, #tpu.memory_space<vmem>> -> memref<200x32xf32, #tpu.memory_space<vmem>>
    %dma_wait3A_188 = arith.constant 0 : i32
    %dma_wait3A_189 = arith.constant 0 : i32
    %dma_wait3A_190 = tpu.memref_slice %arg5[%add3A_32, %dma_wait3A_188, %dma_wait3A_189] : memref<1024x200x32xf32, #tpu.memory_space<hbm>> -> memref<1x200x32xf32, #tpu.memory_space<hbm>>
    %dma_wait3A_191 = tpu.memref_squeeze %dma_wait3A_190 : memref<1x200x32xf32, #tpu.memory_space<hbm>> -> memref<200x32xf32, #tpu.memory_space<hbm>>
    %dma_wait3A_192 = arith.constant 0 : i32
    %dma_wait3A_193 = arith.constant 0 : i32
    %dma_wait3A_194 = tpu.memref_slice %arg5[%add3A_32, %dma_wait3A_192, %dma_wait3A_193] : memref<1024x200x32xf32, #tpu.memory_space<hbm>> -> memref<1x200x32xf32, #tpu.memory_space<hbm>>
    %dma_wait3A_195 = tpu.memref_squeeze %dma_wait3A_194 : memref<1x200x32xf32, #tpu.memory_space<hbm>> -> memref<200x32xf32, #tpu.memory_space<hbm>>
    %dma_wait3A_196 = arith.constant 0 : i32
    %dma_wait3A_197 = arith.constant 0 : i32
    %dma_wait3A_198 = tpu.memref_slice %arg8[%dma_wait3A_196, %dma_wait3A_197] : memref<800x32xf32, #tpu.memory_space<vmem>> -> memref<200x32xf32, #tpu.memory_space<vmem>>
    tpu.wait_dma2 semaphore(%arg16 : memref<!tpu.dma_semaphore, #tpu.memory_space<semaphore_mem>>) src(%dma_wait3A_198 : memref<200x32xf32, #tpu.memory_space<vmem>>) dst(%dma_wait3A_195 : memref<200x32xf32, #tpu.memory_space<hbm>>)
    %dma_wait3A_199 = arith.constant 200 : i32
    %dma_wait3A_200 = arith.constant 0 : i32
    %dma_wait3A_201 = tpu.memref_slice %arg8[%dma_wait3A_199, %dma_wait3A_200] : memref<800x32xf32, #tpu.memory_space<vmem>> -> memref<200x32xf32, #tpu.memory_space<vmem>>
    %dma_wait3A_202 = arith.constant 0 : i32
    %dma_wait3A_203 = arith.constant 0 : i32
    %dma_wait3A_204 = tpu.memref_slice %arg5[%add3A_48, %dma_wait3A_202, %dma_wait3A_203] : memref<1024x200x32xf32, #tpu.memory_space<hbm>> -> memref<1x200x32xf32, #tpu.memory_space<hbm>>
    %dma_wait3A_205 = tpu.memref_squeeze %dma_wait3A_204 : memref<1x200x32xf32, #tpu.memory_space<hbm>> -> memref<200x32xf32, #tpu.memory_space<hbm>>
    %dma_wait3A_206 = arith.constant 0 : i32
    %dma_wait3A_207 = arith.constant 0 : i32
    %dma_wait3A_208 = tpu.memref_slice %arg5[%add3A_48, %dma_wait3A_206, %dma_wait3A_207] : memref<1024x200x32xf32, #tpu.memory_space<hbm>> -> memref<1x200x32xf32, #tpu.memory_space<hbm>>
    %dma_wait3A_209 = tpu.memref_squeeze %dma_wait3A_208 : memref<1x200x32xf32, #tpu.memory_space<hbm>> -> memref<200x32xf32, #tpu.memory_space<hbm>>
    %dma_wait3A_210 = arith.constant 200 : i32
    %dma_wait3A_211 = arith.constant 0 : i32
    %dma_wait3A_212 = tpu.memref_slice %arg8[%dma_wait3A_210, %dma_wait3A_211] : memref<800x32xf32, #tpu.memory_space<vmem>> -> memref<200x32xf32, #tpu.memory_space<vmem>>
    tpu.wait_dma2 semaphore(%arg16 : memref<!tpu.dma_semaphore, #tpu.memory_space<semaphore_mem>>) src(%dma_wait3A_212 : memref<200x32xf32, #tpu.memory_space<vmem>>) dst(%dma_wait3A_209 : memref<200x32xf32, #tpu.memory_space<hbm>>)
    %dma_wait3A_213 = arith.constant 400 : i32
    %dma_wait3A_214 = arith.constant 0 : i32
    %dma_wait3A_215 = tpu.memref_slice %arg8[%dma_wait3A_213, %dma_wait3A_214] : memref<800x32xf32, #tpu.memory_space<vmem>> -> memref<200x32xf32, #tpu.memory_space<vmem>>
    %dma_wait3A_216 = arith.constant 0 : i32
    %dma_wait3A_217 = arith.constant 0 : i32
    %dma_wait3A_218 = tpu.memref_slice %arg5[%add3A_64, %dma_wait3A_216, %dma_wait3A_217] : memref<1024x200x32xf32, #tpu.memory_space<hbm>> -> memref<1x200x32xf32, #tpu.memory_space<hbm>>
    %dma_wait3A_219 = tpu.memref_squeeze %dma_wait3A_218 : memref<1x200x32xf32, #tpu.memory_space<hbm>> -> memref<200x32xf32, #tpu.memory_space<hbm>>
    %dma_wait3A_220 = arith.constant 0 : i32
    %dma_wait3A_221 = arith.constant 0 : i32
    %dma_wait3A_222 = tpu.memref_slice %arg5[%add3A_64, %dma_wait3A_220, %dma_wait3A_221] : memref<1024x200x32xf32, #tpu.memory_space<hbm>> -> memref<1x200x32xf32, #tpu.memory_space<hbm>>
    %dma_wait3A_223 = tpu.memref_squeeze %dma_wait3A_222 : memref<1x200x32xf32, #tpu.memory_space<hbm>> -> memref<200x32xf32, #tpu.memory_space<hbm>>
    %dma_wait3A_224 = arith.constant 400 : i32
    %dma_wait3A_225 = arith.constant 0 : i32
    %dma_wait3A_226 = tpu.memref_slice %arg8[%dma_wait3A_224, %dma_wait3A_225] : memref<800x32xf32, #tpu.memory_space<vmem>> -> memref<200x32xf32, #tpu.memory_space<vmem>>
    tpu.wait_dma2 semaphore(%arg16 : memref<!tpu.dma_semaphore, #tpu.memory_space<semaphore_mem>>) src(%dma_wait3A_226 : memref<200x32xf32, #tpu.memory_space<vmem>>) dst(%dma_wait3A_223 : memref<200x32xf32, #tpu.memory_space<hbm>>)
    %dma_wait3A_227 = arith.constant 600 : i32
    %dma_wait3A_228 = arith.constant 0 : i32
    %dma_wait3A_229 = tpu.memref_slice %arg8[%dma_wait3A_227, %dma_wait3A_228] : memref<800x32xf32, #tpu.memory_space<vmem>> -> memref<200x32xf32, #tpu.memory_space<vmem>>
    %dma_wait3A_230 = arith.constant 0 : i32
    %dma_wait3A_231 = arith.constant 0 : i32
    %dma_wait3A_232 = tpu.memref_slice %arg5[%add3A_80, %dma_wait3A_230, %dma_wait3A_231] : memref<1024x200x32xf32, #tpu.memory_space<hbm>> -> memref<1x200x32xf32, #tpu.memory_space<hbm>>
    %dma_wait3A_233 = tpu.memref_squeeze %dma_wait3A_232 : memref<1x200x32xf32, #tpu.memory_space<hbm>> -> memref<200x32xf32, #tpu.memory_space<hbm>>
    %dma_wait3A_234 = arith.constant 0 : i32
    %dma_wait3A_235 = arith.constant 0 : i32
    %dma_wait3A_236 = tpu.memref_slice %arg5[%add3A_80, %dma_wait3A_234, %dma_wait3A_235] : memref<1024x200x32xf32, #tpu.memory_space<hbm>> -> memref<1x200x32xf32, #tpu.memory_space<hbm>>
    %dma_wait3A_237 = tpu.memref_squeeze %dma_wait3A_236 : memref<1x200x32xf32, #tpu.memory_space<hbm>> -> memref<200x32xf32, #tpu.memory_space<hbm>>
    %dma_wait3A_238 = arith.constant 600 : i32
    %dma_wait3A_239 = arith.constant 0 : i32
    %dma_wait3A_240 = tpu.memref_slice %arg8[%dma_wait3A_238, %dma_wait3A_239] : memref<800x32xf32, #tpu.memory_space<vmem>> -> memref<200x32xf32, #tpu.memory_space<vmem>>
    tpu.wait_dma2 semaphore(%arg16 : memref<!tpu.dma_semaphore, #tpu.memory_space<semaphore_mem>>) src(%dma_wait3A_240 : memref<200x32xf32, #tpu.memory_space<vmem>>) dst(%dma_wait3A_237 : memref<200x32xf32, #tpu.memory_space<hbm>>)
    %dma_start3A_241 = arith.constant 3200 : i32
    %dma_start3A_242 = tpu.memref_slice %arg6[%dma_start3A_241] : memref<6400xi32, #tpu.memory_space<vmem>> -> memref<800xi32, #tpu.memory_space<vmem>>
    %dma_start3A_243 = arith.constant 0 : i32
    %dma_start3A_244 = arith.constant 0 : i32
    %dma_start3A_245 = tpu.memref_slice %arg2[%dma_start3A_243, %dma_start3A_244] : memref<1000000x32xf32, #tpu.memory_space<hbm>> -> memref<1000000x32xf32, #tpu.memory_space<hbm>>
    tpu.enqueue_indirect_dma source(%dma_start3A_245 : memref<1000000x32xf32, #tpu.memory_space<hbm>>) target(%arg8 : memref<800x32xf32, #tpu.memory_space<vmem>>) offsets(%dma_start3A_242 : memref<800xi32, #tpu.memory_space<vmem>>) semaphore(%arg12 : memref<!tpu.dma_semaphore, #tpu.memory_space<semaphore_mem>>)
    %scan3A_246 = arith.constant 0 : i32
    %scan3A_247 = arith.constant 0 : i32
    %scan3A_248 = arith.constant 200 : i32
    %scan3A_249 = arith.addi %scan3A_247, %scan3A_248 : i32
    %scan3A_250 = arith.constant 1 : i32
    %scan3A_251 = scf.for %scan3A_1128 = %scan3A_247 to %scan3A_249 step %scan3A_250 iter_args(%scan3A_1129 = %scan3A_246) -> (i32)  : i32 {
      %get3A = arith.index_cast %scan3A_1128 : i32 to index
      %get3A_1130 = arith.constant 0 : index
      %get3A_1131 = tpu.vector_load %arg7[%get3A, %get3A_1130] {strides = array<i32>} : memref<200x32xf32, #tpu.memory_space<vmem>>, vector<1x16xf32>,
      %get3A_1132 = vector.shape_cast %get3A_1131 : vector<1x16xf32> to vector<16xf32>
      %add3A_1133 = arith.constant 0 : i32
      %add3A_1134 = arith.addi %add3A_1133, %scan3A_1128 : i32
      %get3A_1135 = arith.index_cast %add3A_1134 : i32 to index
      %get3A_1136 = arith.constant 0 : index
      %get3A_1137 = tpu.vector_load %arg10[%get3A_1135, %get3A_1136] {strides = array<i32>} : memref<800x32xf32, #tpu.memory_space<vmem>>, vector<1x16xf32>,
      %get3A_1138 = vector.shape_cast %get3A_1137 : vector<1x16xf32> to vector<16xf32>
      %add3A_1139 = arith.addf %get3A_1138, %get3A_1132 : vector<16xf32>
      %swap3A = arith.index_cast %add3A_1134 : i32 to index
      %swap3A_1140 = arith.constant 0 : index
      %swap3A_1141 = tpu.vector_load %arg10[%swap3A, %swap3A_1140] {strides = array<i32>} : memref<800x32xf32, #tpu.memory_space<vmem>>, vector<1x16xf32>,
      %swap3A_1142 = vector.shape_cast %swap3A_1141 : vector<1x16xf32> to vector<16xf32>
      %swap3A_1143 = vector.shape_cast %add3A_1139 : vector<16xf32> to vector<1x16xf32>
      tpu.vector_store %arg10[%swap3A, %swap3A_1140], %swap3A_1143 {strides = array<i32>} : memref<800x32xf32, #tpu.memory_space<vmem>>, vector<1x16xf32>,
      %add3A_1144 = arith.constant 200 : i32
      %add3A_1145 = arith.addi %add3A_1144, %scan3A_1128 : i32
      %get3A_1146 = arith.index_cast %add3A_1145 : i32 to index
      %get3A_1147 = arith.constant 0 : index
      %get3A_1148 = tpu.vector_load %arg10[%get3A_1146, %get3A_1147] {strides = array<i32>} : memref<800x32xf32, #tpu.memory_space<vmem>>, vector<1x16xf32>,
      %get3A_1149 = vector.shape_cast %get3A_1148 : vector<1x16xf32> to vector<16xf32>
      %add3A_1150 = arith.addf %get3A_1149, %get3A_1132 : vector<16xf32>
      %swap3A_1151 = arith.index_cast %add3A_1145 : i32 to index
      %swap3A_1152 = arith.constant 0 : index
      %swap3A_1153 = tpu.vector_load %arg10[%swap3A_1151, %swap3A_1152] {strides = array<i32>} : memref<800x32xf32, #tpu.memory_space<vmem>>, vector<1x16xf32>,
      %swap3A_1154 = vector.shape_cast %swap3A_1153 : vector<1x16xf32> to vector<16xf32>
      %swap3A_1155 = vector.shape_cast %add3A_1150 : vector<16xf32> to vector<1x16xf32>
      tpu.vector_store %arg10[%swap3A_1151, %swap3A_1152], %swap3A_1155 {strides = array<i32>} : memref<800x32xf32, #tpu.memory_space<vmem>>, vector<1x16xf32>,
      %add3A_1156 = arith.constant 400 : i32
      %add3A_1157 = arith.addi %add3A_1156, %scan3A_1128 : i32
      %get3A_1158 = arith.index_cast %add3A_1157 : i32 to index
      %get3A_1159 = arith.constant 0 : index
      %get3A_1160 = tpu.vector_load %arg10[%get3A_1158, %get3A_1159] {strides = array<i32>} : memref<800x32xf32, #tpu.memory_space<vmem>>, vector<1x16xf32>,
      %get3A_1161 = vector.shape_cast %get3A_1160 : vector<1x16xf32> to vector<16xf32>
      %add3A_1162 = arith.addf %get3A_1161, %get3A_1132 : vector<16xf32>
      %swap3A_1163 = arith.index_cast %add3A_1157 : i32 to index
      %swap3A_1164 = arith.constant 0 : index
      %swap3A_1165 = tpu.vector_load %arg10[%swap3A_1163, %swap3A_1164] {strides = array<i32>} : memref<800x32xf32, #tpu.memory_space<vmem>>, vector<1x16xf32>,
      %swap3A_1166 = vector.shape_cast %swap3A_1165 : vector<1x16xf32> to vector<16xf32>
      %swap3A_1167 = vector.shape_cast %add3A_1162 : vector<16xf32> to vector<1x16xf32>
      tpu.vector_store %arg10[%swap3A_1163, %swap3A_1164], %swap3A_1167 {strides = array<i32>} : memref<800x32xf32, #tpu.memory_space<vmem>>, vector<1x16xf32>,
      %add3A_1168 = arith.constant 600 : i32
      %add3A_1169 = arith.addi %add3A_1168, %scan3A_1128 : i32
      %get3A_1170 = arith.index_cast %add3A_1169 : i32 to index
      %get3A_1171 = arith.constant 0 : index
      %get3A_1172 = tpu.vector_load %arg10[%get3A_1170, %get3A_1171] {strides = array<i32>} : memref<800x32xf32, #tpu.memory_space<vmem>>, vector<1x16xf32>,
      %get3A_1173 = vector.shape_cast %get3A_1172 : vector<1x16xf32> to vector<16xf32>
      %add3A_1174 = arith.addf %get3A_1173, %get3A_1132 : vector<16xf32>
      %swap3A_1175 = arith.index_cast %add3A_1169 : i32 to index
      %swap3A_1176 = arith.constant 0 : index
      %swap3A_1177 = tpu.vector_load %arg10[%swap3A_1175, %swap3A_1176] {strides = array<i32>} : memref<800x32xf32, #tpu.memory_space<vmem>>, vector<1x16xf32>,
      %swap3A_1178 = vector.shape_cast %swap3A_1177 : vector<1x16xf32> to vector<16xf32>
      %swap3A_1179 = vector.shape_cast %add3A_1174 : vector<16xf32> to vector<1x16xf32>
      tpu.vector_store %arg10[%swap3A_1175, %swap3A_1176], %swap3A_1179 {strides = array<i32>} : memref<800x32xf32, #tpu.memory_space<vmem>>, vector<1x16xf32>,
      %get3A_1180 = arith.index_cast %scan3A_1128 : i32 to index
      %get3A_1181 = arith.constant 16 : index
      %get3A_1182 = tpu.vector_load %arg7[%get3A_1180, %get3A_1181] {strides = array<i32>} : memref<200x32xf32, #tpu.memory_space<vmem>>, vector<1x16xf32>,
      %get3A_1183 = vector.shape_cast %get3A_1182 : vector<1x16xf32> to vector<16xf32>
      %add3A_1184 = arith.constant 0 : i32
      %add3A_1185 = arith.addi %add3A_1184, %scan3A_1128 : i32
      %get3A_1186 = arith.index_cast %add3A_1185 : i32 to index
      %get3A_1187 = arith.constant 16 : index
      %get3A_1188 = tpu.vector_load %arg10[%get3A_1186, %get3A_1187] {strides = array<i32>} : memref<800x32xf32, #tpu.memory_space<vmem>>, vector<1x16xf32>,
      %get3A_1189 = vector.shape_cast %get3A_1188 : vector<1x16xf32> to vector<16xf32>
      %add3A_1190 = arith.addf %get3A_1189, %get3A_1183 : vector<16xf32>
      %swap3A_1191 = arith.index_cast %add3A_1185 : i32 to index
      %swap3A_1192 = arith.constant 16 : index
      %swap3A_1193 = tpu.vector_load %arg10[%swap3A_1191, %swap3A_1192] {strides = array<i32>} : memref<800x32xf32, #tpu.memory_space<vmem>>, vector<1x16xf32>,
      %swap3A_1194 = vector.shape_cast %swap3A_1193 : vector<1x16xf32> to vector<16xf32>
      %swap3A_1195 = vector.shape_cast %add3A_1190 : vector<16xf32> to vector<1x16xf32>
      tpu.vector_store %arg10[%swap3A_1191, %swap3A_1192], %swap3A_1195 {strides = array<i32>} : memref<800x32xf32, #tpu.memory_space<vmem>>, vector<1x16xf32>,
      %add3A_1196 = arith.constant 200 : i32
      %add3A_1197 = arith.addi %add3A_1196, %scan3A_1128 : i32
      %get3A_1198 = arith.index_cast %add3A_1197 : i32 to index
      %get3A_1199 = arith.constant 16 : index
      %get3A_1200 = tpu.vector_load %arg10[%get3A_1198, %get3A_1199] {strides = array<i32>} : memref<800x32xf32, #tpu.memory_space<vmem>>, vector<1x16xf32>,
      %get3A_1201 = vector.shape_cast %get3A_1200 : vector<1x16xf32> to vector<16xf32>
      %add3A_1202 = arith.addf %get3A_1201, %get3A_1183 : vector<16xf32>
      %swap3A_1203 = arith.index_cast %add3A_1197 : i32 to index
      %swap3A_1204 = arith.constant 16 : index
      %swap3A_1205 = tpu.vector_load %arg10[%swap3A_1203, %swap3A_1204] {strides = array<i32>} : memref<800x32xf32, #tpu.memory_space<vmem>>, vector<1x16xf32>,
      %swap3A_1206 = vector.shape_cast %swap3A_1205 : vector<1x16xf32> to vector<16xf32>
      %swap3A_1207 = vector.shape_cast %add3A_1202 : vector<16xf32> to vector<1x16xf32>
      tpu.vector_store %arg10[%swap3A_1203, %swap3A_1204], %swap3A_1207 {strides = array<i32>} : memref<800x32xf32, #tpu.memory_space<vmem>>, vector<1x16xf32>,
      %add3A_1208 = arith.constant 400 : i32
      %add3A_1209 = arith.addi %add3A_1208, %scan3A_1128 : i32
      %get3A_1210 = arith.index_cast %add3A_1209 : i32 to index
      %get3A_1211 = arith.constant 16 : index
      %get3A_1212 = tpu.vector_load %arg10[%get3A_1210, %get3A_1211] {strides = array<i32>} : memref<800x32xf32, #tpu.memory_space<vmem>>, vector<1x16xf32>,
      %get3A_1213 = vector.shape_cast %get3A_1212 : vector<1x16xf32> to vector<16xf32>
      %add3A_1214 = arith.addf %get3A_1213, %get3A_1183 : vector<16xf32>
      %swap3A_1215 = arith.index_cast %add3A_1209 : i32 to index
      %swap3A_1216 = arith.constant 16 : index
      %swap3A_1217 = tpu.vector_load %arg10[%swap3A_1215, %swap3A_1216] {strides = array<i32>} : memref<800x32xf32, #tpu.memory_space<vmem>>, vector<1x16xf32>,
      %swap3A_1218 = vector.shape_cast %swap3A_1217 : vector<1x16xf32> to vector<16xf32>
      %swap3A_1219 = vector.shape_cast %add3A_1214 : vector<16xf32> to vector<1x16xf32>
      tpu.vector_store %arg10[%swap3A_1215, %swap3A_1216], %swap3A_1219 {strides = array<i32>} : memref<800x32xf32, #tpu.memory_space<vmem>>, vector<1x16xf32>,
      %add3A_1220 = arith.constant 600 : i32
      %add3A_1221 = arith.addi %add3A_1220, %scan3A_1128 : i32
      %get3A_1222 = arith.index_cast %add3A_1221 : i32 to index
      %get3A_1223 = arith.constant 16 : index
      %get3A_1224 = tpu.vector_load %arg10[%get3A_1222, %get3A_1223] {strides = array<i32>} : memref<800x32xf32, #tpu.memory_space<vmem>>, vector<1x16xf32>,
      %get3A_1225 = vector.shape_cast %get3A_1224 : vector<1x16xf32> to vector<16xf32>
      %add3A_1226 = arith.addf %get3A_1225, %get3A_1183 : vector<16xf32>
      %swap3A_1227 = arith.index_cast %add3A_1221 : i32 to index
      %swap3A_1228 = arith.constant 16 : index
      %swap3A_1229 = tpu.vector_load %arg10[%swap3A_1227, %swap3A_1228] {strides = array<i32>} : memref<800x32xf32, #tpu.memory_space<vmem>>, vector<1x16xf32>,
      %swap3A_1230 = vector.shape_cast %swap3A_1229 : vector<1x16xf32> to vector<16xf32>
      %swap3A_1231 = vector.shape_cast %add3A_1226 : vector<16xf32> to vector<1x16xf32>
      tpu.vector_store %arg10[%swap3A_1227, %swap3A_1228], %swap3A_1231 {strides = array<i32>} : memref<800x32xf32, #tpu.memory_space<vmem>>, vector<1x16xf32>,
      %scan3A_1232 = arith.constant 0 : i32
      scf.yield %scan3A_1232 : i32
    }
    %scan3A_252 = arith.constant 200 : i32
    %mul3A_253 = arith.constant 32 : i32
    %mul3A_254 = arith.muli %add3A, %mul3A_253 : i32
    %add3A_255 = arith.constant 8 : i32
    %add3A_256 = arith.addi %mul3A_254, %add3A_255 : i32
    %add3A_257 = arith.constant 0 : i32
    %add3A_258 = arith.addi %add3A_256, %add3A_257 : i32
    %dma_start3A_259 = arith.constant 0 : i32
    %dma_start3A_260 = arith.constant 0 : i32
    %dma_start3A_261 = tpu.memref_slice %arg10[%dma_start3A_259, %dma_start3A_260] : memref<800x32xf32, #tpu.memory_space<vmem>> -> memref<200x32xf32, #tpu.memory_space<vmem>>
    %dma_start3A_262 = arith.constant 0 : i32
    %dma_start3A_263 = arith.constant 0 : i32
    %dma_start3A_264 = tpu.memref_slice %arg5[%add3A_258, %dma_start3A_262, %dma_start3A_263] : memref<1024x200x32xf32, #tpu.memory_space<hbm>> -> memref<1x200x32xf32, #tpu.memory_space<hbm>>
    %dma_start3A_265 = tpu.memref_squeeze %dma_start3A_264 : memref<1x200x32xf32, #tpu.memory_space<hbm>> -> memref<200x32xf32, #tpu.memory_space<hbm>>
    %dma_start3A_266 = arith.constant 0 : i32
    %dma_start3A_267 = arith.constant 0 : i32
    %dma_start3A_268 = tpu.memref_slice %arg5[%add3A_258, %dma_start3A_266, %dma_start3A_267] : memref<1024x200x32xf32, #tpu.memory_space<hbm>> -> memref<1x200x32xf32, #tpu.memory_space<hbm>>
    %dma_start3A_269 = tpu.memref_squeeze %dma_start3A_268 : memref<1x200x32xf32, #tpu.memory_space<hbm>> -> memref<200x32xf32, #tpu.memory_space<hbm>>
    %dma_start3A_270 = arith.constant 0 : i32
    %dma_start3A_271 = arith.constant 0 : i32
    %dma_start3A_272 = tpu.memref_slice %arg10[%dma_start3A_270, %dma_start3A_271] : memref<800x32xf32, #tpu.memory_space<vmem>> -> memref<200x32xf32, #tpu.memory_space<vmem>>
    tpu.enqueue_dma source(%dma_start3A_272 : memref<200x32xf32, #tpu.memory_space<vmem>>) target(%dma_start3A_269 : memref<200x32xf32, #tpu.memory_space<hbm>>) target_semaphore(%arg18 : memref<!tpu.dma_semaphore, #tpu.memory_space<semaphore_mem>>)
    %add3A_273 = arith.constant 1 : i32
    %add3A_274 = arith.addi %add3A_256, %add3A_273 : i32
    %dma_start3A_275 = arith.constant 200 : i32
    %dma_start3A_276 = arith.constant 0 : i32
    %dma_start3A_277 = tpu.memref_slice %arg10[%dma_start3A_275, %dma_start3A_276] : memref<800x32xf32, #tpu.memory_space<vmem>> -> memref<200x32xf32, #tpu.memory_space<vmem>>
    %dma_start3A_278 = arith.constant 0 : i32
    %dma_start3A_279 = arith.constant 0 : i32
    %dma_start3A_280 = tpu.memref_slice %arg5[%add3A_274, %dma_start3A_278, %dma_start3A_279] : memref<1024x200x32xf32, #tpu.memory_space<hbm>> -> memref<1x200x32xf32, #tpu.memory_space<hbm>>
    %dma_start3A_281 = tpu.memref_squeeze %dma_start3A_280 : memref<1x200x32xf32, #tpu.memory_space<hbm>> -> memref<200x32xf32, #tpu.memory_space<hbm>>
    %dma_start3A_282 = arith.constant 0 : i32
    %dma_start3A_283 = arith.constant 0 : i32
    %dma_start3A_284 = tpu.memref_slice %arg5[%add3A_274, %dma_start3A_282, %dma_start3A_283] : memref<1024x200x32xf32, #tpu.memory_space<hbm>> -> memref<1x200x32xf32, #tpu.memory_space<hbm>>
    %dma_start3A_285 = tpu.memref_squeeze %dma_start3A_284 : memref<1x200x32xf32, #tpu.memory_space<hbm>> -> memref<200x32xf32, #tpu.memory_space<hbm>>
    %dma_start3A_286 = arith.constant 200 : i32
    %dma_start3A_287 = arith.constant 0 : i32
    %dma_start3A_288 = tpu.memref_slice %arg10[%dma_start3A_286, %dma_start3A_287] : memref<800x32xf32, #tpu.memory_space<vmem>> -> memref<200x32xf32, #tpu.memory_space<vmem>>
    tpu.enqueue_dma source(%dma_start3A_288 : memref<200x32xf32, #tpu.memory_space<vmem>>) target(%dma_start3A_285 : memref<200x32xf32, #tpu.memory_space<hbm>>) target_semaphore(%arg18 : memref<!tpu.dma_semaphore, #tpu.memory_space<semaphore_mem>>)
    %add3A_289 = arith.constant 2 : i32
    %add3A_290 = arith.addi %add3A_256, %add3A_289 : i32
    %dma_start3A_291 = arith.constant 400 : i32
    %dma_start3A_292 = arith.constant 0 : i32
    %dma_start3A_293 = tpu.memref_slice %arg10[%dma_start3A_291, %dma_start3A_292] : memref<800x32xf32, #tpu.memory_space<vmem>> -> memref<200x32xf32, #tpu.memory_space<vmem>>
    %dma_start3A_294 = arith.constant 0 : i32
    %dma_start3A_295 = arith.constant 0 : i32
    %dma_start3A_296 = tpu.memref_slice %arg5[%add3A_290, %dma_start3A_294, %dma_start3A_295] : memref<1024x200x32xf32, #tpu.memory_space<hbm>> -> memref<1x200x32xf32, #tpu.memory_space<hbm>>
    %dma_start3A_297 = tpu.memref_squeeze %dma_start3A_296 : memref<1x200x32xf32, #tpu.memory_space<hbm>> -> memref<200x32xf32, #tpu.memory_space<hbm>>
    %dma_start3A_298 = arith.constant 0 : i32
    %dma_start3A_299 = arith.constant 0 : i32
    %dma_start3A_300 = tpu.memref_slice %arg5[%add3A_290, %dma_start3A_298, %dma_start3A_299] : memref<1024x200x32xf32, #tpu.memory_space<hbm>> -> memref<1x200x32xf32, #tpu.memory_space<hbm>>
    %dma_start3A_301 = tpu.memref_squeeze %dma_start3A_300 : memref<1x200x32xf32, #tpu.memory_space<hbm>> -> memref<200x32xf32, #tpu.memory_space<hbm>>
    %dma_start3A_302 = arith.constant 400 : i32
    %dma_start3A_303 = arith.constant 0 : i32
    %dma_start3A_304 = tpu.memref_slice %arg10[%dma_start3A_302, %dma_start3A_303] : memref<800x32xf32, #tpu.memory_space<vmem>> -> memref<200x32xf32, #tpu.memory_space<vmem>>
    tpu.enqueue_dma source(%dma_start3A_304 : memref<200x32xf32, #tpu.memory_space<vmem>>) target(%dma_start3A_301 : memref<200x32xf32, #tpu.memory_space<hbm>>) target_semaphore(%arg18 : memref<!tpu.dma_semaphore, #tpu.memory_space<semaphore_mem>>)
    %add3A_305 = arith.constant 3 : i32
    %add3A_306 = arith.addi %add3A_256, %add3A_305 : i32
    %dma_start3A_307 = arith.constant 600 : i32
    %dma_start3A_308 = arith.constant 0 : i32
    %dma_start3A_309 = tpu.memref_slice %arg10[%dma_start3A_307, %dma_start3A_308] : memref<800x32xf32, #tpu.memory_space<vmem>> -> memref<200x32xf32, #tpu.memory_space<vmem>>
    %dma_start3A_310 = arith.constant 0 : i32
    %dma_start3A_311 = arith.constant 0 : i32
    %dma_start3A_312 = tpu.memref_slice %arg5[%add3A_306, %dma_start3A_310, %dma_start3A_311] : memref<1024x200x32xf32, #tpu.memory_space<hbm>> -> memref<1x200x32xf32, #tpu.memory_space<hbm>>
    %dma_start3A_313 = tpu.memref_squeeze %dma_start3A_312 : memref<1x200x32xf32, #tpu.memory_space<hbm>> -> memref<200x32xf32, #tpu.memory_space<hbm>>
    %dma_start3A_314 = arith.constant 0 : i32
    %dma_start3A_315 = arith.constant 0 : i32
    %dma_start3A_316 = tpu.memref_slice %arg5[%add3A_306, %dma_start3A_314, %dma_start3A_315] : memref<1024x200x32xf32, #tpu.memory_space<hbm>> -> memref<1x200x32xf32, #tpu.memory_space<hbm>>
    %dma_start3A_317 = tpu.memref_squeeze %dma_start3A_316 : memref<1x200x32xf32, #tpu.memory_space<hbm>> -> memref<200x32xf32, #tpu.memory_space<hbm>>
    %dma_start3A_318 = arith.constant 600 : i32
    %dma_start3A_319 = arith.constant 0 : i32
    %dma_start3A_320 = tpu.memref_slice %arg10[%dma_start3A_318, %dma_start3A_319] : memref<800x32xf32, #tpu.memory_space<vmem>> -> memref<200x32xf32, #tpu.memory_space<vmem>>
    tpu.enqueue_dma source(%dma_start3A_320 : memref<200x32xf32, #tpu.memory_space<vmem>>) target(%dma_start3A_317 : memref<200x32xf32, #tpu.memory_space<hbm>>) target_semaphore(%arg18 : memref<!tpu.dma_semaphore, #tpu.memory_space<semaphore_mem>>)
    %dma_wait3A_321 = arith.constant 2400 : i32
    %dma_wait3A_322 = tpu.memref_slice %arg6[%dma_wait3A_321] : memref<6400xi32, #tpu.memory_space<vmem>> -> memref<800xi32, #tpu.memory_space<vmem>>
    %dma_wait3A_323 = arith.constant 0 : i32
    %dma_wait3A_324 = arith.constant 0 : i32
    %dma_wait3A_325 = tpu.memref_slice %arg2[%dma_wait3A_323, %dma_wait3A_324] : memref<1000000x32xf32, #tpu.memory_space<hbm>> -> memref<1000000x32xf32, #tpu.memory_space<hbm>>
    tpu.wait_indirect_dma semaphore(%arg15 : memref<!tpu.dma_semaphore, #tpu.memory_space<semaphore_mem>>) src(%dma_wait3A_325 : memref<1000000x32xf32, #tpu.memory_space<hbm>>) dst(%arg11 : memref<800x32xf32, #tpu.memory_space<vmem>>)
    %dma_wait3A_326 = arith.constant 0 : i32
    %dma_wait3A_327 = arith.constant 0 : i32
    %dma_wait3A_328 = tpu.memref_slice %arg9[%dma_wait3A_326, %dma_wait3A_327] : memref<800x32xf32, #tpu.memory_space<vmem>> -> memref<200x32xf32, #tpu.memory_space<vmem>>
    %dma_wait3A_329 = arith.constant 0 : i32
    %dma_wait3A_330 = arith.constant 0 : i32
    %dma_wait3A_331 = tpu.memref_slice %arg5[%add3A_117, %dma_wait3A_329, %dma_wait3A_330] : memref<1024x200x32xf32, #tpu.memory_space<hbm>> -> memref<1x200x32xf32, #tpu.memory_space<hbm>>
    %dma_wait3A_332 = tpu.memref_squeeze %dma_wait3A_331 : memref<1x200x32xf32, #tpu.memory_space<hbm>> -> memref<200x32xf32, #tpu.memory_space<hbm>>
    %dma_wait3A_333 = arith.constant 0 : i32
    %dma_wait3A_334 = arith.constant 0 : i32
    %dma_wait3A_335 = tpu.memref_slice %arg5[%add3A_117, %dma_wait3A_333, %dma_wait3A_334] : memref<1024x200x32xf32, #tpu.memory_space<hbm>> -> memref<1x200x32xf32, #tpu.memory_space<hbm>>
    %dma_wait3A_336 = tpu.memref_squeeze %dma_wait3A_335 : memref<1x200x32xf32, #tpu.memory_space<hbm>> -> memref<200x32xf32, #tpu.memory_space<hbm>>
    %dma_wait3A_337 = arith.constant 0 : i32
    %dma_wait3A_338 = arith.constant 0 : i32
    %dma_wait3A_339 = tpu.memref_slice %arg9[%dma_wait3A_337, %dma_wait3A_338] : memref<800x32xf32, #tpu.memory_space<vmem>> -> memref<200x32xf32, #tpu.memory_space<vmem>>
    tpu.wait_dma2 semaphore(%arg17 : memref<!tpu.dma_semaphore, #tpu.memory_space<semaphore_mem>>) src(%dma_wait3A_339 : memref<200x32xf32, #tpu.memory_space<vmem>>) dst(%dma_wait3A_336 : memref<200x32xf32, #tpu.memory_space<hbm>>)
    %dma_wait3A_340 = arith.constant 200 : i32
    %dma_wait3A_341 = arith.constant 0 : i32
    %dma_wait3A_342 = tpu.memref_slice %arg9[%dma_wait3A_340, %dma_wait3A_341] : memref<800x32xf32, #tpu.memory_space<vmem>> -> memref<200x32xf32, #tpu.memory_space<vmem>>
    %dma_wait3A_343 = arith.constant 0 : i32
    %dma_wait3A_344 = arith.constant 0 : i32
    %dma_wait3A_345 = tpu.memref_slice %arg5[%add3A_133, %dma_wait3A_343, %dma_wait3A_344] : memref<1024x200x32xf32, #tpu.memory_space<hbm>> -> memref<1x200x32xf32, #tpu.memory_space<hbm>>
    %dma_wait3A_346 = tpu.memref_squeeze %dma_wait3A_345 : memref<1x200x32xf32, #tpu.memory_space<hbm>> -> memref<200x32xf32, #tpu.memory_space<hbm>>
    %dma_wait3A_347 = arith.constant 0 : i32
    %dma_wait3A_348 = arith.constant 0 : i32
    %dma_wait3A_349 = tpu.memref_slice %arg5[%add3A_133, %dma_wait3A_347, %dma_wait3A_348] : memref<1024x200x32xf32, #tpu.memory_space<hbm>> -> memref<1x200x32xf32, #tpu.memory_space<hbm>>
    %dma_wait3A_350 = tpu.memref_squeeze %dma_wait3A_349 : memref<1x200x32xf32, #tpu.memory_space<hbm>> -> memref<200x32xf32, #tpu.memory_space<hbm>>
    %dma_wait3A_351 = arith.constant 200 : i32
    %dma_wait3A_352 = arith.constant 0 : i32
    %dma_wait3A_353 = tpu.memref_slice %arg9[%dma_wait3A_351, %dma_wait3A_352] : memref<800x32xf32, #tpu.memory_space<vmem>> -> memref<200x32xf32, #tpu.memory_space<vmem>>
    tpu.wait_dma2 semaphore(%arg17 : memref<!tpu.dma_semaphore, #tpu.memory_space<semaphore_mem>>) src(%dma_wait3A_353 : memref<200x32xf32, #tpu.memory_space<vmem>>) dst(%dma_wait3A_350 : memref<200x32xf32, #tpu.memory_space<hbm>>)
    %dma_wait3A_354 = arith.constant 400 : i32
    %dma_wait3A_355 = arith.constant 0 : i32
    %dma_wait3A_356 = tpu.memref_slice %arg9[%dma_wait3A_354, %dma_wait3A_355] : memref<800x32xf32, #tpu.memory_space<vmem>> -> memref<200x32xf32, #tpu.memory_space<vmem>>
    %dma_wait3A_357 = arith.constant 0 : i32
    %dma_wait3A_358 = arith.constant 0 : i32
    %dma_wait3A_359 = tpu.memref_slice %arg5[%add3A_149, %dma_wait3A_357, %dma_wait3A_358] : memref<1024x200x32xf32, #tpu.memory_space<hbm>> -> memref<1x200x32xf32, #tpu.memory_space<hbm>>
    %dma_wait3A_360 = tpu.memref_squeeze %dma_wait3A_359 : memref<1x200x32xf32, #tpu.memory_space<hbm>> -> memref<200x32xf32, #tpu.memory_space<hbm>>
    %dma_wait3A_361 = arith.constant 0 : i32
    %dma_wait3A_362 = arith.constant 0 : i32
    %dma_wait3A_363 = tpu.memref_slice %arg5[%add3A_149, %dma_wait3A_361, %dma_wait3A_362] : memref<1024x200x32xf32, #tpu.memory_space<hbm>> -> memref<1x200x32xf32, #tpu.memory_space<hbm>>
    %dma_wait3A_364 = tpu.memref_squeeze %dma_wait3A_363 : memref<1x200x32xf32, #tpu.memory_space<hbm>> -> memref<200x32xf32, #tpu.memory_space<hbm>>
    %dma_wait3A_365 = arith.constant 400 : i32
    %dma_wait3A_366 = arith.constant 0 : i32
    %dma_wait3A_367 = tpu.memref_slice %arg9[%dma_wait3A_365, %dma_wait3A_366] : memref<800x32xf32, #tpu.memory_space<vmem>> -> memref<200x32xf32, #tpu.memory_space<vmem>>
    tpu.wait_dma2 semaphore(%arg17 : memref<!tpu.dma_semaphore, #tpu.memory_space<semaphore_mem>>) src(%dma_wait3A_367 : memref<200x32xf32, #tpu.memory_space<vmem>>) dst(%dma_wait3A_364 : memref<200x32xf32, #tpu.memory_space<hbm>>)
    %dma_wait3A_368 = arith.constant 600 : i32
    %dma_wait3A_369 = arith.constant 0 : i32
    %dma_wait3A_370 = tpu.memref_slice %arg9[%dma_wait3A_368, %dma_wait3A_369] : memref<800x32xf32, #tpu.memory_space<vmem>> -> memref<200x32xf32, #tpu.memory_space<vmem>>
    %dma_wait3A_371 = arith.constant 0 : i32
    %dma_wait3A_372 = arith.constant 0 : i32
    %dma_wait3A_373 = tpu.memref_slice %arg5[%add3A_165, %dma_wait3A_371, %dma_wait3A_372] : memref<1024x200x32xf32, #tpu.memory_space<hbm>> -> memref<1x200x32xf32, #tpu.memory_space<hbm>>
    %dma_wait3A_374 = tpu.memref_squeeze %dma_wait3A_373 : memref<1x200x32xf32, #tpu.memory_space<hbm>> -> memref<200x32xf32, #tpu.memory_space<hbm>>
    %dma_wait3A_375 = arith.constant 0 : i32
    %dma_wait3A_376 = arith.constant 0 : i32
    %dma_wait3A_377 = tpu.memref_slice %arg5[%add3A_165, %dma_wait3A_375, %dma_wait3A_376] : memref<1024x200x32xf32, #tpu.memory_space<hbm>> -> memref<1x200x32xf32, #tpu.memory_space<hbm>>
    %dma_wait3A_378 = tpu.memref_squeeze %dma_wait3A_377 : memref<1x200x32xf32, #tpu.memory_space<hbm>> -> memref<200x32xf32, #tpu.memory_space<hbm>>
    %dma_wait3A_379 = arith.constant 600 : i32
    %dma_wait3A_380 = arith.constant 0 : i32
    %dma_wait3A_381 = tpu.memref_slice %arg9[%dma_wait3A_379, %dma_wait3A_380] : memref<800x32xf32, #tpu.memory_space<vmem>> -> memref<200x32xf32, #tpu.memory_space<vmem>>
    tpu.wait_dma2 semaphore(%arg17 : memref<!tpu.dma_semaphore, #tpu.memory_space<semaphore_mem>>) src(%dma_wait3A_381 : memref<200x32xf32, #tpu.memory_space<vmem>>) dst(%dma_wait3A_378 : memref<200x32xf32, #tpu.memory_space<hbm>>)
    %dma_start3A_382 = arith.constant 4000 : i32
    %dma_start3A_383 = tpu.memref_slice %arg6[%dma_start3A_382] : memref<6400xi32, #tpu.memory_space<vmem>> -> memref<800xi32, #tpu.memory_space<vmem>>
    %dma_start3A_384 = arith.constant 0 : i32
    %dma_start3A_385 = arith.constant 0 : i32
    %dma_start3A_386 = tpu.memref_slice %arg2[%dma_start3A_384, %dma_start3A_385] : memref<1000000x32xf32, #tpu.memory_space<hbm>> -> memref<1000000x32xf32, #tpu.memory_space<hbm>>
    tpu.enqueue_indirect_dma source(%dma_start3A_386 : memref<1000000x32xf32, #tpu.memory_space<hbm>>) target(%arg9 : memref<800x32xf32, #tpu.memory_space<vmem>>) offsets(%dma_start3A_383 : memref<800xi32, #tpu.memory_space<vmem>>) semaphore(%arg13 : memref<!tpu.dma_semaphore, #tpu.memory_space<semaphore_mem>>)
    %scan3A_387 = arith.constant 0 : i32
    %scan3A_388 = arith.constant 0 : i32
    %scan3A_389 = arith.constant 200 : i32
    %scan3A_390 = arith.addi %scan3A_388, %scan3A_389 : i32
    %scan3A_391 = arith.constant 1 : i32
    %scan3A_392 = scf.for %scan3A_1128 = %scan3A_388 to %scan3A_390 step %scan3A_391 iter_args(%scan3A_1129 = %scan3A_387) -> (i32)  : i32 {
      %get3A = arith.index_cast %scan3A_1128 : i32 to index
      %get3A_1130 = arith.constant 0 : index
      %get3A_1131 = tpu.vector_load %arg7[%get3A, %get3A_1130] {strides = array<i32>} : memref<200x32xf32, #tpu.memory_space<vmem>>, vector<1x16xf32>,
      %get3A_1132 = vector.shape_cast %get3A_1131 : vector<1x16xf32> to vector<16xf32>
      %add3A_1133 = arith.constant 0 : i32
      %add3A_1134 = arith.addi %add3A_1133, %scan3A_1128 : i32
      %get3A_1135 = arith.index_cast %add3A_1134 : i32 to index
      %get3A_1136 = arith.constant 0 : index
      %get3A_1137 = tpu.vector_load %arg11[%get3A_1135, %get3A_1136] {strides = array<i32>} : memref<800x32xf32, #tpu.memory_space<vmem>>, vector<1x16xf32>,
      %get3A_1138 = vector.shape_cast %get3A_1137 : vector<1x16xf32> to vector<16xf32>
      %add3A_1139 = arith.addf %get3A_1138, %get3A_1132 : vector<16xf32>
      %swap3A = arith.index_cast %add3A_1134 : i32 to index
      %swap3A_1140 = arith.constant 0 : index
      %swap3A_1141 = tpu.vector_load %arg11[%swap3A, %swap3A_1140] {strides = array<i32>} : memref<800x32xf32, #tpu.memory_space<vmem>>, vector<1x16xf32>,
      %swap3A_1142 = vector.shape_cast %swap3A_1141 : vector<1x16xf32> to vector<16xf32>
      %swap3A_1143 = vector.shape_cast %add3A_1139 : vector<16xf32> to vector<1x16xf32>
      tpu.vector_store %arg11[%swap3A, %swap3A_1140], %swap3A_1143 {strides = array<i32>} : memref<800x32xf32, #tpu.memory_space<vmem>>, vector<1x16xf32>,
      %add3A_1144 = arith.constant 200 : i32
      %add3A_1145 = arith.addi %add3A_1144, %scan3A_1128 : i32
      %get3A_1146 = arith.index_cast %add3A_1145 : i32 to index
      %get3A_1147 = arith.constant 0 : index
      %get3A_1148 = tpu.vector_load %arg11[%get3A_1146, %get3A_1147] {strides = array<i32>} : memref<800x32xf32, #tpu.memory_space<vmem>>, vector<1x16xf32>,
      %get3A_1149 = vector.shape_cast %get3A_1148 : vector<1x16xf32> to vector<16xf32>
      %add3A_1150 = arith.addf %get3A_1149, %get3A_1132 : vector<16xf32>
      %swap3A_1151 = arith.index_cast %add3A_1145 : i32 to index
      %swap3A_1152 = arith.constant 0 : index
      %swap3A_1153 = tpu.vector_load %arg11[%swap3A_1151, %swap3A_1152] {strides = array<i32>} : memref<800x32xf32, #tpu.memory_space<vmem>>, vector<1x16xf32>,
      %swap3A_1154 = vector.shape_cast %swap3A_1153 : vector<1x16xf32> to vector<16xf32>
      %swap3A_1155 = vector.shape_cast %add3A_1150 : vector<16xf32> to vector<1x16xf32>
      tpu.vector_store %arg11[%swap3A_1151, %swap3A_1152], %swap3A_1155 {strides = array<i32>} : memref<800x32xf32, #tpu.memory_space<vmem>>, vector<1x16xf32>,
      %add3A_1156 = arith.constant 400 : i32
      %add3A_1157 = arith.addi %add3A_1156, %scan3A_1128 : i32
      %get3A_1158 = arith.index_cast %add3A_1157 : i32 to index
      %get3A_1159 = arith.constant 0 : index
      %get3A_1160 = tpu.vector_load %arg11[%get3A_1158, %get3A_1159] {strides = array<i32>} : memref<800x32xf32, #tpu.memory_space<vmem>>, vector<1x16xf32>,
      %get3A_1161 = vector.shape_cast %get3A_1160 : vector<1x16xf32> to vector<16xf32>
      %add3A_1162 = arith.addf %get3A_1161, %get3A_1132 : vector<16xf32>
      %swap3A_1163 = arith.index_cast %add3A_1157 : i32 to index
      %swap3A_1164 = arith.constant 0 : index
      %swap3A_1165 = tpu.vector_load %arg11[%swap3A_1163, %swap3A_1164] {strides = array<i32>} : memref<800x32xf32, #tpu.memory_space<vmem>>, vector<1x16xf32>,
      %swap3A_1166 = vector.shape_cast %swap3A_1165 : vector<1x16xf32> to vector<16xf32>
      %swap3A_1167 = vector.shape_cast %add3A_1162 : vector<16xf32> to vector<1x16xf32>
      tpu.vector_store %arg11[%swap3A_1163, %swap3A_1164], %swap3A_1167 {strides = array<i32>} : memref<800x32xf32, #tpu.memory_space<vmem>>, vector<1x16xf32>,
      %add3A_1168 = arith.constant 600 : i32
      %add3A_1169 = arith.addi %add3A_1168, %scan3A_1128 : i32
      %get3A_1170 = arith.index_cast %add3A_1169 : i32 to index
      %get3A_1171 = arith.constant 0 : index
      %get3A_1172 = tpu.vector_load %arg11[%get3A_1170, %get3A_1171] {strides = array<i32>} : memref<800x32xf32, #tpu.memory_space<vmem>>, vector<1x16xf32>,
      %get3A_1173 = vector.shape_cast %get3A_1172 : vector<1x16xf32> to vector<16xf32>
      %add3A_1174 = arith.addf %get3A_1173, %get3A_1132 : vector<16xf32>
      %swap3A_1175 = arith.index_cast %add3A_1169 : i32 to index
      %swap3A_1176 = arith.constant 0 : index
      %swap3A_1177 = tpu.vector_load %arg11[%swap3A_1175, %swap3A_1176] {strides = array<i32>} : memref<800x32xf32, #tpu.memory_space<vmem>>, vector<1x16xf32>,
      %swap3A_1178 = vector.shape_cast %swap3A_1177 : vector<1x16xf32> to vector<16xf32>
      %swap3A_1179 = vector.shape_cast %add3A_1174 : vector<16xf32> to vector<1x16xf32>
      tpu.vector_store %arg11[%swap3A_1175, %swap3A_1176], %swap3A_1179 {strides = array<i32>} : memref<800x32xf32, #tpu.memory_space<vmem>>, vector<1x16xf32>,
      %get3A_1180 = arith.index_cast %scan3A_1128 : i32 to index
      %get3A_1181 = arith.constant 16 : index
      %get3A_1182 = tpu.vector_load %arg7[%get3A_1180, %get3A_1181] {strides = array<i32>} : memref<200x32xf32, #tpu.memory_space<vmem>>, vector<1x16xf32>,
      %get3A_1183 = vector.shape_cast %get3A_1182 : vector<1x16xf32> to vector<16xf32>
      %add3A_1184 = arith.constant 0 : i32
      %add3A_1185 = arith.addi %add3A_1184, %scan3A_1128 : i32
      %get3A_1186 = arith.index_cast %add3A_1185 : i32 to index
      %get3A_1187 = arith.constant 16 : index
      %get3A_1188 = tpu.vector_load %arg11[%get3A_1186, %get3A_1187] {strides = array<i32>} : memref<800x32xf32, #tpu.memory_space<vmem>>, vector<1x16xf32>,
      %get3A_1189 = vector.shape_cast %get3A_1188 : vector<1x16xf32> to vector<16xf32>
      %add3A_1190 = arith.addf %get3A_1189, %get3A_1183 : vector<16xf32>
      %swap3A_1191 = arith.index_cast %add3A_1185 : i32 to index
      %swap3A_1192 = arith.constant 16 : index
      %swap3A_1193 = tpu.vector_load %arg11[%swap3A_1191, %swap3A_1192] {strides = array<i32>} : memref<800x32xf32, #tpu.memory_space<vmem>>, vector<1x16xf32>,
      %swap3A_1194 = vector.shape_cast %swap3A_1193 : vector<1x16xf32> to vector<16xf32>
      %swap3A_1195 = vector.shape_cast %add3A_1190 : vector<16xf32> to vector<1x16xf32>
      tpu.vector_store %arg11[%swap3A_1191, %swap3A_1192], %swap3A_1195 {strides = array<i32>} : memref<800x32xf32, #tpu.memory_space<vmem>>, vector<1x16xf32>,
      %add3A_1196 = arith.constant 200 : i32
      %add3A_1197 = arith.addi %add3A_1196, %scan3A_1128 : i32
      %get3A_1198 = arith.index_cast %add3A_1197 : i32 to index
      %get3A_1199 = arith.constant 16 : index
      %get3A_1200 = tpu.vector_load %arg11[%get3A_1198, %get3A_1199] {strides = array<i32>} : memref<800x32xf32, #tpu.memory_space<vmem>>, vector<1x16xf32>,
      %get3A_1201 = vector.shape_cast %get3A_1200 : vector<1x16xf32> to vector<16xf32>
      %add3A_1202 = arith.addf %get3A_1201, %get3A_1183 : vector<16xf32>
      %swap3A_1203 = arith.index_cast %add3A_1197 : i32 to index
      %swap3A_1204 = arith.constant 16 : index
      %swap3A_1205 = tpu.vector_load %arg11[%swap3A_1203, %swap3A_1204] {strides = array<i32>} : memref<800x32xf32, #tpu.memory_space<vmem>>, vector<1x16xf32>,
      %swap3A_1206 = vector.shape_cast %swap3A_1205 : vector<1x16xf32> to vector<16xf32>
      %swap3A_1207 = vector.shape_cast %add3A_1202 : vector<16xf32> to vector<1x16xf32>
      tpu.vector_store %arg11[%swap3A_1203, %swap3A_1204], %swap3A_1207 {strides = array<i32>} : memref<800x32xf32, #tpu.memory_space<vmem>>, vector<1x16xf32>,
      %add3A_1208 = arith.constant 400 : i32
      %add3A_1209 = arith.addi %add3A_1208, %scan3A_1128 : i32
      %get3A_1210 = arith.index_cast %add3A_1209 : i32 to index
      %get3A_1211 = arith.constant 16 : index
      %get3A_1212 = tpu.vector_load %arg11[%get3A_1210, %get3A_1211] {strides = array<i32>} : memref<800x32xf32, #tpu.memory_space<vmem>>, vector<1x16xf32>,
      %get3A_1213 = vector.shape_cast %get3A_1212 : vector<1x16xf32> to vector<16xf32>
      %add3A_1214 = arith.addf %get3A_1213, %get3A_1183 : vector<16xf32>
      %swap3A_1215 = arith.index_cast %add3A_1209 : i32 to index
      %swap3A_1216 = arith.constant 16 : index
      %swap3A_1217 = tpu.vector_load %arg11[%swap3A_1215, %swap3A_1216] {strides = array<i32>} : memref<800x32xf32, #tpu.memory_space<vmem>>, vector<1x16xf32>,
      %swap3A_1218 = vector.shape_cast %swap3A_1217 : vector<1x16xf32> to vector<16xf32>
      %swap3A_1219 = vector.shape_cast %add3A_1214 : vector<16xf32> to vector<1x16xf32>
      tpu.vector_store %arg11[%swap3A_1215, %swap3A_1216], %swap3A_1219 {strides = array<i32>} : memref<800x32xf32, #tpu.memory_space<vmem>>, vector<1x16xf32>,
      %add3A_1220 = arith.constant 600 : i32
      %add3A_1221 = arith.addi %add3A_1220, %scan3A_1128 : i32
      %get3A_1222 = arith.index_cast %add3A_1221 : i32 to index
      %get3A_1223 = arith.constant 16 : index
      %get3A_1224 = tpu.vector_load %arg11[%get3A_1222, %get3A_1223] {strides = array<i32>} : memref<800x32xf32, #tpu.memory_space<vmem>>, vector<1x16xf32>,
      %get3A_1225 = vector.shape_cast %get3A_1224 : vector<1x16xf32> to vector<16xf32>
      %add3A_1226 = arith.addf %get3A_1225, %get3A_1183 : vector<16xf32>
      %swap3A_1227 = arith.index_cast %add3A_1221 : i32 to index
      %swap3A_1228 = arith.constant 16 : index
      %swap3A_1229 = tpu.vector_load %arg11[%swap3A_1227, %swap3A_1228] {strides = array<i32>} : memref<800x32xf32, #tpu.memory_space<vmem>>, vector<1x16xf32>,
      %swap3A_1230 = vector.shape_cast %swap3A_1229 : vector<1x16xf32> to vector<16xf32>
      %swap3A_1231 = vector.shape_cast %add3A_1226 : vector<16xf32> to vector<1x16xf32>
      tpu.vector_store %arg11[%swap3A_1227, %swap3A_1228], %swap3A_1231 {strides = array<i32>} : memref<800x32xf32, #tpu.memory_space<vmem>>, vector<1x16xf32>,
      %scan3A_1232 = arith.constant 0 : i32
      scf.yield %scan3A_1232 : i32
    }
    %scan3A_393 = arith.constant 200 : i32
    %mul3A_394 = arith.constant 32 : i32
    %mul3A_395 = arith.muli %add3A, %mul3A_394 : i32
    %add3A_396 = arith.constant 12 : i32
    %add3A_397 = arith.addi %mul3A_395, %add3A_396 : i32
    %add3A_398 = arith.constant 0 : i32
    %add3A_399 = arith.addi %add3A_397, %add3A_398 : i32
    %dma_start3A_400 = arith.constant 0 : i32
    %dma_start3A_401 = arith.constant 0 : i32
    %dma_start3A_402 = tpu.memref_slice %arg11[%dma_start3A_400, %dma_start3A_401] : memref<800x32xf32, #tpu.memory_space<vmem>> -> memref<200x32xf32, #tpu.memory_space<vmem>>
    %dma_start3A_403 = arith.constant 0 : i32
    %dma_start3A_404 = arith.constant 0 : i32
    %dma_start3A_405 = tpu.memref_slice %arg5[%add3A_399, %dma_start3A_403, %dma_start3A_404] : memref<1024x200x32xf32, #tpu.memory_space<hbm>> -> memref<1x200x32xf32, #tpu.memory_space<hbm>>
    %dma_start3A_406 = tpu.memref_squeeze %dma_start3A_405 : memref<1x200x32xf32, #tpu.memory_space<hbm>> -> memref<200x32xf32, #tpu.memory_space<hbm>>
    %dma_start3A_407 = arith.constant 0 : i32
    %dma_start3A_408 = arith.constant 0 : i32
    %dma_start3A_409 = tpu.memref_slice %arg5[%add3A_399, %dma_start3A_407, %dma_start3A_408] : memref<1024x200x32xf32, #tpu.memory_space<hbm>> -> memref<1x200x32xf32, #tpu.memory_space<hbm>>
    %dma_start3A_410 = tpu.memref_squeeze %dma_start3A_409 : memref<1x200x32xf32, #tpu.memory_space<hbm>> -> memref<200x32xf32, #tpu.memory_space<hbm>>
    %dma_start3A_411 = arith.constant 0 : i32
    %dma_start3A_412 = arith.constant 0 : i32
    %dma_start3A_413 = tpu.memref_slice %arg11[%dma_start3A_411, %dma_start3A_412] : memref<800x32xf32, #tpu.memory_space<vmem>> -> memref<200x32xf32, #tpu.memory_space<vmem>>
    tpu.enqueue_dma source(%dma_start3A_413 : memref<200x32xf32, #tpu.memory_space<vmem>>) target(%dma_start3A_410 : memref<200x32xf32, #tpu.memory_space<hbm>>) target_semaphore(%arg19 : memref<!tpu.dma_semaphore, #tpu.memory_space<semaphore_mem>>)
    %add3A_414 = arith.constant 1 : i32
    %add3A_415 = arith.addi %add3A_397, %add3A_414 : i32
    %dma_start3A_416 = arith.constant 200 : i32
    %dma_start3A_417 = arith.constant 0 : i32
    %dma_start3A_418 = tpu.memref_slice %arg11[%dma_start3A_416, %dma_start3A_417] : memref<800x32xf32, #tpu.memory_space<vmem>> -> memref<200x32xf32, #tpu.memory_space<vmem>>
    %dma_start3A_419 = arith.constant 0 : i32
    %dma_start3A_420 = arith.constant 0 : i32
    %dma_start3A_421 = tpu.memref_slice %arg5[%add3A_415, %dma_start3A_419, %dma_start3A_420] : memref<1024x200x32xf32, #tpu.memory_space<hbm>> -> memref<1x200x32xf32, #tpu.memory_space<hbm>>
    %dma_start3A_422 = tpu.memref_squeeze %dma_start3A_421 : memref<1x200x32xf32, #tpu.memory_space<hbm>> -> memref<200x32xf32, #tpu.memory_space<hbm>>
    %dma_start3A_423 = arith.constant 0 : i32
    %dma_start3A_424 = arith.constant 0 : i32
    %dma_start3A_425 = tpu.memref_slice %arg5[%add3A_415, %dma_start3A_423, %dma_start3A_424] : memref<1024x200x32xf32, #tpu.memory_space<hbm>> -> memref<1x200x32xf32, #tpu.memory_space<hbm>>
    %dma_start3A_426 = tpu.memref_squeeze %dma_start3A_425 : memref<1x200x32xf32, #tpu.memory_space<hbm>> -> memref<200x32xf32, #tpu.memory_space<hbm>>
    %dma_start3A_427 = arith.constant 200 : i32
    %dma_start3A_428 = arith.constant 0 : i32
    %dma_start3A_429 = tpu.memref_slice %arg11[%dma_start3A_427, %dma_start3A_428] : memref<800x32xf32, #tpu.memory_space<vmem>> -> memref<200x32xf32, #tpu.memory_space<vmem>>
    tpu.enqueue_dma source(%dma_start3A_429 : memref<200x32xf32, #tpu.memory_space<vmem>>) target(%dma_start3A_426 : memref<200x32xf32, #tpu.memory_space<hbm>>) target_semaphore(%arg19 : memref<!tpu.dma_semaphore, #tpu.memory_space<semaphore_mem>>)
    %add3A_430 = arith.constant 2 : i32
    %add3A_431 = arith.addi %add3A_397, %add3A_430 : i32
    %dma_start3A_432 = arith.constant 400 : i32
    %dma_start3A_433 = arith.constant 0 : i32
    %dma_start3A_434 = tpu.memref_slice %arg11[%dma_start3A_432, %dma_start3A_433] : memref<800x32xf32, #tpu.memory_space<vmem>> -> memref<200x32xf32, #tpu.memory_space<vmem>>
    %dma_start3A_435 = arith.constant 0 : i32
    %dma_start3A_436 = arith.constant 0 : i32
    %dma_start3A_437 = tpu.memref_slice %arg5[%add3A_431, %dma_start3A_435, %dma_start3A_436] : memref<1024x200x32xf32, #tpu.memory_space<hbm>> -> memref<1x200x32xf32, #tpu.memory_space<hbm>>
    %dma_start3A_438 = tpu.memref_squeeze %dma_start3A_437 : memref<1x200x32xf32, #tpu.memory_space<hbm>> -> memref<200x32xf32, #tpu.memory_space<hbm>>
    %dma_start3A_439 = arith.constant 0 : i32
    %dma_start3A_440 = arith.constant 0 : i32
    %dma_start3A_441 = tpu.memref_slice %arg5[%add3A_431, %dma_start3A_439, %dma_start3A_440] : memref<1024x200x32xf32, #tpu.memory_space<hbm>> -> memref<1x200x32xf32, #tpu.memory_space<hbm>>
    %dma_start3A_442 = tpu.memref_squeeze %dma_start3A_441 : memref<1x200x32xf32, #tpu.memory_space<hbm>> -> memref<200x32xf32, #tpu.memory_space<hbm>>
    %dma_start3A_443 = arith.constant 400 : i32
    %dma_start3A_444 = arith.constant 0 : i32
    %dma_start3A_445 = tpu.memref_slice %arg11[%dma_start3A_443, %dma_start3A_444] : memref<800x32xf32, #tpu.memory_space<vmem>> -> memref<200x32xf32, #tpu.memory_space<vmem>>
    tpu.enqueue_dma source(%dma_start3A_445 : memref<200x32xf32, #tpu.memory_space<vmem>>) target(%dma_start3A_442 : memref<200x32xf32, #tpu.memory_space<hbm>>) target_semaphore(%arg19 : memref<!tpu.dma_semaphore, #tpu.memory_space<semaphore_mem>>)
    %add3A_446 = arith.constant 3 : i32
    %add3A_447 = arith.addi %add3A_397, %add3A_446 : i32
    %dma_start3A_448 = arith.constant 600 : i32
    %dma_start3A_449 = arith.constant 0 : i32
    %dma_start3A_450 = tpu.memref_slice %arg11[%dma_start3A_448, %dma_start3A_449] : memref<800x32xf32, #tpu.memory_space<vmem>> -> memref<200x32xf32, #tpu.memory_space<vmem>>
    %dma_start3A_451 = arith.constant 0 : i32
    %dma_start3A_452 = arith.constant 0 : i32
    %dma_start3A_453 = tpu.memref_slice %arg5[%add3A_447, %dma_start3A_451, %dma_start3A_452] : memref<1024x200x32xf32, #tpu.memory_space<hbm>> -> memref<1x200x32xf32, #tpu.memory_space<hbm>>
    %dma_start3A_454 = tpu.memref_squeeze %dma_start3A_453 : memref<1x200x32xf32, #tpu.memory_space<hbm>> -> memref<200x32xf32, #tpu.memory_space<hbm>>
    %dma_start3A_455 = arith.constant 0 : i32
    %dma_start3A_456 = arith.constant 0 : i32
    %dma_start3A_457 = tpu.memref_slice %arg5[%add3A_447, %dma_start3A_455, %dma_start3A_456] : memref<1024x200x32xf32, #tpu.memory_space<hbm>> -> memref<1x200x32xf32, #tpu.memory_space<hbm>>
    %dma_start3A_458 = tpu.memref_squeeze %dma_start3A_457 : memref<1x200x32xf32, #tpu.memory_space<hbm>> -> memref<200x32xf32, #tpu.memory_space<hbm>>
    %dma_start3A_459 = arith.constant 600 : i32
    %dma_start3A_460 = arith.constant 0 : i32
    %dma_start3A_461 = tpu.memref_slice %arg11[%dma_start3A_459, %dma_start3A_460] : memref<800x32xf32, #tpu.memory_space<vmem>> -> memref<200x32xf32, #tpu.memory_space<vmem>>
    tpu.enqueue_dma source(%dma_start3A_461 : memref<200x32xf32, #tpu.memory_space<vmem>>) target(%dma_start3A_458 : memref<200x32xf32, #tpu.memory_space<hbm>>) target_semaphore(%arg19 : memref<!tpu.dma_semaphore, #tpu.memory_space<semaphore_mem>>)
    %dma_wait3A_462 = arith.constant 3200 : i32
    %dma_wait3A_463 = tpu.memref_slice %arg6[%dma_wait3A_462] : memref<6400xi32, #tpu.memory_space<vmem>> -> memref<800xi32, #tpu.memory_space<vmem>>
    %dma_wait3A_464 = arith.constant 0 : i32
    %dma_wait3A_465 = arith.constant 0 : i32
    %dma_wait3A_466 = tpu.memref_slice %arg2[%dma_wait3A_464, %dma_wait3A_465] : memref<1000000x32xf32, #tpu.memory_space<hbm>> -> memref<1000000x32xf32, #tpu.memory_space<hbm>>
    tpu.wait_indirect_dma semaphore(%arg12 : memref<!tpu.dma_semaphore, #tpu.memory_space<semaphore_mem>>) src(%dma_wait3A_466 : memref<1000000x32xf32, #tpu.memory_space<hbm>>) dst(%arg8 : memref<800x32xf32, #tpu.memory_space<vmem>>)
    %dma_wait3A_467 = arith.constant 0 : i32
    %dma_wait3A_468 = arith.constant 0 : i32
    %dma_wait3A_469 = tpu.memref_slice %arg10[%dma_wait3A_467, %dma_wait3A_468] : memref<800x32xf32, #tpu.memory_space<vmem>> -> memref<200x32xf32, #tpu.memory_space<vmem>>
    %dma_wait3A_470 = arith.constant 0 : i32
    %dma_wait3A_471 = arith.constant 0 : i32
    %dma_wait3A_472 = tpu.memref_slice %arg5[%add3A_258, %dma_wait3A_470, %dma_wait3A_471] : memref<1024x200x32xf32, #tpu.memory_space<hbm>> -> memref<1x200x32xf32, #tpu.memory_space<hbm>>
    %dma_wait3A_473 = tpu.memref_squeeze %dma_wait3A_472 : memref<1x200x32xf32, #tpu.memory_space<hbm>> -> memref<200x32xf32, #tpu.memory_space<hbm>>
    %dma_wait3A_474 = arith.constant 0 : i32
    %dma_wait3A_475 = arith.constant 0 : i32
    %dma_wait3A_476 = tpu.memref_slice %arg5[%add3A_258, %dma_wait3A_474, %dma_wait3A_475] : memref<1024x200x32xf32, #tpu.memory_space<hbm>> -> memref<1x200x32xf32, #tpu.memory_space<hbm>>
    %dma_wait3A_477 = tpu.memref_squeeze %dma_wait3A_476 : memref<1x200x32xf32, #tpu.memory_space<hbm>> -> memref<200x32xf32, #tpu.memory_space<hbm>>
    %dma_wait3A_478 = arith.constant 0 : i32
    %dma_wait3A_479 = arith.constant 0 : i32
    %dma_wait3A_480 = tpu.memref_slice %arg10[%dma_wait3A_478, %dma_wait3A_479] : memref<800x32xf32, #tpu.memory_space<vmem>> -> memref<200x32xf32, #tpu.memory_space<vmem>>
    tpu.wait_dma2 semaphore(%arg18 : memref<!tpu.dma_semaphore, #tpu.memory_space<semaphore_mem>>) src(%dma_wait3A_480 : memref<200x32xf32, #tpu.memory_space<vmem>>) dst(%dma_wait3A_477 : memref<200x32xf32, #tpu.memory_space<hbm>>)
    %dma_wait3A_481 = arith.constant 200 : i32
    %dma_wait3A_482 = arith.constant 0 : i32
    %dma_wait3A_483 = tpu.memref_slice %arg10[%dma_wait3A_481, %dma_wait3A_482] : memref<800x32xf32, #tpu.memory_space<vmem>> -> memref<200x32xf32, #tpu.memory_space<vmem>>
    %dma_wait3A_484 = arith.constant 0 : i32
    %dma_wait3A_485 = arith.constant 0 : i32
    %dma_wait3A_486 = tpu.memref_slice %arg5[%add3A_274, %dma_wait3A_484, %dma_wait3A_485] : memref<1024x200x32xf32, #tpu.memory_space<hbm>> -> memref<1x200x32xf32, #tpu.memory_space<hbm>>
    %dma_wait3A_487 = tpu.memref_squeeze %dma_wait3A_486 : memref<1x200x32xf32, #tpu.memory_space<hbm>> -> memref<200x32xf32, #tpu.memory_space<hbm>>
    %dma_wait3A_488 = arith.constant 0 : i32
    %dma_wait3A_489 = arith.constant 0 : i32
    %dma_wait3A_490 = tpu.memref_slice %arg5[%add3A_274, %dma_wait3A_488, %dma_wait3A_489] : memref<1024x200x32xf32, #tpu.memory_space<hbm>> -> memref<1x200x32xf32, #tpu.memory_space<hbm>>
    %dma_wait3A_491 = tpu.memref_squeeze %dma_wait3A_490 : memref<1x200x32xf32, #tpu.memory_space<hbm>> -> memref<200x32xf32, #tpu.memory_space<hbm>>
    %dma_wait3A_492 = arith.constant 200 : i32
    %dma_wait3A_493 = arith.constant 0 : i32
    %dma_wait3A_494 = tpu.memref_slice %arg10[%dma_wait3A_492, %dma_wait3A_493] : memref<800x32xf32, #tpu.memory_space<vmem>> -> memref<200x32xf32, #tpu.memory_space<vmem>>
    tpu.wait_dma2 semaphore(%arg18 : memref<!tpu.dma_semaphore, #tpu.memory_space<semaphore_mem>>) src(%dma_wait3A_494 : memref<200x32xf32, #tpu.memory_space<vmem>>) dst(%dma_wait3A_491 : memref<200x32xf32, #tpu.memory_space<hbm>>)
    %dma_wait3A_495 = arith.constant 400 : i32
    %dma_wait3A_496 = arith.constant 0 : i32
    %dma_wait3A_497 = tpu.memref_slice %arg10[%dma_wait3A_495, %dma_wait3A_496] : memref<800x32xf32, #tpu.memory_space<vmem>> -> memref<200x32xf32, #tpu.memory_space<vmem>>
    %dma_wait3A_498 = arith.constant 0 : i32
    %dma_wait3A_499 = arith.constant 0 : i32
    %dma_wait3A_500 = tpu.memref_slice %arg5[%add3A_290, %dma_wait3A_498, %dma_wait3A_499] : memref<1024x200x32xf32, #tpu.memory_space<hbm>> -> memref<1x200x32xf32, #tpu.memory_space<hbm>>
    %dma_wait3A_501 = tpu.memref_squeeze %dma_wait3A_500 : memref<1x200x32xf32, #tpu.memory_space<hbm>> -> memref<200x32xf32, #tpu.memory_space<hbm>>
    %dma_wait3A_502 = arith.constant 0 : i32
    %dma_wait3A_503 = arith.constant 0 : i32
    %dma_wait3A_504 = tpu.memref_slice %arg5[%add3A_290, %dma_wait3A_502, %dma_wait3A_503] : memref<1024x200x32xf32, #tpu.memory_space<hbm>> -> memref<1x200x32xf32, #tpu.memory_space<hbm>>
    %dma_wait3A_505 = tpu.memref_squeeze %dma_wait3A_504 : memref<1x200x32xf32, #tpu.memory_space<hbm>> -> memref<200x32xf32, #tpu.memory_space<hbm>>
    %dma_wait3A_506 = arith.constant 400 : i32
    %dma_wait3A_507 = arith.constant 0 : i32
    %dma_wait3A_508 = tpu.memref_slice %arg10[%dma_wait3A_506, %dma_wait3A_507] : memref<800x32xf32, #tpu.memory_space<vmem>> -> memref<200x32xf32, #tpu.memory_space<vmem>>
    tpu.wait_dma2 semaphore(%arg18 : memref<!tpu.dma_semaphore, #tpu.memory_space<semaphore_mem>>) src(%dma_wait3A_508 : memref<200x32xf32, #tpu.memory_space<vmem>>) dst(%dma_wait3A_505 : memref<200x32xf32, #tpu.memory_space<hbm>>)
    %dma_wait3A_509 = arith.constant 600 : i32
    %dma_wait3A_510 = arith.constant 0 : i32
    %dma_wait3A_511 = tpu.memref_slice %arg10[%dma_wait3A_509, %dma_wait3A_510] : memref<800x32xf32, #tpu.memory_space<vmem>> -> memref<200x32xf32, #tpu.memory_space<vmem>>
    %dma_wait3A_512 = arith.constant 0 : i32
    %dma_wait3A_513 = arith.constant 0 : i32
    %dma_wait3A_514 = tpu.memref_slice %arg5[%add3A_306, %dma_wait3A_512, %dma_wait3A_513] : memref<1024x200x32xf32, #tpu.memory_space<hbm>> -> memref<1x200x32xf32, #tpu.memory_space<hbm>>
    %dma_wait3A_515 = tpu.memref_squeeze %dma_wait3A_514 : memref<1x200x32xf32, #tpu.memory_space<hbm>> -> memref<200x32xf32, #tpu.memory_space<hbm>>
    %dma_wait3A_516 = arith.constant 0 : i32
    %dma_wait3A_517 = arith.constant 0 : i32
    %dma_wait3A_518 = tpu.memref_slice %arg5[%add3A_306, %dma_wait3A_516, %dma_wait3A_517] : memref<1024x200x32xf32, #tpu.memory_space<hbm>> -> memref<1x200x32xf32, #tpu.memory_space<hbm>>
    %dma_wait3A_519 = tpu.memref_squeeze %dma_wait3A_518 : memref<1x200x32xf32, #tpu.memory_space<hbm>> -> memref<200x32xf32, #tpu.memory_space<hbm>>
    %dma_wait3A_520 = arith.constant 600 : i32
    %dma_wait3A_521 = arith.constant 0 : i32
    %dma_wait3A_522 = tpu.memref_slice %arg10[%dma_wait3A_520, %dma_wait3A_521] : memref<800x32xf32, #tpu.memory_space<vmem>> -> memref<200x32xf32, #tpu.memory_space<vmem>>
    tpu.wait_dma2 semaphore(%arg18 : memref<!tpu.dma_semaphore, #tpu.memory_space<semaphore_mem>>) src(%dma_wait3A_522 : memref<200x32xf32, #tpu.memory_space<vmem>>) dst(%dma_wait3A_519 : memref<200x32xf32, #tpu.memory_space<hbm>>)
    %dma_start3A_523 = arith.constant 4800 : i32
    %dma_start3A_524 = tpu.memref_slice %arg6[%dma_start3A_523] : memref<6400xi32, #tpu.memory_space<vmem>> -> memref<800xi32, #tpu.memory_space<vmem>>
    %dma_start3A_525 = arith.constant 0 : i32
    %dma_start3A_526 = arith.constant 0 : i32
    %dma_start3A_527 = tpu.memref_slice %arg2[%dma_start3A_525, %dma_start3A_526] : memref<1000000x32xf32, #tpu.memory_space<hbm>> -> memref<1000000x32xf32, #tpu.memory_space<hbm>>
    tpu.enqueue_indirect_dma source(%dma_start3A_527 : memref<1000000x32xf32, #tpu.memory_space<hbm>>) target(%arg10 : memref<800x32xf32, #tpu.memory_space<vmem>>) offsets(%dma_start3A_524 : memref<800xi32, #tpu.memory_space<vmem>>) semaphore(%arg14 : memref<!tpu.dma_semaphore, #tpu.memory_space<semaphore_mem>>)
    %scan3A_528 = arith.constant 0 : i32
    %scan3A_529 = arith.constant 0 : i32
    %scan3A_530 = arith.constant 200 : i32
    %scan3A_531 = arith.addi %scan3A_529, %scan3A_530 : i32
    %scan3A_532 = arith.constant 1 : i32
    %scan3A_533 = scf.for %scan3A_1128 = %scan3A_529 to %scan3A_531 step %scan3A_532 iter_args(%scan3A_1129 = %scan3A_528) -> (i32)  : i32 {
      %get3A = arith.index_cast %scan3A_1128 : i32 to index
      %get3A_1130 = arith.constant 0 : index
      %get3A_1131 = tpu.vector_load %arg7[%get3A, %get3A_1130] {strides = array<i32>} : memref<200x32xf32, #tpu.memory_space<vmem>>, vector<1x16xf32>,
      %get3A_1132 = vector.shape_cast %get3A_1131 : vector<1x16xf32> to vector<16xf32>
      %add3A_1133 = arith.constant 0 : i32
      %add3A_1134 = arith.addi %add3A_1133, %scan3A_1128 : i32
      %get3A_1135 = arith.index_cast %add3A_1134 : i32 to index
      %get3A_1136 = arith.constant 0 : index
      %get3A_1137 = tpu.vector_load %arg8[%get3A_1135, %get3A_1136] {strides = array<i32>} : memref<800x32xf32, #tpu.memory_space<vmem>>, vector<1x16xf32>,
      %get3A_1138 = vector.shape_cast %get3A_1137 : vector<1x16xf32> to vector<16xf32>
      %add3A_1139 = arith.addf %get3A_1138, %get3A_1132 : vector<16xf32>
      %swap3A = arith.index_cast %add3A_1134 : i32 to index
      %swap3A_1140 = arith.constant 0 : index
      %swap3A_1141 = tpu.vector_load %arg8[%swap3A, %swap3A_1140] {strides = array<i32>} : memref<800x32xf32, #tpu.memory_space<vmem>>, vector<1x16xf32>,
      %swap3A_1142 = vector.shape_cast %swap3A_1141 : vector<1x16xf32> to vector<16xf32>
      %swap3A_1143 = vector.shape_cast %add3A_1139 : vector<16xf32> to vector<1x16xf32>
      tpu.vector_store %arg8[%swap3A, %swap3A_1140], %swap3A_1143 {strides = array<i32>} : memref<800x32xf32, #tpu.memory_space<vmem>>, vector<1x16xf32>,
      %add3A_1144 = arith.constant 200 : i32
      %add3A_1145 = arith.addi %add3A_1144, %scan3A_1128 : i32
      %get3A_1146 = arith.index_cast %add3A_1145 : i32 to index
      %get3A_1147 = arith.constant 0 : index
      %get3A_1148 = tpu.vector_load %arg8[%get3A_1146, %get3A_1147] {strides = array<i32>} : memref<800x32xf32, #tpu.memory_space<vmem>>, vector<1x16xf32>,
      %get3A_1149 = vector.shape_cast %get3A_1148 : vector<1x16xf32> to vector<16xf32>
      %add3A_1150 = arith.addf %get3A_1149, %get3A_1132 : vector<16xf32>
      %swap3A_1151 = arith.index_cast %add3A_1145 : i32 to index
      %swap3A_1152 = arith.constant 0 : index
      %swap3A_1153 = tpu.vector_load %arg8[%swap3A_1151, %swap3A_1152] {strides = array<i32>} : memref<800x32xf32, #tpu.memory_space<vmem>>, vector<1x16xf32>,
      %swap3A_1154 = vector.shape_cast %swap3A_1153 : vector<1x16xf32> to vector<16xf32>
      %swap3A_1155 = vector.shape_cast %add3A_1150 : vector<16xf32> to vector<1x16xf32>
      tpu.vector_store %arg8[%swap3A_1151, %swap3A_1152], %swap3A_1155 {strides = array<i32>} : memref<800x32xf32, #tpu.memory_space<vmem>>, vector<1x16xf32>,
      %add3A_1156 = arith.constant 400 : i32
      %add3A_1157 = arith.addi %add3A_1156, %scan3A_1128 : i32
      %get3A_1158 = arith.index_cast %add3A_1157 : i32 to index
      %get3A_1159 = arith.constant 0 : index
      %get3A_1160 = tpu.vector_load %arg8[%get3A_1158, %get3A_1159] {strides = array<i32>} : memref<800x32xf32, #tpu.memory_space<vmem>>, vector<1x16xf32>,
      %get3A_1161 = vector.shape_cast %get3A_1160 : vector<1x16xf32> to vector<16xf32>
      %add3A_1162 = arith.addf %get3A_1161, %get3A_1132 : vector<16xf32>
      %swap3A_1163 = arith.index_cast %add3A_1157 : i32 to index
      %swap3A_1164 = arith.constant 0 : index
      %swap3A_1165 = tpu.vector_load %arg8[%swap3A_1163, %swap3A_1164] {strides = array<i32>} : memref<800x32xf32, #tpu.memory_space<vmem>>, vector<1x16xf32>,
      %swap3A_1166 = vector.shape_cast %swap3A_1165 : vector<1x16xf32> to vector<16xf32>
      %swap3A_1167 = vector.shape_cast %add3A_1162 : vector<16xf32> to vector<1x16xf32>
      tpu.vector_store %arg8[%swap3A_1163, %swap3A_1164], %swap3A_1167 {strides = array<i32>} : memref<800x32xf32, #tpu.memory_space<vmem>>, vector<1x16xf32>,
      %add3A_1168 = arith.constant 600 : i32
      %add3A_1169 = arith.addi %add3A_1168, %scan3A_1128 : i32
      %get3A_1170 = arith.index_cast %add3A_1169 : i32 to index
      %get3A_1171 = arith.constant 0 : index
      %get3A_1172 = tpu.vector_load %arg8[%get3A_1170, %get3A_1171] {strides = array<i32>} : memref<800x32xf32, #tpu.memory_space<vmem>>, vector<1x16xf32>,
      %get3A_1173 = vector.shape_cast %get3A_1172 : vector<1x16xf32> to vector<16xf32>
      %add3A_1174 = arith.addf %get3A_1173, %get3A_1132 : vector<16xf32>
      %swap3A_1175 = arith.index_cast %add3A_1169 : i32 to index
      %swap3A_1176 = arith.constant 0 : index
      %swap3A_1177 = tpu.vector_load %arg8[%swap3A_1175, %swap3A_1176] {strides = array<i32>} : memref<800x32xf32, #tpu.memory_space<vmem>>, vector<1x16xf32>,
      %swap3A_1178 = vector.shape_cast %swap3A_1177 : vector<1x16xf32> to vector<16xf32>
      %swap3A_1179 = vector.shape_cast %add3A_1174 : vector<16xf32> to vector<1x16xf32>
      tpu.vector_store %arg8[%swap3A_1175, %swap3A_1176], %swap3A_1179 {strides = array<i32>} : memref<800x32xf32, #tpu.memory_space<vmem>>, vector<1x16xf32>,
      %get3A_1180 = arith.index_cast %scan3A_1128 : i32 to index
      %get3A_1181 = arith.constant 16 : index
      %get3A_1182 = tpu.vector_load %arg7[%get3A_1180, %get3A_1181] {strides = array<i32>} : memref<200x32xf32, #tpu.memory_space<vmem>>, vector<1x16xf32>,
      %get3A_1183 = vector.shape_cast %get3A_1182 : vector<1x16xf32> to vector<16xf32>
      %add3A_1184 = arith.constant 0 : i32
      %add3A_1185 = arith.addi %add3A_1184, %scan3A_1128 : i32
      %get3A_1186 = arith.index_cast %add3A_1185 : i32 to index
      %get3A_1187 = arith.constant 16 : index
      %get3A_1188 = tpu.vector_load %arg8[%get3A_1186, %get3A_1187] {strides = array<i32>} : memref<800x32xf32, #tpu.memory_space<vmem>>, vector<1x16xf32>,
      %get3A_1189 = vector.shape_cast %get3A_1188 : vector<1x16xf32> to vector<16xf32>
      %add3A_1190 = arith.addf %get3A_1189, %get3A_1183 : vector<16xf32>
      %swap3A_1191 = arith.index_cast %add3A_1185 : i32 to index
      %swap3A_1192 = arith.constant 16 : index
      %swap3A_1193 = tpu.vector_load %arg8[%swap3A_1191, %swap3A_1192] {strides = array<i32>} : memref<800x32xf32, #tpu.memory_space<vmem>>, vector<1x16xf32>,
      %swap3A_1194 = vector.shape_cast %swap3A_1193 : vector<1x16xf32> to vector<16xf32>
      %swap3A_1195 = vector.shape_cast %add3A_1190 : vector<16xf32> to vector<1x16xf32>
      tpu.vector_store %arg8[%swap3A_1191, %swap3A_1192], %swap3A_1195 {strides = array<i32>} : memref<800x32xf32, #tpu.memory_space<vmem>>, vector<1x16xf32>,
      %add3A_1196 = arith.constant 200 : i32
      %add3A_1197 = arith.addi %add3A_1196, %scan3A_1128 : i32
      %get3A_1198 = arith.index_cast %add3A_1197 : i32 to index
      %get3A_1199 = arith.constant 16 : index
      %get3A_1200 = tpu.vector_load %arg8[%get3A_1198, %get3A_1199] {strides = array<i32>} : memref<800x32xf32, #tpu.memory_space<vmem>>, vector<1x16xf32>,
      %get3A_1201 = vector.shape_cast %get3A_1200 : vector<1x16xf32> to vector<16xf32>
      %add3A_1202 = arith.addf %get3A_1201, %get3A_1183 : vector<16xf32>
      %swap3A_1203 = arith.index_cast %add3A_1197 : i32 to index
      %swap3A_1204 = arith.constant 16 : index
      %swap3A_1205 = tpu.vector_load %arg8[%swap3A_1203, %swap3A_1204] {strides = array<i32>} : memref<800x32xf32, #tpu.memory_space<vmem>>, vector<1x16xf32>,
      %swap3A_1206 = vector.shape_cast %swap3A_1205 : vector<1x16xf32> to vector<16xf32>
      %swap3A_1207 = vector.shape_cast %add3A_1202 : vector<16xf32> to vector<1x16xf32>
      tpu.vector_store %arg8[%swap3A_1203, %swap3A_1204], %swap3A_1207 {strides = array<i32>} : memref<800x32xf32, #tpu.memory_space<vmem>>, vector<1x16xf32>,
      %add3A_1208 = arith.constant 400 : i32
      %add3A_1209 = arith.addi %add3A_1208, %scan3A_1128 : i32
      %get3A_1210 = arith.index_cast %add3A_1209 : i32 to index
      %get3A_1211 = arith.constant 16 : index
      %get3A_1212 = tpu.vector_load %arg8[%get3A_1210, %get3A_1211] {strides = array<i32>} : memref<800x32xf32, #tpu.memory_space<vmem>>, vector<1x16xf32>,
      %get3A_1213 = vector.shape_cast %get3A_1212 : vector<1x16xf32> to vector<16xf32>
      %add3A_1214 = arith.addf %get3A_1213, %get3A_1183 : vector<16xf32>
      %swap3A_1215 = arith.index_cast %add3A_1209 : i32 to index
      %swap3A_1216 = arith.constant 16 : index
      %swap3A_1217 = tpu.vector_load %arg8[%swap3A_1215, %swap3A_1216] {strides = array<i32>} : memref<800x32xf32, #tpu.memory_space<vmem>>, vector<1x16xf32>,
      %swap3A_1218 = vector.shape_cast %swap3A_1217 : vector<1x16xf32> to vector<16xf32>
      %swap3A_1219 = vector.shape_cast %add3A_1214 : vector<16xf32> to vector<1x16xf32>
      tpu.vector_store %arg8[%swap3A_1215, %swap3A_1216], %swap3A_1219 {strides = array<i32>} : memref<800x32xf32, #tpu.memory_space<vmem>>, vector<1x16xf32>,
      %add3A_1220 = arith.constant 600 : i32
      %add3A_1221 = arith.addi %add3A_1220, %scan3A_1128 : i32
      %get3A_1222 = arith.index_cast %add3A_1221 : i32 to index
      %get3A_1223 = arith.constant 16 : index
      %get3A_1224 = tpu.vector_load %arg8[%get3A_1222, %get3A_1223] {strides = array<i32>} : memref<800x32xf32, #tpu.memory_space<vmem>>, vector<1x16xf32>,
      %get3A_1225 = vector.shape_cast %get3A_1224 : vector<1x16xf32> to vector<16xf32>
      %add3A_1226 = arith.addf %get3A_1225, %get3A_1183 : vector<16xf32>
      %swap3A_1227 = arith.index_cast %add3A_1221 : i32 to index
      %swap3A_1228 = arith.constant 16 : index
      %swap3A_1229 = tpu.vector_load %arg8[%swap3A_1227, %swap3A_1228] {strides = array<i32>} : memref<800x32xf32, #tpu.memory_space<vmem>>, vector<1x16xf32>,
      %swap3A_1230 = vector.shape_cast %swap3A_1229 : vector<1x16xf32> to vector<16xf32>
      %swap3A_1231 = vector.shape_cast %add3A_1226 : vector<16xf32> to vector<1x16xf32>
      tpu.vector_store %arg8[%swap3A_1227, %swap3A_1228], %swap3A_1231 {strides = array<i32>} : memref<800x32xf32, #tpu.memory_space<vmem>>, vector<1x16xf32>,
      %scan3A_1232 = arith.constant 0 : i32
      scf.yield %scan3A_1232 : i32
    }
    %scan3A_534 = arith.constant 200 : i32
    %mul3A_535 = arith.constant 32 : i32
    %mul3A_536 = arith.muli %add3A, %mul3A_535 : i32
    %add3A_537 = arith.constant 16 : i32
    %add3A_538 = arith.addi %mul3A_536, %add3A_537 : i32
    %add3A_539 = arith.constant 0 : i32
    %add3A_540 = arith.addi %add3A_538, %add3A_539 : i32
    %dma_start3A_541 = arith.constant 0 : i32
    %dma_start3A_542 = arith.constant 0 : i32
    %dma_start3A_543 = tpu.memref_slice %arg8[%dma_start3A_541, %dma_start3A_542] : memref<800x32xf32, #tpu.memory_space<vmem>> -> memref<200x32xf32, #tpu.memory_space<vmem>>
    %dma_start3A_544 = arith.constant 0 : i32
    %dma_start3A_545 = arith.constant 0 : i32
    %dma_start3A_546 = tpu.memref_slice %arg5[%add3A_540, %dma_start3A_544, %dma_start3A_545] : memref<1024x200x32xf32, #tpu.memory_space<hbm>> -> memref<1x200x32xf32, #tpu.memory_space<hbm>>
    %dma_start3A_547 = tpu.memref_squeeze %dma_start3A_546 : memref<1x200x32xf32, #tpu.memory_space<hbm>> -> memref<200x32xf32, #tpu.memory_space<hbm>>
    %dma_start3A_548 = arith.constant 0 : i32
    %dma_start3A_549 = arith.constant 0 : i32
    %dma_start3A_550 = tpu.memref_slice %arg5[%add3A_540, %dma_start3A_548, %dma_start3A_549] : memref<1024x200x32xf32, #tpu.memory_space<hbm>> -> memref<1x200x32xf32, #tpu.memory_space<hbm>>
    %dma_start3A_551 = tpu.memref_squeeze %dma_start3A_550 : memref<1x200x32xf32, #tpu.memory_space<hbm>> -> memref<200x32xf32, #tpu.memory_space<hbm>>
    %dma_start3A_552 = arith.constant 0 : i32
    %dma_start3A_553 = arith.constant 0 : i32
    %dma_start3A_554 = tpu.memref_slice %arg8[%dma_start3A_552, %dma_start3A_553] : memref<800x32xf32, #tpu.memory_space<vmem>> -> memref<200x32xf32, #tpu.memory_space<vmem>>
    tpu.enqueue_dma source(%dma_start3A_554 : memref<200x32xf32, #tpu.memory_space<vmem>>) target(%dma_start3A_551 : memref<200x32xf32, #tpu.memory_space<hbm>>) target_semaphore(%arg16 : memref<!tpu.dma_semaphore, #tpu.memory_space<semaphore_mem>>)
    %add3A_555 = arith.constant 1 : i32
    %add3A_556 = arith.addi %add3A_538, %add3A_555 : i32
    %dma_start3A_557 = arith.constant 200 : i32
    %dma_start3A_558 = arith.constant 0 : i32
    %dma_start3A_559 = tpu.memref_slice %arg8[%dma_start3A_557, %dma_start3A_558] : memref<800x32xf32, #tpu.memory_space<vmem>> -> memref<200x32xf32, #tpu.memory_space<vmem>>
    %dma_start3A_560 = arith.constant 0 : i32
    %dma_start3A_561 = arith.constant 0 : i32
    %dma_start3A_562 = tpu.memref_slice %arg5[%add3A_556, %dma_start3A_560, %dma_start3A_561] : memref<1024x200x32xf32, #tpu.memory_space<hbm>> -> memref<1x200x32xf32, #tpu.memory_space<hbm>>
    %dma_start3A_563 = tpu.memref_squeeze %dma_start3A_562 : memref<1x200x32xf32, #tpu.memory_space<hbm>> -> memref<200x32xf32, #tpu.memory_space<hbm>>
    %dma_start3A_564 = arith.constant 0 : i32
    %dma_start3A_565 = arith.constant 0 : i32
    %dma_start3A_566 = tpu.memref_slice %arg5[%add3A_556, %dma_start3A_564, %dma_start3A_565] : memref<1024x200x32xf32, #tpu.memory_space<hbm>> -> memref<1x200x32xf32, #tpu.memory_space<hbm>>
    %dma_start3A_567 = tpu.memref_squeeze %dma_start3A_566 : memref<1x200x32xf32, #tpu.memory_space<hbm>> -> memref<200x32xf32, #tpu.memory_space<hbm>>
    %dma_start3A_568 = arith.constant 200 : i32
    %dma_start3A_569 = arith.constant 0 : i32
    %dma_start3A_570 = tpu.memref_slice %arg8[%dma_start3A_568, %dma_start3A_569] : memref<800x32xf32, #tpu.memory_space<vmem>> -> memref<200x32xf32, #tpu.memory_space<vmem>>
    tpu.enqueue_dma source(%dma_start3A_570 : memref<200x32xf32, #tpu.memory_space<vmem>>) target(%dma_start3A_567 : memref<200x32xf32, #tpu.memory_space<hbm>>) target_semaphore(%arg16 : memref<!tpu.dma_semaphore, #tpu.memory_space<semaphore_mem>>)
    %add3A_571 = arith.constant 2 : i32
    %add3A_572 = arith.addi %add3A_538, %add3A_571 : i32
    %dma_start3A_573 = arith.constant 400 : i32
    %dma_start3A_574 = arith.constant 0 : i32
    %dma_start3A_575 = tpu.memref_slice %arg8[%dma_start3A_573, %dma_start3A_574] : memref<800x32xf32, #tpu.memory_space<vmem>> -> memref<200x32xf32, #tpu.memory_space<vmem>>
    %dma_start3A_576 = arith.constant 0 : i32
    %dma_start3A_577 = arith.constant 0 : i32
    %dma_start3A_578 = tpu.memref_slice %arg5[%add3A_572, %dma_start3A_576, %dma_start3A_577] : memref<1024x200x32xf32, #tpu.memory_space<hbm>> -> memref<1x200x32xf32, #tpu.memory_space<hbm>>
    %dma_start3A_579 = tpu.memref_squeeze %dma_start3A_578 : memref<1x200x32xf32, #tpu.memory_space<hbm>> -> memref<200x32xf32, #tpu.memory_space<hbm>>
    %dma_start3A_580 = arith.constant 0 : i32
    %dma_start3A_581 = arith.constant 0 : i32
    %dma_start3A_582 = tpu.memref_slice %arg5[%add3A_572, %dma_start3A_580, %dma_start3A_581] : memref<1024x200x32xf32, #tpu.memory_space<hbm>> -> memref<1x200x32xf32, #tpu.memory_space<hbm>>
    %dma_start3A_583 = tpu.memref_squeeze %dma_start3A_582 : memref<1x200x32xf32, #tpu.memory_space<hbm>> -> memref<200x32xf32, #tpu.memory_space<hbm>>
    %dma_start3A_584 = arith.constant 400 : i32
    %dma_start3A_585 = arith.constant 0 : i32
    %dma_start3A_586 = tpu.memref_slice %arg8[%dma_start3A_584, %dma_start3A_585] : memref<800x32xf32, #tpu.memory_space<vmem>> -> memref<200x32xf32, #tpu.memory_space<vmem>>
    tpu.enqueue_dma source(%dma_start3A_586 : memref<200x32xf32, #tpu.memory_space<vmem>>) target(%dma_start3A_583 : memref<200x32xf32, #tpu.memory_space<hbm>>) target_semaphore(%arg16 : memref<!tpu.dma_semaphore, #tpu.memory_space<semaphore_mem>>)
    %add3A_587 = arith.constant 3 : i32
    %add3A_588 = arith.addi %add3A_538, %add3A_587 : i32
    %dma_start3A_589 = arith.constant 600 : i32
    %dma_start3A_590 = arith.constant 0 : i32
    %dma_start3A_591 = tpu.memref_slice %arg8[%dma_start3A_589, %dma_start3A_590] : memref<800x32xf32, #tpu.memory_space<vmem>> -> memref<200x32xf32, #tpu.memory_space<vmem>>
    %dma_start3A_592 = arith.constant 0 : i32
    %dma_start3A_593 = arith.constant 0 : i32
    %dma_start3A_594 = tpu.memref_slice %arg5[%add3A_588, %dma_start3A_592, %dma_start3A_593] : memref<1024x200x32xf32, #tpu.memory_space<hbm>> -> memref<1x200x32xf32, #tpu.memory_space<hbm>>
    %dma_start3A_595 = tpu.memref_squeeze %dma_start3A_594 : memref<1x200x32xf32, #tpu.memory_space<hbm>> -> memref<200x32xf32, #tpu.memory_space<hbm>>
    %dma_start3A_596 = arith.constant 0 : i32
    %dma_start3A_597 = arith.constant 0 : i32
    %dma_start3A_598 = tpu.memref_slice %arg5[%add3A_588, %dma_start3A_596, %dma_start3A_597] : memref<1024x200x32xf32, #tpu.memory_space<hbm>> -> memref<1x200x32xf32, #tpu.memory_space<hbm>>
    %dma_start3A_599 = tpu.memref_squeeze %dma_start3A_598 : memref<1x200x32xf32, #tpu.memory_space<hbm>> -> memref<200x32xf32, #tpu.memory_space<hbm>>
    %dma_start3A_600 = arith.constant 600 : i32
    %dma_start3A_601 = arith.constant 0 : i32
    %dma_start3A_602 = tpu.memref_slice %arg8[%dma_start3A_600, %dma_start3A_601] : memref<800x32xf32, #tpu.memory_space<vmem>> -> memref<200x32xf32, #tpu.memory_space<vmem>>
    tpu.enqueue_dma source(%dma_start3A_602 : memref<200x32xf32, #tpu.memory_space<vmem>>) target(%dma_start3A_599 : memref<200x32xf32, #tpu.memory_space<hbm>>) target_semaphore(%arg16 : memref<!tpu.dma_semaphore, #tpu.memory_space<semaphore_mem>>)
    %dma_wait3A_603 = arith.constant 4000 : i32
    %dma_wait3A_604 = tpu.memref_slice %arg6[%dma_wait3A_603] : memref<6400xi32, #tpu.memory_space<vmem>> -> memref<800xi32, #tpu.memory_space<vmem>>
    %dma_wait3A_605 = arith.constant 0 : i32
    %dma_wait3A_606 = arith.constant 0 : i32
    %dma_wait3A_607 = tpu.memref_slice %arg2[%dma_wait3A_605, %dma_wait3A_606] : memref<1000000x32xf32, #tpu.memory_space<hbm>> -> memref<1000000x32xf32, #tpu.memory_space<hbm>>
    tpu.wait_indirect_dma semaphore(%arg13 : memref<!tpu.dma_semaphore, #tpu.memory_space<semaphore_mem>>) src(%dma_wait3A_607 : memref<1000000x32xf32, #tpu.memory_space<hbm>>) dst(%arg9 : memref<800x32xf32, #tpu.memory_space<vmem>>)
    %dma_wait3A_608 = arith.constant 0 : i32
    %dma_wait3A_609 = arith.constant 0 : i32
    %dma_wait3A_610 = tpu.memref_slice %arg11[%dma_wait3A_608, %dma_wait3A_609] : memref<800x32xf32, #tpu.memory_space<vmem>> -> memref<200x32xf32, #tpu.memory_space<vmem>>
    %dma_wait3A_611 = arith.constant 0 : i32
    %dma_wait3A_612 = arith.constant 0 : i32
    %dma_wait3A_613 = tpu.memref_slice %arg5[%add3A_399, %dma_wait3A_611, %dma_wait3A_612] : memref<1024x200x32xf32, #tpu.memory_space<hbm>> -> memref<1x200x32xf32, #tpu.memory_space<hbm>>
    %dma_wait3A_614 = tpu.memref_squeeze %dma_wait3A_613 : memref<1x200x32xf32, #tpu.memory_space<hbm>> -> memref<200x32xf32, #tpu.memory_space<hbm>>
    %dma_wait3A_615 = arith.constant 0 : i32
    %dma_wait3A_616 = arith.constant 0 : i32
    %dma_wait3A_617 = tpu.memref_slice %arg5[%add3A_399, %dma_wait3A_615, %dma_wait3A_616] : memref<1024x200x32xf32, #tpu.memory_space<hbm>> -> memref<1x200x32xf32, #tpu.memory_space<hbm>>
    %dma_wait3A_618 = tpu.memref_squeeze %dma_wait3A_617 : memref<1x200x32xf32, #tpu.memory_space<hbm>> -> memref<200x32xf32, #tpu.memory_space<hbm>>
    %dma_wait3A_619 = arith.constant 0 : i32
    %dma_wait3A_620 = arith.constant 0 : i32
    %dma_wait3A_621 = tpu.memref_slice %arg11[%dma_wait3A_619, %dma_wait3A_620] : memref<800x32xf32, #tpu.memory_space<vmem>> -> memref<200x32xf32, #tpu.memory_space<vmem>>
    tpu.wait_dma2 semaphore(%arg19 : memref<!tpu.dma_semaphore, #tpu.memory_space<semaphore_mem>>) src(%dma_wait3A_621 : memref<200x32xf32, #tpu.memory_space<vmem>>) dst(%dma_wait3A_618 : memref<200x32xf32, #tpu.memory_space<hbm>>)
    %dma_wait3A_622 = arith.constant 200 : i32
    %dma_wait3A_623 = arith.constant 0 : i32
    %dma_wait3A_624 = tpu.memref_slice %arg11[%dma_wait3A_622, %dma_wait3A_623] : memref<800x32xf32, #tpu.memory_space<vmem>> -> memref<200x32xf32, #tpu.memory_space<vmem>>
    %dma_wait3A_625 = arith.constant 0 : i32
    %dma_wait3A_626 = arith.constant 0 : i32
    %dma_wait3A_627 = tpu.memref_slice %arg5[%add3A_415, %dma_wait3A_625, %dma_wait3A_626] : memref<1024x200x32xf32, #tpu.memory_space<hbm>> -> memref<1x200x32xf32, #tpu.memory_space<hbm>>
    %dma_wait3A_628 = tpu.memref_squeeze %dma_wait3A_627 : memref<1x200x32xf32, #tpu.memory_space<hbm>> -> memref<200x32xf32, #tpu.memory_space<hbm>>
    %dma_wait3A_629 = arith.constant 0 : i32
    %dma_wait3A_630 = arith.constant 0 : i32
    %dma_wait3A_631 = tpu.memref_slice %arg5[%add3A_415, %dma_wait3A_629, %dma_wait3A_630] : memref<1024x200x32xf32, #tpu.memory_space<hbm>> -> memref<1x200x32xf32, #tpu.memory_space<hbm>>
    %dma_wait3A_632 = tpu.memref_squeeze %dma_wait3A_631 : memref<1x200x32xf32, #tpu.memory_space<hbm>> -> memref<200x32xf32, #tpu.memory_space<hbm>>
    %dma_wait3A_633 = arith.constant 200 : i32
    %dma_wait3A_634 = arith.constant 0 : i32
    %dma_wait3A_635 = tpu.memref_slice %arg11[%dma_wait3A_633, %dma_wait3A_634] : memref<800x32xf32, #tpu.memory_space<vmem>> -> memref<200x32xf32, #tpu.memory_space<vmem>>
    tpu.wait_dma2 semaphore(%arg19 : memref<!tpu.dma_semaphore, #tpu.memory_space<semaphore_mem>>) src(%dma_wait3A_635 : memref<200x32xf32, #tpu.memory_space<vmem>>) dst(%dma_wait3A_632 : memref<200x32xf32, #tpu.memory_space<hbm>>)
    %dma_wait3A_636 = arith.constant 400 : i32
    %dma_wait3A_637 = arith.constant 0 : i32
    %dma_wait3A_638 = tpu.memref_slice %arg11[%dma_wait3A_636, %dma_wait3A_637] : memref<800x32xf32, #tpu.memory_space<vmem>> -> memref<200x32xf32, #tpu.memory_space<vmem>>
    %dma_wait3A_639 = arith.constant 0 : i32
    %dma_wait3A_640 = arith.constant 0 : i32
    %dma_wait3A_641 = tpu.memref_slice %arg5[%add3A_431, %dma_wait3A_639, %dma_wait3A_640] : memref<1024x200x32xf32, #tpu.memory_space<hbm>> -> memref<1x200x32xf32, #tpu.memory_space<hbm>>
    %dma_wait3A_642 = tpu.memref_squeeze %dma_wait3A_641 : memref<1x200x32xf32, #tpu.memory_space<hbm>> -> memref<200x32xf32, #tpu.memory_space<hbm>>
    %dma_wait3A_643 = arith.constant 0 : i32
    %dma_wait3A_644 = arith.constant 0 : i32
    %dma_wait3A_645 = tpu.memref_slice %arg5[%add3A_431, %dma_wait3A_643, %dma_wait3A_644] : memref<1024x200x32xf32, #tpu.memory_space<hbm>> -> memref<1x200x32xf32, #tpu.memory_space<hbm>>
    %dma_wait3A_646 = tpu.memref_squeeze %dma_wait3A_645 : memref<1x200x32xf32, #tpu.memory_space<hbm>> -> memref<200x32xf32, #tpu.memory_space<hbm>>
    %dma_wait3A_647 = arith.constant 400 : i32
    %dma_wait3A_648 = arith.constant 0 : i32
    %dma_wait3A_649 = tpu.memref_slice %arg11[%dma_wait3A_647, %dma_wait3A_648] : memref<800x32xf32, #tpu.memory_space<vmem>> -> memref<200x32xf32, #tpu.memory_space<vmem>>
    tpu.wait_dma2 semaphore(%arg19 : memref<!tpu.dma_semaphore, #tpu.memory_space<semaphore_mem>>) src(%dma_wait3A_649 : memref<200x32xf32, #tpu.memory_space<vmem>>) dst(%dma_wait3A_646 : memref<200x32xf32, #tpu.memory_space<hbm>>)
    %dma_wait3A_650 = arith.constant 600 : i32
    %dma_wait3A_651 = arith.constant 0 : i32
    %dma_wait3A_652 = tpu.memref_slice %arg11[%dma_wait3A_650, %dma_wait3A_651] : memref<800x32xf32, #tpu.memory_space<vmem>> -> memref<200x32xf32, #tpu.memory_space<vmem>>
    %dma_wait3A_653 = arith.constant 0 : i32
    %dma_wait3A_654 = arith.constant 0 : i32
    %dma_wait3A_655 = tpu.memref_slice %arg5[%add3A_447, %dma_wait3A_653, %dma_wait3A_654] : memref<1024x200x32xf32, #tpu.memory_space<hbm>> -> memref<1x200x32xf32, #tpu.memory_space<hbm>>
    %dma_wait3A_656 = tpu.memref_squeeze %dma_wait3A_655 : memref<1x200x32xf32, #tpu.memory_space<hbm>> -> memref<200x32xf32, #tpu.memory_space<hbm>>
    %dma_wait3A_657 = arith.constant 0 : i32
    %dma_wait3A_658 = arith.constant 0 : i32
    %dma_wait3A_659 = tpu.memref_slice %arg5[%add3A_447, %dma_wait3A_657, %dma_wait3A_658] : memref<1024x200x32xf32, #tpu.memory_space<hbm>> -> memref<1x200x32xf32, #tpu.memory_space<hbm>>
    %dma_wait3A_660 = tpu.memref_squeeze %dma_wait3A_659 : memref<1x200x32xf32, #tpu.memory_space<hbm>> -> memref<200x32xf32, #tpu.memory_space<hbm>>
    %dma_wait3A_661 = arith.constant 600 : i32
    %dma_wait3A_662 = arith.constant 0 : i32
    %dma_wait3A_663 = tpu.memref_slice %arg11[%dma_wait3A_661, %dma_wait3A_662] : memref<800x32xf32, #tpu.memory_space<vmem>> -> memref<200x32xf32, #tpu.memory_space<vmem>>
    tpu.wait_dma2 semaphore(%arg19 : memref<!tpu.dma_semaphore, #tpu.memory_space<semaphore_mem>>) src(%dma_wait3A_663 : memref<200x32xf32, #tpu.memory_space<vmem>>) dst(%dma_wait3A_660 : memref<200x32xf32, #tpu.memory_space<hbm>>)
    %dma_start3A_664 = arith.constant 5600 : i32
    %dma_start3A_665 = tpu.memref_slice %arg6[%dma_start3A_664] : memref<6400xi32, #tpu.memory_space<vmem>> -> memref<800xi32, #tpu.memory_space<vmem>>
    %dma_start3A_666 = arith.constant 0 : i32
    %dma_start3A_667 = arith.constant 0 : i32
    %dma_start3A_668 = tpu.memref_slice %arg2[%dma_start3A_666, %dma_start3A_667] : memref<1000000x32xf32, #tpu.memory_space<hbm>> -> memref<1000000x32xf32, #tpu.memory_space<hbm>>
    tpu.enqueue_indirect_dma source(%dma_start3A_668 : memref<1000000x32xf32, #tpu.memory_space<hbm>>) target(%arg11 : memref<800x32xf32, #tpu.memory_space<vmem>>) offsets(%dma_start3A_665 : memref<800xi32, #tpu.memory_space<vmem>>) semaphore(%arg15 : memref<!tpu.dma_semaphore, #tpu.memory_space<semaphore_mem>>)
    %scan3A_669 = arith.constant 0 : i32
    %scan3A_670 = arith.constant 0 : i32
    %scan3A_671 = arith.constant 200 : i32
    %scan3A_672 = arith.addi %scan3A_670, %scan3A_671 : i32
    %scan3A_673 = arith.constant 1 : i32
    %scan3A_674 = scf.for %scan3A_1128 = %scan3A_670 to %scan3A_672 step %scan3A_673 iter_args(%scan3A_1129 = %scan3A_669) -> (i32)  : i32 {
      %get3A = arith.index_cast %scan3A_1128 : i32 to index
      %get3A_1130 = arith.constant 0 : index
      %get3A_1131 = tpu.vector_load %arg7[%get3A, %get3A_1130] {strides = array<i32>} : memref<200x32xf32, #tpu.memory_space<vmem>>, vector<1x16xf32>,
      %get3A_1132 = vector.shape_cast %get3A_1131 : vector<1x16xf32> to vector<16xf32>
      %add3A_1133 = arith.constant 0 : i32
      %add3A_1134 = arith.addi %add3A_1133, %scan3A_1128 : i32
      %get3A_1135 = arith.index_cast %add3A_1134 : i32 to index
      %get3A_1136 = arith.constant 0 : index
      %get3A_1137 = tpu.vector_load %arg9[%get3A_1135, %get3A_1136] {strides = array<i32>} : memref<800x32xf32, #tpu.memory_space<vmem>>, vector<1x16xf32>,
      %get3A_1138 = vector.shape_cast %get3A_1137 : vector<1x16xf32> to vector<16xf32>
      %add3A_1139 = arith.addf %get3A_1138, %get3A_1132 : vector<16xf32>
      %swap3A = arith.index_cast %add3A_1134 : i32 to index
      %swap3A_1140 = arith.constant 0 : index
      %swap3A_1141 = tpu.vector_load %arg9[%swap3A, %swap3A_1140] {strides = array<i32>} : memref<800x32xf32, #tpu.memory_space<vmem>>, vector<1x16xf32>,
      %swap3A_1142 = vector.shape_cast %swap3A_1141 : vector<1x16xf32> to vector<16xf32>
      %swap3A_1143 = vector.shape_cast %add3A_1139 : vector<16xf32> to vector<1x16xf32>
      tpu.vector_store %arg9[%swap3A, %swap3A_1140], %swap3A_1143 {strides = array<i32>} : memref<800x32xf32, #tpu.memory_space<vmem>>, vector<1x16xf32>,
      %add3A_1144 = arith.constant 200 : i32
      %add3A_1145 = arith.addi %add3A_1144, %scan3A_1128 : i32
      %get3A_1146 = arith.index_cast %add3A_1145 : i32 to index
      %get3A_1147 = arith.constant 0 : index
      %get3A_1148 = tpu.vector_load %arg9[%get3A_1146, %get3A_1147] {strides = array<i32>} : memref<800x32xf32, #tpu.memory_space<vmem>>, vector<1x16xf32>,
      %get3A_1149 = vector.shape_cast %get3A_1148 : vector<1x16xf32> to vector<16xf32>
      %add3A_1150 = arith.addf %get3A_1149, %get3A_1132 : vector<16xf32>
      %swap3A_1151 = arith.index_cast %add3A_1145 : i32 to index
      %swap3A_1152 = arith.constant 0 : index
      %swap3A_1153 = tpu.vector_load %arg9[%swap3A_1151, %swap3A_1152] {strides = array<i32>} : memref<800x32xf32, #tpu.memory_space<vmem>>, vector<1x16xf32>,
      %swap3A_1154 = vector.shape_cast %swap3A_1153 : vector<1x16xf32> to vector<16xf32>
      %swap3A_1155 = vector.shape_cast %add3A_1150 : vector<16xf32> to vector<1x16xf32>
      tpu.vector_store %arg9[%swap3A_1151, %swap3A_1152], %swap3A_1155 {strides = array<i32>} : memref<800x32xf32, #tpu.memory_space<vmem>>, vector<1x16xf32>,
      %add3A_1156 = arith.constant 400 : i32
      %add3A_1157 = arith.addi %add3A_1156, %scan3A_1128 : i32
      %get3A_1158 = arith.index_cast %add3A_1157 : i32 to index
      %get3A_1159 = arith.constant 0 : index
      %get3A_1160 = tpu.vector_load %arg9[%get3A_1158, %get3A_1159] {strides = array<i32>} : memref<800x32xf32, #tpu.memory_space<vmem>>, vector<1x16xf32>,
      %get3A_1161 = vector.shape_cast %get3A_1160 : vector<1x16xf32> to vector<16xf32>
      %add3A_1162 = arith.addf %get3A_1161, %get3A_1132 : vector<16xf32>
      %swap3A_1163 = arith.index_cast %add3A_1157 : i32 to index
      %swap3A_1164 = arith.constant 0 : index
      %swap3A_1165 = tpu.vector_load %arg9[%swap3A_1163, %swap3A_1164] {strides = array<i32>} : memref<800x32xf32, #tpu.memory_space<vmem>>, vector<1x16xf32>,
      %swap3A_1166 = vector.shape_cast %swap3A_1165 : vector<1x16xf32> to vector<16xf32>
      %swap3A_1167 = vector.shape_cast %add3A_1162 : vector<16xf32> to vector<1x16xf32>
      tpu.vector_store %arg9[%swap3A_1163, %swap3A_1164], %swap3A_1167 {strides = array<i32>} : memref<800x32xf32, #tpu.memory_space<vmem>>, vector<1x16xf32>,
      %add3A_1168 = arith.constant 600 : i32
      %add3A_1169 = arith.addi %add3A_1168, %scan3A_1128 : i32
      %get3A_1170 = arith.index_cast %add3A_1169 : i32 to index
      %get3A_1171 = arith.constant 0 : index
      %get3A_1172 = tpu.vector_load %arg9[%get3A_1170, %get3A_1171] {strides = array<i32>} : memref<800x32xf32, #tpu.memory_space<vmem>>, vector<1x16xf32>,
      %get3A_1173 = vector.shape_cast %get3A_1172 : vector<1x16xf32> to vector<16xf32>
      %add3A_1174 = arith.addf %get3A_1173, %get3A_1132 : vector<16xf32>
      %swap3A_1175 = arith.index_cast %add3A_1169 : i32 to index
      %swap3A_1176 = arith.constant 0 : index
      %swap3A_1177 = tpu.vector_load %arg9[%swap3A_1175, %swap3A_1176] {strides = array<i32>} : memref<800x32xf32, #tpu.memory_space<vmem>>, vector<1x16xf32>,
      %swap3A_1178 = vector.shape_cast %swap3A_1177 : vector<1x16xf32> to vector<16xf32>
      %swap3A_1179 = vector.shape_cast %add3A_1174 : vector<16xf32> to vector<1x16xf32>
      tpu.vector_store %arg9[%swap3A_1175, %swap3A_1176], %swap3A_1179 {strides = array<i32>} : memref<800x32xf32, #tpu.memory_space<vmem>>, vector<1x16xf32>,
      %get3A_1180 = arith.index_cast %scan3A_1128 : i32 to index
      %get3A_1181 = arith.constant 16 : index
      %get3A_1182 = tpu.vector_load %arg7[%get3A_1180, %get3A_1181] {strides = array<i32>} : memref<200x32xf32, #tpu.memory_space<vmem>>, vector<1x16xf32>,
      %get3A_1183 = vector.shape_cast %get3A_1182 : vector<1x16xf32> to vector<16xf32>
      %add3A_1184 = arith.constant 0 : i32
      %add3A_1185 = arith.addi %add3A_1184, %scan3A_1128 : i32
      %get3A_1186 = arith.index_cast %add3A_1185 : i32 to index
      %get3A_1187 = arith.constant 16 : index
      %get3A_1188 = tpu.vector_load %arg9[%get3A_1186, %get3A_1187] {strides = array<i32>} : memref<800x32xf32, #tpu.memory_space<vmem>>, vector<1x16xf32>,
      %get3A_1189 = vector.shape_cast %get3A_1188 : vector<1x16xf32> to vector<16xf32>
      %add3A_1190 = arith.addf %get3A_1189, %get3A_1183 : vector<16xf32>
      %swap3A_1191 = arith.index_cast %add3A_1185 : i32 to index
      %swap3A_1192 = arith.constant 16 : index
      %swap3A_1193 = tpu.vector_load %arg9[%swap3A_1191, %swap3A_1192] {strides = array<i32>} : memref<800x32xf32, #tpu.memory_space<vmem>>, vector<1x16xf32>,
      %swap3A_1194 = vector.shape_cast %swap3A_1193 : vector<1x16xf32> to vector<16xf32>
      %swap3A_1195 = vector.shape_cast %add3A_1190 : vector<16xf32> to vector<1x16xf32>
      tpu.vector_store %arg9[%swap3A_1191, %swap3A_1192], %swap3A_1195 {strides = array<i32>} : memref<800x32xf32, #tpu.memory_space<vmem>>, vector<1x16xf32>,
      %add3A_1196 = arith.constant 200 : i32
      %add3A_1197 = arith.addi %add3A_1196, %scan3A_1128 : i32
      %get3A_1198 = arith.index_cast %add3A_1197 : i32 to index
      %get3A_1199 = arith.constant 16 : index
      %get3A_1200 = tpu.vector_load %arg9[%get3A_1198, %get3A_1199] {strides = array<i32>} : memref<800x32xf32, #tpu.memory_space<vmem>>, vector<1x16xf32>,
      %get3A_1201 = vector.shape_cast %get3A_1200 : vector<1x16xf32> to vector<16xf32>
      %add3A_1202 = arith.addf %get3A_1201, %get3A_1183 : vector<16xf32>
      %swap3A_1203 = arith.index_cast %add3A_1197 : i32 to index
      %swap3A_1204 = arith.constant 16 : index
      %swap3A_1205 = tpu.vector_load %arg9[%swap3A_1203, %swap3A_1204] {strides = array<i32>} : memref<800x32xf32, #tpu.memory_space<vmem>>, vector<1x16xf32>,
      %swap3A_1206 = vector.shape_cast %swap3A_1205 : vector<1x16xf32> to vector<16xf32>
      %swap3A_1207 = vector.shape_cast %add3A_1202 : vector<16xf32> to vector<1x16xf32>
      tpu.vector_store %arg9[%swap3A_1203, %swap3A_1204], %swap3A_1207 {strides = array<i32>} : memref<800x32xf32, #tpu.memory_space<vmem>>, vector<1x16xf32>,
      %add3A_1208 = arith.constant 400 : i32
      %add3A_1209 = arith.addi %add3A_1208, %scan3A_1128 : i32
      %get3A_1210 = arith.index_cast %add3A_1209 : i32 to index
      %get3A_1211 = arith.constant 16 : index
      %get3A_1212 = tpu.vector_load %arg9[%get3A_1210, %get3A_1211] {strides = array<i32>} : memref<800x32xf32, #tpu.memory_space<vmem>>, vector<1x16xf32>,
      %get3A_1213 = vector.shape_cast %get3A_1212 : vector<1x16xf32> to vector<16xf32>
      %add3A_1214 = arith.addf %get3A_1213, %get3A_1183 : vector<16xf32>
      %swap3A_1215 = arith.index_cast %add3A_1209 : i32 to index
      %swap3A_1216 = arith.constant 16 : index
      %swap3A_1217 = tpu.vector_load %arg9[%swap3A_1215, %swap3A_1216] {strides = array<i32>} : memref<800x32xf32, #tpu.memory_space<vmem>>, vector<1x16xf32>,
      %swap3A_1218 = vector.shape_cast %swap3A_1217 : vector<1x16xf32> to vector<16xf32>
      %swap3A_1219 = vector.shape_cast %add3A_1214 : vector<16xf32> to vector<1x16xf32>
      tpu.vector_store %arg9[%swap3A_1215, %swap3A_1216], %swap3A_1219 {strides = array<i32>} : memref<800x32xf32, #tpu.memory_space<vmem>>, vector<1x16xf32>,
      %add3A_1220 = arith.constant 600 : i32
      %add3A_1221 = arith.addi %add3A_1220, %scan3A_1128 : i32
      %get3A_1222 = arith.index_cast %add3A_1221 : i32 to index
      %get3A_1223 = arith.constant 16 : index
      %get3A_1224 = tpu.vector_load %arg9[%get3A_1222, %get3A_1223] {strides = array<i32>} : memref<800x32xf32, #tpu.memory_space<vmem>>, vector<1x16xf32>,
      %get3A_1225 = vector.shape_cast %get3A_1224 : vector<1x16xf32> to vector<16xf32>
      %add3A_1226 = arith.addf %get3A_1225, %get3A_1183 : vector<16xf32>
      %swap3A_1227 = arith.index_cast %add3A_1221 : i32 to index
      %swap3A_1228 = arith.constant 16 : index
      %swap3A_1229 = tpu.vector_load %arg9[%swap3A_1227, %swap3A_1228] {strides = array<i32>} : memref<800x32xf32, #tpu.memory_space<vmem>>, vector<1x16xf32>,
      %swap3A_1230 = vector.shape_cast %swap3A_1229 : vector<1x16xf32> to vector<16xf32>
      %swap3A_1231 = vector.shape_cast %add3A_1226 : vector<16xf32> to vector<1x16xf32>
      tpu.vector_store %arg9[%swap3A_1227, %swap3A_1228], %swap3A_1231 {strides = array<i32>} : memref<800x32xf32, #tpu.memory_space<vmem>>, vector<1x16xf32>,
      %scan3A_1232 = arith.constant 0 : i32
      scf.yield %scan3A_1232 : i32
    }
    %scan3A_675 = arith.constant 200 : i32
    %mul3A_676 = arith.constant 32 : i32
    %mul3A_677 = arith.muli %add3A, %mul3A_676 : i32
    %add3A_678 = arith.constant 20 : i32
    %add3A_679 = arith.addi %mul3A_677, %add3A_678 : i32
    %add3A_680 = arith.constant 0 : i32
    %add3A_681 = arith.addi %add3A_679, %add3A_680 : i32
    %dma_start3A_682 = arith.constant 0 : i32
    %dma_start3A_683 = arith.constant 0 : i32
    %dma_start3A_684 = tpu.memref_slice %arg9[%dma_start3A_682, %dma_start3A_683] : memref<800x32xf32, #tpu.memory_space<vmem>> -> memref<200x32xf32, #tpu.memory_space<vmem>>
    %dma_start3A_685 = arith.constant 0 : i32
    %dma_start3A_686 = arith.constant 0 : i32
    %dma_start3A_687 = tpu.memref_slice %arg5[%add3A_681, %dma_start3A_685, %dma_start3A_686] : memref<1024x200x32xf32, #tpu.memory_space<hbm>> -> memref<1x200x32xf32, #tpu.memory_space<hbm>>
    %dma_start3A_688 = tpu.memref_squeeze %dma_start3A_687 : memref<1x200x32xf32, #tpu.memory_space<hbm>> -> memref<200x32xf32, #tpu.memory_space<hbm>>
    %dma_start3A_689 = arith.constant 0 : i32
    %dma_start3A_690 = arith.constant 0 : i32
    %dma_start3A_691 = tpu.memref_slice %arg5[%add3A_681, %dma_start3A_689, %dma_start3A_690] : memref<1024x200x32xf32, #tpu.memory_space<hbm>> -> memref<1x200x32xf32, #tpu.memory_space<hbm>>
    %dma_start3A_692 = tpu.memref_squeeze %dma_start3A_691 : memref<1x200x32xf32, #tpu.memory_space<hbm>> -> memref<200x32xf32, #tpu.memory_space<hbm>>
    %dma_start3A_693 = arith.constant 0 : i32
    %dma_start3A_694 = arith.constant 0 : i32
    %dma_start3A_695 = tpu.memref_slice %arg9[%dma_start3A_693, %dma_start3A_694] : memref<800x32xf32, #tpu.memory_space<vmem>> -> memref<200x32xf32, #tpu.memory_space<vmem>>
    tpu.enqueue_dma source(%dma_start3A_695 : memref<200x32xf32, #tpu.memory_space<vmem>>) target(%dma_start3A_692 : memref<200x32xf32, #tpu.memory_space<hbm>>) target_semaphore(%arg17 : memref<!tpu.dma_semaphore, #tpu.memory_space<semaphore_mem>>)
    %add3A_696 = arith.constant 1 : i32
    %add3A_697 = arith.addi %add3A_679, %add3A_696 : i32
    %dma_start3A_698 = arith.constant 200 : i32
    %dma_start3A_699 = arith.constant 0 : i32
    %dma_start3A_700 = tpu.memref_slice %arg9[%dma_start3A_698, %dma_start3A_699] : memref<800x32xf32, #tpu.memory_space<vmem>> -> memref<200x32xf32, #tpu.memory_space<vmem>>
    %dma_start3A_701 = arith.constant 0 : i32
    %dma_start3A_702 = arith.constant 0 : i32
    %dma_start3A_703 = tpu.memref_slice %arg5[%add3A_697, %dma_start3A_701, %dma_start3A_702] : memref<1024x200x32xf32, #tpu.memory_space<hbm>> -> memref<1x200x32xf32, #tpu.memory_space<hbm>>
    %dma_start3A_704 = tpu.memref_squeeze %dma_start3A_703 : memref<1x200x32xf32, #tpu.memory_space<hbm>> -> memref<200x32xf32, #tpu.memory_space<hbm>>
    %dma_start3A_705 = arith.constant 0 : i32
    %dma_start3A_706 = arith.constant 0 : i32
    %dma_start3A_707 = tpu.memref_slice %arg5[%add3A_697, %dma_start3A_705, %dma_start3A_706] : memref<1024x200x32xf32, #tpu.memory_space<hbm>> -> memref<1x200x32xf32, #tpu.memory_space<hbm>>
    %dma_start3A_708 = tpu.memref_squeeze %dma_start3A_707 : memref<1x200x32xf32, #tpu.memory_space<hbm>> -> memref<200x32xf32, #tpu.memory_space<hbm>>
    %dma_start3A_709 = arith.constant 200 : i32
    %dma_start3A_710 = arith.constant 0 : i32
    %dma_start3A_711 = tpu.memref_slice %arg9[%dma_start3A_709, %dma_start3A_710] : memref<800x32xf32, #tpu.memory_space<vmem>> -> memref<200x32xf32, #tpu.memory_space<vmem>>
    tpu.enqueue_dma source(%dma_start3A_711 : memref<200x32xf32, #tpu.memory_space<vmem>>) target(%dma_start3A_708 : memref<200x32xf32, #tpu.memory_space<hbm>>) target_semaphore(%arg17 : memref<!tpu.dma_semaphore, #tpu.memory_space<semaphore_mem>>)
    %add3A_712 = arith.constant 2 : i32
    %add3A_713 = arith.addi %add3A_679, %add3A_712 : i32
    %dma_start3A_714 = arith.constant 400 : i32
    %dma_start3A_715 = arith.constant 0 : i32
    %dma_start3A_716 = tpu.memref_slice %arg9[%dma_start3A_714, %dma_start3A_715] : memref<800x32xf32, #tpu.memory_space<vmem>> -> memref<200x32xf32, #tpu.memory_space<vmem>>
    %dma_start3A_717 = arith.constant 0 : i32
    %dma_start3A_718 = arith.constant 0 : i32
    %dma_start3A_719 = tpu.memref_slice %arg5[%add3A_713, %dma_start3A_717, %dma_start3A_718] : memref<1024x200x32xf32, #tpu.memory_space<hbm>> -> memref<1x200x32xf32, #tpu.memory_space<hbm>>
    %dma_start3A_720 = tpu.memref_squeeze %dma_start3A_719 : memref<1x200x32xf32, #tpu.memory_space<hbm>> -> memref<200x32xf32, #tpu.memory_space<hbm>>
    %dma_start3A_721 = arith.constant 0 : i32
    %dma_start3A_722 = arith.constant 0 : i32
    %dma_start3A_723 = tpu.memref_slice %arg5[%add3A_713, %dma_start3A_721, %dma_start3A_722] : memref<1024x200x32xf32, #tpu.memory_space<hbm>> -> memref<1x200x32xf32, #tpu.memory_space<hbm>>
    %dma_start3A_724 = tpu.memref_squeeze %dma_start3A_723 : memref<1x200x32xf32, #tpu.memory_space<hbm>> -> memref<200x32xf32, #tpu.memory_space<hbm>>
    %dma_start3A_725 = arith.constant 400 : i32
    %dma_start3A_726 = arith.constant 0 : i32
    %dma_start3A_727 = tpu.memref_slice %arg9[%dma_start3A_725, %dma_start3A_726] : memref<800x32xf32, #tpu.memory_space<vmem>> -> memref<200x32xf32, #tpu.memory_space<vmem>>
    tpu.enqueue_dma source(%dma_start3A_727 : memref<200x32xf32, #tpu.memory_space<vmem>>) target(%dma_start3A_724 : memref<200x32xf32, #tpu.memory_space<hbm>>) target_semaphore(%arg17 : memref<!tpu.dma_semaphore, #tpu.memory_space<semaphore_mem>>)
    %add3A_728 = arith.constant 3 : i32
    %add3A_729 = arith.addi %add3A_679, %add3A_728 : i32
    %dma_start3A_730 = arith.constant 600 : i32
    %dma_start3A_731 = arith.constant 0 : i32
    %dma_start3A_732 = tpu.memref_slice %arg9[%dma_start3A_730, %dma_start3A_731] : memref<800x32xf32, #tpu.memory_space<vmem>> -> memref<200x32xf32, #tpu.memory_space<vmem>>
    %dma_start3A_733 = arith.constant 0 : i32
    %dma_start3A_734 = arith.constant 0 : i32
    %dma_start3A_735 = tpu.memref_slice %arg5[%add3A_729, %dma_start3A_733, %dma_start3A_734] : memref<1024x200x32xf32, #tpu.memory_space<hbm>> -> memref<1x200x32xf32, #tpu.memory_space<hbm>>
    %dma_start3A_736 = tpu.memref_squeeze %dma_start3A_735 : memref<1x200x32xf32, #tpu.memory_space<hbm>> -> memref<200x32xf32, #tpu.memory_space<hbm>>
    %dma_start3A_737 = arith.constant 0 : i32
    %dma_start3A_738 = arith.constant 0 : i32
    %dma_start3A_739 = tpu.memref_slice %arg5[%add3A_729, %dma_start3A_737, %dma_start3A_738] : memref<1024x200x32xf32, #tpu.memory_space<hbm>> -> memref<1x200x32xf32, #tpu.memory_space<hbm>>
    %dma_start3A_740 = tpu.memref_squeeze %dma_start3A_739 : memref<1x200x32xf32, #tpu.memory_space<hbm>> -> memref<200x32xf32, #tpu.memory_space<hbm>>
    %dma_start3A_741 = arith.constant 600 : i32
    %dma_start3A_742 = arith.constant 0 : i32
    %dma_start3A_743 = tpu.memref_slice %arg9[%dma_start3A_741, %dma_start3A_742] : memref<800x32xf32, #tpu.memory_space<vmem>> -> memref<200x32xf32, #tpu.memory_space<vmem>>
    tpu.enqueue_dma source(%dma_start3A_743 : memref<200x32xf32, #tpu.memory_space<vmem>>) target(%dma_start3A_740 : memref<200x32xf32, #tpu.memory_space<hbm>>) target_semaphore(%arg17 : memref<!tpu.dma_semaphore, #tpu.memory_space<semaphore_mem>>)
    %dma_wait3A_744 = arith.constant 4800 : i32
    %dma_wait3A_745 = tpu.memref_slice %arg6[%dma_wait3A_744] : memref<6400xi32, #tpu.memory_space<vmem>> -> memref<800xi32, #tpu.memory_space<vmem>>
    %dma_wait3A_746 = arith.constant 0 : i32
    %dma_wait3A_747 = arith.constant 0 : i32
    %dma_wait3A_748 = tpu.memref_slice %arg2[%dma_wait3A_746, %dma_wait3A_747] : memref<1000000x32xf32, #tpu.memory_space<hbm>> -> memref<1000000x32xf32, #tpu.memory_space<hbm>>
    tpu.wait_indirect_dma semaphore(%arg14 : memref<!tpu.dma_semaphore, #tpu.memory_space<semaphore_mem>>) src(%dma_wait3A_748 : memref<1000000x32xf32, #tpu.memory_space<hbm>>) dst(%arg10 : memref<800x32xf32, #tpu.memory_space<vmem>>)
    %scan3A_749 = arith.constant 0 : i32
    %scan3A_750 = arith.constant 0 : i32
    %scan3A_751 = arith.constant 200 : i32
    %scan3A_752 = arith.addi %scan3A_750, %scan3A_751 : i32
    %scan3A_753 = arith.constant 1 : i32
    %scan3A_754 = scf.for %scan3A_1128 = %scan3A_750 to %scan3A_752 step %scan3A_753 iter_args(%scan3A_1129 = %scan3A_749) -> (i32)  : i32 {
      %get3A = arith.index_cast %scan3A_1128 : i32 to index
      %get3A_1130 = arith.constant 0 : index
      %get3A_1131 = tpu.vector_load %arg7[%get3A, %get3A_1130] {strides = array<i32>} : memref<200x32xf32, #tpu.memory_space<vmem>>, vector<1x16xf32>,
      %get3A_1132 = vector.shape_cast %get3A_1131 : vector<1x16xf32> to vector<16xf32>
      %add3A_1133 = arith.constant 0 : i32
      %add3A_1134 = arith.addi %add3A_1133, %scan3A_1128 : i32
      %get3A_1135 = arith.index_cast %add3A_1134 : i32 to index
      %get3A_1136 = arith.constant 0 : index
      %get3A_1137 = tpu.vector_load %arg10[%get3A_1135, %get3A_1136] {strides = array<i32>} : memref<800x32xf32, #tpu.memory_space<vmem>>, vector<1x16xf32>,
      %get3A_1138 = vector.shape_cast %get3A_1137 : vector<1x16xf32> to vector<16xf32>
      %add3A_1139 = arith.addf %get3A_1138, %get3A_1132 : vector<16xf32>
      %swap3A = arith.index_cast %add3A_1134 : i32 to index
      %swap3A_1140 = arith.constant 0 : index
      %swap3A_1141 = tpu.vector_load %arg10[%swap3A, %swap3A_1140] {strides = array<i32>} : memref<800x32xf32, #tpu.memory_space<vmem>>, vector<1x16xf32>,
      %swap3A_1142 = vector.shape_cast %swap3A_1141 : vector<1x16xf32> to vector<16xf32>
      %swap3A_1143 = vector.shape_cast %add3A_1139 : vector<16xf32> to vector<1x16xf32>
      tpu.vector_store %arg10[%swap3A, %swap3A_1140], %swap3A_1143 {strides = array<i32>} : memref<800x32xf32, #tpu.memory_space<vmem>>, vector<1x16xf32>,
      %add3A_1144 = arith.constant 200 : i32
      %add3A_1145 = arith.addi %add3A_1144, %scan3A_1128 : i32
      %get3A_1146 = arith.index_cast %add3A_1145 : i32 to index
      %get3A_1147 = arith.constant 0 : index
      %get3A_1148 = tpu.vector_load %arg10[%get3A_1146, %get3A_1147] {strides = array<i32>} : memref<800x32xf32, #tpu.memory_space<vmem>>, vector<1x16xf32>,
      %get3A_1149 = vector.shape_cast %get3A_1148 : vector<1x16xf32> to vector<16xf32>
      %add3A_1150 = arith.addf %get3A_1149, %get3A_1132 : vector<16xf32>
      %swap3A_1151 = arith.index_cast %add3A_1145 : i32 to index
      %swap3A_1152 = arith.constant 0 : index
      %swap3A_1153 = tpu.vector_load %arg10[%swap3A_1151, %swap3A_1152] {strides = array<i32>} : memref<800x32xf32, #tpu.memory_space<vmem>>, vector<1x16xf32>,
      %swap3A_1154 = vector.shape_cast %swap3A_1153 : vector<1x16xf32> to vector<16xf32>
      %swap3A_1155 = vector.shape_cast %add3A_1150 : vector<16xf32> to vector<1x16xf32>
      tpu.vector_store %arg10[%swap3A_1151, %swap3A_1152], %swap3A_1155 {strides = array<i32>} : memref<800x32xf32, #tpu.memory_space<vmem>>, vector<1x16xf32>,
      %add3A_1156 = arith.constant 400 : i32
      %add3A_1157 = arith.addi %add3A_1156, %scan3A_1128 : i32
      %get3A_1158 = arith.index_cast %add3A_1157 : i32 to index
      %get3A_1159 = arith.constant 0 : index
      %get3A_1160 = tpu.vector_load %arg10[%get3A_1158, %get3A_1159] {strides = array<i32>} : memref<800x32xf32, #tpu.memory_space<vmem>>, vector<1x16xf32>,
      %get3A_1161 = vector.shape_cast %get3A_1160 : vector<1x16xf32> to vector<16xf32>
      %add3A_1162 = arith.addf %get3A_1161, %get3A_1132 : vector<16xf32>
      %swap3A_1163 = arith.index_cast %add3A_1157 : i32 to index
      %swap3A_1164 = arith.constant 0 : index
      %swap3A_1165 = tpu.vector_load %arg10[%swap3A_1163, %swap3A_1164] {strides = array<i32>} : memref<800x32xf32, #tpu.memory_space<vmem>>, vector<1x16xf32>,
      %swap3A_1166 = vector.shape_cast %swap3A_1165 : vector<1x16xf32> to vector<16xf32>
      %swap3A_1167 = vector.shape_cast %add3A_1162 : vector<16xf32> to vector<1x16xf32>
      tpu.vector_store %arg10[%swap3A_1163, %swap3A_1164], %swap3A_1167 {strides = array<i32>} : memref<800x32xf32, #tpu.memory_space<vmem>>, vector<1x16xf32>,
      %add3A_1168 = arith.constant 600 : i32
      %add3A_1169 = arith.addi %add3A_1168, %scan3A_1128 : i32
      %get3A_1170 = arith.index_cast %add3A_1169 : i32 to index
      %get3A_1171 = arith.constant 0 : index
      %get3A_1172 = tpu.vector_load %arg10[%get3A_1170, %get3A_1171] {strides = array<i32>} : memref<800x32xf32, #tpu.memory_space<vmem>>, vector<1x16xf32>,
      %get3A_1173 = vector.shape_cast %get3A_1172 : vector<1x16xf32> to vector<16xf32>
      %add3A_1174 = arith.addf %get3A_1173, %get3A_1132 : vector<16xf32>
      %swap3A_1175 = arith.index_cast %add3A_1169 : i32 to index
      %swap3A_1176 = arith.constant 0 : index
      %swap3A_1177 = tpu.vector_load %arg10[%swap3A_1175, %swap3A_1176] {strides = array<i32>} : memref<800x32xf32, #tpu.memory_space<vmem>>, vector<1x16xf32>,
      %swap3A_1178 = vector.shape_cast %swap3A_1177 : vector<1x16xf32> to vector<16xf32>
      %swap3A_1179 = vector.shape_cast %add3A_1174 : vector<16xf32> to vector<1x16xf32>
      tpu.vector_store %arg10[%swap3A_1175, %swap3A_1176], %swap3A_1179 {strides = array<i32>} : memref<800x32xf32, #tpu.memory_space<vmem>>, vector<1x16xf32>,
      %get3A_1180 = arith.index_cast %scan3A_1128 : i32 to index
      %get3A_1181 = arith.constant 16 : index
      %get3A_1182 = tpu.vector_load %arg7[%get3A_1180, %get3A_1181] {strides = array<i32>} : memref<200x32xf32, #tpu.memory_space<vmem>>, vector<1x16xf32>,
      %get3A_1183 = vector.shape_cast %get3A_1182 : vector<1x16xf32> to vector<16xf32>
      %add3A_1184 = arith.constant 0 : i32
      %add3A_1185 = arith.addi %add3A_1184, %scan3A_1128 : i32
      %get3A_1186 = arith.index_cast %add3A_1185 : i32 to index
      %get3A_1187 = arith.constant 16 : index
      %get3A_1188 = tpu.vector_load %arg10[%get3A_1186, %get3A_1187] {strides = array<i32>} : memref<800x32xf32, #tpu.memory_space<vmem>>, vector<1x16xf32>,
      %get3A_1189 = vector.shape_cast %get3A_1188 : vector<1x16xf32> to vector<16xf32>
      %add3A_1190 = arith.addf %get3A_1189, %get3A_1183 : vector<16xf32>
      %swap3A_1191 = arith.index_cast %add3A_1185 : i32 to index
      %swap3A_1192 = arith.constant 16 : index
      %swap3A_1193 = tpu.vector_load %arg10[%swap3A_1191, %swap3A_1192] {strides = array<i32>} : memref<800x32xf32, #tpu.memory_space<vmem>>, vector<1x16xf32>,
      %swap3A_1194 = vector.shape_cast %swap3A_1193 : vector<1x16xf32> to vector<16xf32>
      %swap3A_1195 = vector.shape_cast %add3A_1190 : vector<16xf32> to vector<1x16xf32>
      tpu.vector_store %arg10[%swap3A_1191, %swap3A_1192], %swap3A_1195 {strides = array<i32>} : memref<800x32xf32, #tpu.memory_space<vmem>>, vector<1x16xf32>,
      %add3A_1196 = arith.constant 200 : i32
      %add3A_1197 = arith.addi %add3A_1196, %scan3A_1128 : i32
      %get3A_1198 = arith.index_cast %add3A_1197 : i32 to index
      %get3A_1199 = arith.constant 16 : index
      %get3A_1200 = tpu.vector_load %arg10[%get3A_1198, %get3A_1199] {strides = array<i32>} : memref<800x32xf32, #tpu.memory_space<vmem>>, vector<1x16xf32>,
      %get3A_1201 = vector.shape_cast %get3A_1200 : vector<1x16xf32> to vector<16xf32>
      %add3A_1202 = arith.addf %get3A_1201, %get3A_1183 : vector<16xf32>
      %swap3A_1203 = arith.index_cast %add3A_1197 : i32 to index
      %swap3A_1204 = arith.constant 16 : index
      %swap3A_1205 = tpu.vector_load %arg10[%swap3A_1203, %swap3A_1204] {strides = array<i32>} : memref<800x32xf32, #tpu.memory_space<vmem>>, vector<1x16xf32>,
      %swap3A_1206 = vector.shape_cast %swap3A_1205 : vector<1x16xf32> to vector<16xf32>
      %swap3A_1207 = vector.shape_cast %add3A_1202 : vector<16xf32> to vector<1x16xf32>
      tpu.vector_store %arg10[%swap3A_1203, %swap3A_1204], %swap3A_1207 {strides = array<i32>} : memref<800x32xf32, #tpu.memory_space<vmem>>, vector<1x16xf32>,
      %add3A_1208 = arith.constant 400 : i32
      %add3A_1209 = arith.addi %add3A_1208, %scan3A_1128 : i32
      %get3A_1210 = arith.index_cast %add3A_1209 : i32 to index
      %get3A_1211 = arith.constant 16 : index
      %get3A_1212 = tpu.vector_load %arg10[%get3A_1210, %get3A_1211] {strides = array<i32>} : memref<800x32xf32, #tpu.memory_space<vmem>>, vector<1x16xf32>,
      %get3A_1213 = vector.shape_cast %get3A_1212 : vector<1x16xf32> to vector<16xf32>
      %add3A_1214 = arith.addf %get3A_1213, %get3A_1183 : vector<16xf32>
      %swap3A_1215 = arith.index_cast %add3A_1209 : i32 to index
      %swap3A_1216 = arith.constant 16 : index
      %swap3A_1217 = tpu.vector_load %arg10[%swap3A_1215, %swap3A_1216] {strides = array<i32>} : memref<800x32xf32, #tpu.memory_space<vmem>>, vector<1x16xf32>,
      %swap3A_1218 = vector.shape_cast %swap3A_1217 : vector<1x16xf32> to vector<16xf32>
      %swap3A_1219 = vector.shape_cast %add3A_1214 : vector<16xf32> to vector<1x16xf32>
      tpu.vector_store %arg10[%swap3A_1215, %swap3A_1216], %swap3A_1219 {strides = array<i32>} : memref<800x32xf32, #tpu.memory_space<vmem>>, vector<1x16xf32>,
      %add3A_1220 = arith.constant 600 : i32
      %add3A_1221 = arith.addi %add3A_1220, %scan3A_1128 : i32
      %get3A_1222 = arith.index_cast %add3A_1221 : i32 to index
      %get3A_1223 = arith.constant 16 : index
      %get3A_1224 = tpu.vector_load %arg10[%get3A_1222, %get3A_1223] {strides = array<i32>} : memref<800x32xf32, #tpu.memory_space<vmem>>, vector<1x16xf32>,
      %get3A_1225 = vector.shape_cast %get3A_1224 : vector<1x16xf32> to vector<16xf32>
      %add3A_1226 = arith.addf %get3A_1225, %get3A_1183 : vector<16xf32>
      %swap3A_1227 = arith.index_cast %add3A_1221 : i32 to index
      %swap3A_1228 = arith.constant 16 : index
      %swap3A_1229 = tpu.vector_load %arg10[%swap3A_1227, %swap3A_1228] {strides = array<i32>} : memref<800x32xf32, #tpu.memory_space<vmem>>, vector<1x16xf32>,
      %swap3A_1230 = vector.shape_cast %swap3A_1229 : vector<1x16xf32> to vector<16xf32>
      %swap3A_1231 = vector.shape_cast %add3A_1226 : vector<16xf32> to vector<1x16xf32>
      tpu.vector_store %arg10[%swap3A_1227, %swap3A_1228], %swap3A_1231 {strides = array<i32>} : memref<800x32xf32, #tpu.memory_space<vmem>>, vector<1x16xf32>,
      %scan3A_1232 = arith.constant 0 : i32
      scf.yield %scan3A_1232 : i32
    }
    %scan3A_755 = arith.constant 200 : i32
    %mul3A_756 = arith.constant 32 : i32
    %mul3A_757 = arith.muli %add3A, %mul3A_756 : i32
    %add3A_758 = arith.constant 24 : i32
    %add3A_759 = arith.addi %mul3A_757, %add3A_758 : i32
    %add3A_760 = arith.constant 0 : i32
    %add3A_761 = arith.addi %add3A_759, %add3A_760 : i32
    %dma_start3A_762 = arith.constant 0 : i32
    %dma_start3A_763 = arith.constant 0 : i32
    %dma_start3A_764 = tpu.memref_slice %arg10[%dma_start3A_762, %dma_start3A_763] : memref<800x32xf32, #tpu.memory_space<vmem>> -> memref<200x32xf32, #tpu.memory_space<vmem>>
    %dma_start3A_765 = arith.constant 0 : i32
    %dma_start3A_766 = arith.constant 0 : i32
    %dma_start3A_767 = tpu.memref_slice %arg5[%add3A_761, %dma_start3A_765, %dma_start3A_766] : memref<1024x200x32xf32, #tpu.memory_space<hbm>> -> memref<1x200x32xf32, #tpu.memory_space<hbm>>
    %dma_start3A_768 = tpu.memref_squeeze %dma_start3A_767 : memref<1x200x32xf32, #tpu.memory_space<hbm>> -> memref<200x32xf32, #tpu.memory_space<hbm>>
    %dma_start3A_769 = arith.constant 0 : i32
    %dma_start3A_770 = arith.constant 0 : i32
    %dma_start3A_771 = tpu.memref_slice %arg5[%add3A_761, %dma_start3A_769, %dma_start3A_770] : memref<1024x200x32xf32, #tpu.memory_space<hbm>> -> memref<1x200x32xf32, #tpu.memory_space<hbm>>
    %dma_start3A_772 = tpu.memref_squeeze %dma_start3A_771 : memref<1x200x32xf32, #tpu.memory_space<hbm>> -> memref<200x32xf32, #tpu.memory_space<hbm>>
    %dma_start3A_773 = arith.constant 0 : i32
    %dma_start3A_774 = arith.constant 0 : i32
    %dma_start3A_775 = tpu.memref_slice %arg10[%dma_start3A_773, %dma_start3A_774] : memref<800x32xf32, #tpu.memory_space<vmem>> -> memref<200x32xf32, #tpu.memory_space<vmem>>
    tpu.enqueue_dma source(%dma_start3A_775 : memref<200x32xf32, #tpu.memory_space<vmem>>) target(%dma_start3A_772 : memref<200x32xf32, #tpu.memory_space<hbm>>) target_semaphore(%arg18 : memref<!tpu.dma_semaphore, #tpu.memory_space<semaphore_mem>>)
    %add3A_776 = arith.constant 1 : i32
    %add3A_777 = arith.addi %add3A_759, %add3A_776 : i32
    %dma_start3A_778 = arith.constant 200 : i32
    %dma_start3A_779 = arith.constant 0 : i32
    %dma_start3A_780 = tpu.memref_slice %arg10[%dma_start3A_778, %dma_start3A_779] : memref<800x32xf32, #tpu.memory_space<vmem>> -> memref<200x32xf32, #tpu.memory_space<vmem>>
    %dma_start3A_781 = arith.constant 0 : i32
    %dma_start3A_782 = arith.constant 0 : i32
    %dma_start3A_783 = tpu.memref_slice %arg5[%add3A_777, %dma_start3A_781, %dma_start3A_782] : memref<1024x200x32xf32, #tpu.memory_space<hbm>> -> memref<1x200x32xf32, #tpu.memory_space<hbm>>
    %dma_start3A_784 = tpu.memref_squeeze %dma_start3A_783 : memref<1x200x32xf32, #tpu.memory_space<hbm>> -> memref<200x32xf32, #tpu.memory_space<hbm>>
    %dma_start3A_785 = arith.constant 0 : i32
    %dma_start3A_786 = arith.constant 0 : i32
    %dma_start3A_787 = tpu.memref_slice %arg5[%add3A_777, %dma_start3A_785, %dma_start3A_786] : memref<1024x200x32xf32, #tpu.memory_space<hbm>> -> memref<1x200x32xf32, #tpu.memory_space<hbm>>
    %dma_start3A_788 = tpu.memref_squeeze %dma_start3A_787 : memref<1x200x32xf32, #tpu.memory_space<hbm>> -> memref<200x32xf32, #tpu.memory_space<hbm>>
    %dma_start3A_789 = arith.constant 200 : i32
    %dma_start3A_790 = arith.constant 0 : i32
    %dma_start3A_791 = tpu.memref_slice %arg10[%dma_start3A_789, %dma_start3A_790] : memref<800x32xf32, #tpu.memory_space<vmem>> -> memref<200x32xf32, #tpu.memory_space<vmem>>
    tpu.enqueue_dma source(%dma_start3A_791 : memref<200x32xf32, #tpu.memory_space<vmem>>) target(%dma_start3A_788 : memref<200x32xf32, #tpu.memory_space<hbm>>) target_semaphore(%arg18 : memref<!tpu.dma_semaphore, #tpu.memory_space<semaphore_mem>>)
    %add3A_792 = arith.constant 2 : i32
    %add3A_793 = arith.addi %add3A_759, %add3A_792 : i32
    %dma_start3A_794 = arith.constant 400 : i32
    %dma_start3A_795 = arith.constant 0 : i32
    %dma_start3A_796 = tpu.memref_slice %arg10[%dma_start3A_794, %dma_start3A_795] : memref<800x32xf32, #tpu.memory_space<vmem>> -> memref<200x32xf32, #tpu.memory_space<vmem>>
    %dma_start3A_797 = arith.constant 0 : i32
    %dma_start3A_798 = arith.constant 0 : i32
    %dma_start3A_799 = tpu.memref_slice %arg5[%add3A_793, %dma_start3A_797, %dma_start3A_798] : memref<1024x200x32xf32, #tpu.memory_space<hbm>> -> memref<1x200x32xf32, #tpu.memory_space<hbm>>
    %dma_start3A_800 = tpu.memref_squeeze %dma_start3A_799 : memref<1x200x32xf32, #tpu.memory_space<hbm>> -> memref<200x32xf32, #tpu.memory_space<hbm>>
    %dma_start3A_801 = arith.constant 0 : i32
    %dma_start3A_802 = arith.constant 0 : i32
    %dma_start3A_803 = tpu.memref_slice %arg5[%add3A_793, %dma_start3A_801, %dma_start3A_802] : memref<1024x200x32xf32, #tpu.memory_space<hbm>> -> memref<1x200x32xf32, #tpu.memory_space<hbm>>
    %dma_start3A_804 = tpu.memref_squeeze %dma_start3A_803 : memref<1x200x32xf32, #tpu.memory_space<hbm>> -> memref<200x32xf32, #tpu.memory_space<hbm>>
    %dma_start3A_805 = arith.constant 400 : i32
    %dma_start3A_806 = arith.constant 0 : i32
    %dma_start3A_807 = tpu.memref_slice %arg10[%dma_start3A_805, %dma_start3A_806] : memref<800x32xf32, #tpu.memory_space<vmem>> -> memref<200x32xf32, #tpu.memory_space<vmem>>
    tpu.enqueue_dma source(%dma_start3A_807 : memref<200x32xf32, #tpu.memory_space<vmem>>) target(%dma_start3A_804 : memref<200x32xf32, #tpu.memory_space<hbm>>) target_semaphore(%arg18 : memref<!tpu.dma_semaphore, #tpu.memory_space<semaphore_mem>>)
    %add3A_808 = arith.constant 3 : i32
    %add3A_809 = arith.addi %add3A_759, %add3A_808 : i32
    %dma_start3A_810 = arith.constant 600 : i32
    %dma_start3A_811 = arith.constant 0 : i32
    %dma_start3A_812 = tpu.memref_slice %arg10[%dma_start3A_810, %dma_start3A_811] : memref<800x32xf32, #tpu.memory_space<vmem>> -> memref<200x32xf32, #tpu.memory_space<vmem>>
    %dma_start3A_813 = arith.constant 0 : i32
    %dma_start3A_814 = arith.constant 0 : i32
    %dma_start3A_815 = tpu.memref_slice %arg5[%add3A_809, %dma_start3A_813, %dma_start3A_814] : memref<1024x200x32xf32, #tpu.memory_space<hbm>> -> memref<1x200x32xf32, #tpu.memory_space<hbm>>
    %dma_start3A_816 = tpu.memref_squeeze %dma_start3A_815 : memref<1x200x32xf32, #tpu.memory_space<hbm>> -> memref<200x32xf32, #tpu.memory_space<hbm>>
    %dma_start3A_817 = arith.constant 0 : i32
    %dma_start3A_818 = arith.constant 0 : i32
    %dma_start3A_819 = tpu.memref_slice %arg5[%add3A_809, %dma_start3A_817, %dma_start3A_818] : memref<1024x200x32xf32, #tpu.memory_space<hbm>> -> memref<1x200x32xf32, #tpu.memory_space<hbm>>
    %dma_start3A_820 = tpu.memref_squeeze %dma_start3A_819 : memref<1x200x32xf32, #tpu.memory_space<hbm>> -> memref<200x32xf32, #tpu.memory_space<hbm>>
    %dma_start3A_821 = arith.constant 600 : i32
    %dma_start3A_822 = arith.constant 0 : i32
    %dma_start3A_823 = tpu.memref_slice %arg10[%dma_start3A_821, %dma_start3A_822] : memref<800x32xf32, #tpu.memory_space<vmem>> -> memref<200x32xf32, #tpu.memory_space<vmem>>
    tpu.enqueue_dma source(%dma_start3A_823 : memref<200x32xf32, #tpu.memory_space<vmem>>) target(%dma_start3A_820 : memref<200x32xf32, #tpu.memory_space<hbm>>) target_semaphore(%arg18 : memref<!tpu.dma_semaphore, #tpu.memory_space<semaphore_mem>>)
    %dma_wait3A_824 = arith.constant 5600 : i32
    %dma_wait3A_825 = tpu.memref_slice %arg6[%dma_wait3A_824] : memref<6400xi32, #tpu.memory_space<vmem>> -> memref<800xi32, #tpu.memory_space<vmem>>
    %dma_wait3A_826 = arith.constant 0 : i32
    %dma_wait3A_827 = arith.constant 0 : i32
    %dma_wait3A_828 = tpu.memref_slice %arg2[%dma_wait3A_826, %dma_wait3A_827] : memref<1000000x32xf32, #tpu.memory_space<hbm>> -> memref<1000000x32xf32, #tpu.memory_space<hbm>>
    tpu.wait_indirect_dma semaphore(%arg15 : memref<!tpu.dma_semaphore, #tpu.memory_space<semaphore_mem>>) src(%dma_wait3A_828 : memref<1000000x32xf32, #tpu.memory_space<hbm>>) dst(%arg11 : memref<800x32xf32, #tpu.memory_space<vmem>>)
    %scan3A_829 = arith.constant 0 : i32
    %scan3A_830 = arith.constant 0 : i32
    %scan3A_831 = arith.constant 200 : i32
    %scan3A_832 = arith.addi %scan3A_830, %scan3A_831 : i32
    %scan3A_833 = arith.constant 1 : i32
    %scan3A_834 = scf.for %scan3A_1128 = %scan3A_830 to %scan3A_832 step %scan3A_833 iter_args(%scan3A_1129 = %scan3A_829) -> (i32)  : i32 {
      %get3A = arith.index_cast %scan3A_1128 : i32 to index
      %get3A_1130 = arith.constant 0 : index
      %get3A_1131 = tpu.vector_load %arg7[%get3A, %get3A_1130] {strides = array<i32>} : memref<200x32xf32, #tpu.memory_space<vmem>>, vector<1x16xf32>,
      %get3A_1132 = vector.shape_cast %get3A_1131 : vector<1x16xf32> to vector<16xf32>
      %add3A_1133 = arith.constant 0 : i32
      %add3A_1134 = arith.addi %add3A_1133, %scan3A_1128 : i32
      %get3A_1135 = arith.index_cast %add3A_1134 : i32 to index
      %get3A_1136 = arith.constant 0 : index
      %get3A_1137 = tpu.vector_load %arg11[%get3A_1135, %get3A_1136] {strides = array<i32>} : memref<800x32xf32, #tpu.memory_space<vmem>>, vector<1x16xf32>,
      %get3A_1138 = vector.shape_cast %get3A_1137 : vector<1x16xf32> to vector<16xf32>
      %add3A_1139 = arith.addf %get3A_1138, %get3A_1132 : vector<16xf32>
      %swap3A = arith.index_cast %add3A_1134 : i32 to index
      %swap3A_1140 = arith.constant 0 : index
      %swap3A_1141 = tpu.vector_load %arg11[%swap3A, %swap3A_1140] {strides = array<i32>} : memref<800x32xf32, #tpu.memory_space<vmem>>, vector<1x16xf32>,
      %swap3A_1142 = vector.shape_cast %swap3A_1141 : vector<1x16xf32> to vector<16xf32>
      %swap3A_1143 = vector.shape_cast %add3A_1139 : vector<16xf32> to vector<1x16xf32>
      tpu.vector_store %arg11[%swap3A, %swap3A_1140], %swap3A_1143 {strides = array<i32>} : memref<800x32xf32, #tpu.memory_space<vmem>>, vector<1x16xf32>,
      %add3A_1144 = arith.constant 200 : i32
      %add3A_1145 = arith.addi %add3A_1144, %scan3A_1128 : i32
      %get3A_1146 = arith.index_cast %add3A_1145 : i32 to index
      %get3A_1147 = arith.constant 0 : index
      %get3A_1148 = tpu.vector_load %arg11[%get3A_1146, %get3A_1147] {strides = array<i32>} : memref<800x32xf32, #tpu.memory_space<vmem>>, vector<1x16xf32>,
      %get3A_1149 = vector.shape_cast %get3A_1148 : vector<1x16xf32> to vector<16xf32>
      %add3A_1150 = arith.addf %get3A_1149, %get3A_1132 : vector<16xf32>
      %swap3A_1151 = arith.index_cast %add3A_1145 : i32 to index
      %swap3A_1152 = arith.constant 0 : index
      %swap3A_1153 = tpu.vector_load %arg11[%swap3A_1151, %swap3A_1152] {strides = array<i32>} : memref<800x32xf32, #tpu.memory_space<vmem>>, vector<1x16xf32>,
      %swap3A_1154 = vector.shape_cast %swap3A_1153 : vector<1x16xf32> to vector<16xf32>
      %swap3A_1155 = vector.shape_cast %add3A_1150 : vector<16xf32> to vector<1x16xf32>
      tpu.vector_store %arg11[%swap3A_1151, %swap3A_1152], %swap3A_1155 {strides = array<i32>} : memref<800x32xf32, #tpu.memory_space<vmem>>, vector<1x16xf32>,
      %add3A_1156 = arith.constant 400 : i32
      %add3A_1157 = arith.addi %add3A_1156, %scan3A_1128 : i32
      %get3A_1158 = arith.index_cast %add3A_1157 : i32 to index
      %get3A_1159 = arith.constant 0 : index
      %get3A_1160 = tpu.vector_load %arg11[%get3A_1158, %get3A_1159] {strides = array<i32>} : memref<800x32xf32, #tpu.memory_space<vmem>>, vector<1x16xf32>,
      %get3A_1161 = vector.shape_cast %get3A_1160 : vector<1x16xf32> to vector<16xf32>
      %add3A_1162 = arith.addf %get3A_1161, %get3A_1132 : vector<16xf32>
      %swap3A_1163 = arith.index_cast %add3A_1157 : i32 to index
      %swap3A_1164 = arith.constant 0 : index
      %swap3A_1165 = tpu.vector_load %arg11[%swap3A_1163, %swap3A_1164] {strides = array<i32>} : memref<800x32xf32, #tpu.memory_space<vmem>>, vector<1x16xf32>,
      %swap3A_1166 = vector.shape_cast %swap3A_1165 : vector<1x16xf32> to vector<16xf32>
      %swap3A_1167 = vector.shape_cast %add3A_1162 : vector<16xf32> to vector<1x16xf32>
      tpu.vector_store %arg11[%swap3A_1163, %swap3A_1164], %swap3A_1167 {strides = array<i32>} : memref<800x32xf32, #tpu.memory_space<vmem>>, vector<1x16xf32>,
      %add3A_1168 = arith.constant 600 : i32
      %add3A_1169 = arith.addi %add3A_1168, %scan3A_1128 : i32
      %get3A_1170 = arith.index_cast %add3A_1169 : i32 to index
      %get3A_1171 = arith.constant 0 : index
      %get3A_1172 = tpu.vector_load %arg11[%get3A_1170, %get3A_1171] {strides = array<i32>} : memref<800x32xf32, #tpu.memory_space<vmem>>, vector<1x16xf32>,
      %get3A_1173 = vector.shape_cast %get3A_1172 : vector<1x16xf32> to vector<16xf32>
      %add3A_1174 = arith.addf %get3A_1173, %get3A_1132 : vector<16xf32>
      %swap3A_1175 = arith.index_cast %add3A_1169 : i32 to index
      %swap3A_1176 = arith.constant 0 : index
      %swap3A_1177 = tpu.vector_load %arg11[%swap3A_1175, %swap3A_1176] {strides = array<i32>} : memref<800x32xf32, #tpu.memory_space<vmem>>, vector<1x16xf32>,
      %swap3A_1178 = vector.shape_cast %swap3A_1177 : vector<1x16xf32> to vector<16xf32>
      %swap3A_1179 = vector.shape_cast %add3A_1174 : vector<16xf32> to vector<1x16xf32>
      tpu.vector_store %arg11[%swap3A_1175, %swap3A_1176], %swap3A_1179 {strides = array<i32>} : memref<800x32xf32, #tpu.memory_space<vmem>>, vector<1x16xf32>,
      %get3A_1180 = arith.index_cast %scan3A_1128 : i32 to index
      %get3A_1181 = arith.constant 16 : index
      %get3A_1182 = tpu.vector_load %arg7[%get3A_1180, %get3A_1181] {strides = array<i32>} : memref<200x32xf32, #tpu.memory_space<vmem>>, vector<1x16xf32>,
      %get3A_1183 = vector.shape_cast %get3A_1182 : vector<1x16xf32> to vector<16xf32>
      %add3A_1184 = arith.constant 0 : i32
      %add3A_1185 = arith.addi %add3A_1184, %scan3A_1128 : i32
      %get3A_1186 = arith.index_cast %add3A_1185 : i32 to index
      %get3A_1187 = arith.constant 16 : index
      %get3A_1188 = tpu.vector_load %arg11[%get3A_1186, %get3A_1187] {strides = array<i32>} : memref<800x32xf32, #tpu.memory_space<vmem>>, vector<1x16xf32>,
      %get3A_1189 = vector.shape_cast %get3A_1188 : vector<1x16xf32> to vector<16xf32>
      %add3A_1190 = arith.addf %get3A_1189, %get3A_1183 : vector<16xf32>
      %swap3A_1191 = arith.index_cast %add3A_1185 : i32 to index
      %swap3A_1192 = arith.constant 16 : index
      %swap3A_1193 = tpu.vector_load %arg11[%swap3A_1191, %swap3A_1192] {strides = array<i32>} : memref<800x32xf32, #tpu.memory_space<vmem>>, vector<1x16xf32>,
      %swap3A_1194 = vector.shape_cast %swap3A_1193 : vector<1x16xf32> to vector<16xf32>
      %swap3A_1195 = vector.shape_cast %add3A_1190 : vector<16xf32> to vector<1x16xf32>
      tpu.vector_store %arg11[%swap3A_1191, %swap3A_1192], %swap3A_1195 {strides = array<i32>} : memref<800x32xf32, #tpu.memory_space<vmem>>, vector<1x16xf32>,
      %add3A_1196 = arith.constant 200 : i32
      %add3A_1197 = arith.addi %add3A_1196, %scan3A_1128 : i32
      %get3A_1198 = arith.index_cast %add3A_1197 : i32 to index
      %get3A_1199 = arith.constant 16 : index
      %get3A_1200 = tpu.vector_load %arg11[%get3A_1198, %get3A_1199] {strides = array<i32>} : memref<800x32xf32, #tpu.memory_space<vmem>>, vector<1x16xf32>,
      %get3A_1201 = vector.shape_cast %get3A_1200 : vector<1x16xf32> to vector<16xf32>
      %add3A_1202 = arith.addf %get3A_1201, %get3A_1183 : vector<16xf32>
      %swap3A_1203 = arith.index_cast %add3A_1197 : i32 to index
      %swap3A_1204 = arith.constant 16 : index
      %swap3A_1205 = tpu.vector_load %arg11[%swap3A_1203, %swap3A_1204] {strides = array<i32>} : memref<800x32xf32, #tpu.memory_space<vmem>>, vector<1x16xf32>,
      %swap3A_1206 = vector.shape_cast %swap3A_1205 : vector<1x16xf32> to vector<16xf32>
      %swap3A_1207 = vector.shape_cast %add3A_1202 : vector<16xf32> to vector<1x16xf32>
      tpu.vector_store %arg11[%swap3A_1203, %swap3A_1204], %swap3A_1207 {strides = array<i32>} : memref<800x32xf32, #tpu.memory_space<vmem>>, vector<1x16xf32>,
      %add3A_1208 = arith.constant 400 : i32
      %add3A_1209 = arith.addi %add3A_1208, %scan3A_1128 : i32
      %get3A_1210 = arith.index_cast %add3A_1209 : i32 to index
      %get3A_1211 = arith.constant 16 : index
      %get3A_1212 = tpu.vector_load %arg11[%get3A_1210, %get3A_1211] {strides = array<i32>} : memref<800x32xf32, #tpu.memory_space<vmem>>, vector<1x16xf32>,
      %get3A_1213 = vector.shape_cast %get3A_1212 : vector<1x16xf32> to vector<16xf32>
      %add3A_1214 = arith.addf %get3A_1213, %get3A_1183 : vector<16xf32>
      %swap3A_1215 = arith.index_cast %add3A_1209 : i32 to index
      %swap3A_1216 = arith.constant 16 : index
      %swap3A_1217 = tpu.vector_load %arg11[%swap3A_1215, %swap3A_1216] {strides = array<i32>} : memref<800x32xf32, #tpu.memory_space<vmem>>, vector<1x16xf32>,
      %swap3A_1218 = vector.shape_cast %swap3A_1217 : vector<1x16xf32> to vector<16xf32>
      %swap3A_1219 = vector.shape_cast %add3A_1214 : vector<16xf32> to vector<1x16xf32>
      tpu.vector_store %arg11[%swap3A_1215, %swap3A_1216], %swap3A_1219 {strides = array<i32>} : memref<800x32xf32, #tpu.memory_space<vmem>>, vector<1x16xf32>,
      %add3A_1220 = arith.constant 600 : i32
      %add3A_1221 = arith.addi %add3A_1220, %scan3A_1128 : i32
      %get3A_1222 = arith.index_cast %add3A_1221 : i32 to index
      %get3A_1223 = arith.constant 16 : index
      %get3A_1224 = tpu.vector_load %arg11[%get3A_1222, %get3A_1223] {strides = array<i32>} : memref<800x32xf32, #tpu.memory_space<vmem>>, vector<1x16xf32>,
      %get3A_1225 = vector.shape_cast %get3A_1224 : vector<1x16xf32> to vector<16xf32>
      %add3A_1226 = arith.addf %get3A_1225, %get3A_1183 : vector<16xf32>
      %swap3A_1227 = arith.index_cast %add3A_1221 : i32 to index
      %swap3A_1228 = arith.constant 16 : index
      %swap3A_1229 = tpu.vector_load %arg11[%swap3A_1227, %swap3A_1228] {strides = array<i32>} : memref<800x32xf32, #tpu.memory_space<vmem>>, vector<1x16xf32>,
      %swap3A_1230 = vector.shape_cast %swap3A_1229 : vector<1x16xf32> to vector<16xf32>
      %swap3A_1231 = vector.shape_cast %add3A_1226 : vector<16xf32> to vector<1x16xf32>
      tpu.vector_store %arg11[%swap3A_1227, %swap3A_1228], %swap3A_1231 {strides = array<i32>} : memref<800x32xf32, #tpu.memory_space<vmem>>, vector<1x16xf32>,
      %scan3A_1232 = arith.constant 0 : i32
      scf.yield %scan3A_1232 : i32
    }
    %scan3A_835 = arith.constant 200 : i32
    %mul3A_836 = arith.constant 32 : i32
    %mul3A_837 = arith.muli %add3A, %mul3A_836 : i32
    %add3A_838 = arith.constant 28 : i32
    %add3A_839 = arith.addi %mul3A_837, %add3A_838 : i32
    %add3A_840 = arith.constant 0 : i32
    %add3A_841 = arith.addi %add3A_839, %add3A_840 : i32
    %dma_start3A_842 = arith.constant 0 : i32
    %dma_start3A_843 = arith.constant 0 : i32
    %dma_start3A_844 = tpu.memref_slice %arg11[%dma_start3A_842, %dma_start3A_843] : memref<800x32xf32, #tpu.memory_space<vmem>> -> memref<200x32xf32, #tpu.memory_space<vmem>>
    %dma_start3A_845 = arith.constant 0 : i32
    %dma_start3A_846 = arith.constant 0 : i32
    %dma_start3A_847 = tpu.memref_slice %arg5[%add3A_841, %dma_start3A_845, %dma_start3A_846] : memref<1024x200x32xf32, #tpu.memory_space<hbm>> -> memref<1x200x32xf32, #tpu.memory_space<hbm>>
    %dma_start3A_848 = tpu.memref_squeeze %dma_start3A_847 : memref<1x200x32xf32, #tpu.memory_space<hbm>> -> memref<200x32xf32, #tpu.memory_space<hbm>>
    %dma_start3A_849 = arith.constant 0 : i32
    %dma_start3A_850 = arith.constant 0 : i32
    %dma_start3A_851 = tpu.memref_slice %arg5[%add3A_841, %dma_start3A_849, %dma_start3A_850] : memref<1024x200x32xf32, #tpu.memory_space<hbm>> -> memref<1x200x32xf32, #tpu.memory_space<hbm>>
    %dma_start3A_852 = tpu.memref_squeeze %dma_start3A_851 : memref<1x200x32xf32, #tpu.memory_space<hbm>> -> memref<200x32xf32, #tpu.memory_space<hbm>>
    %dma_start3A_853 = arith.constant 0 : i32
    %dma_start3A_854 = arith.constant 0 : i32
    %dma_start3A_855 = tpu.memref_slice %arg11[%dma_start3A_853, %dma_start3A_854] : memref<800x32xf32, #tpu.memory_space<vmem>> -> memref<200x32xf32, #tpu.memory_space<vmem>>
    tpu.enqueue_dma source(%dma_start3A_855 : memref<200x32xf32, #tpu.memory_space<vmem>>) target(%dma_start3A_852 : memref<200x32xf32, #tpu.memory_space<hbm>>) target_semaphore(%arg19 : memref<!tpu.dma_semaphore, #tpu.memory_space<semaphore_mem>>)
    %add3A_856 = arith.constant 1 : i32
    %add3A_857 = arith.addi %add3A_839, %add3A_856 : i32
    %dma_start3A_858 = arith.constant 200 : i32
    %dma_start3A_859 = arith.constant 0 : i32
    %dma_start3A_860 = tpu.memref_slice %arg11[%dma_start3A_858, %dma_start3A_859] : memref<800x32xf32, #tpu.memory_space<vmem>> -> memref<200x32xf32, #tpu.memory_space<vmem>>
    %dma_start3A_861 = arith.constant 0 : i32
    %dma_start3A_862 = arith.constant 0 : i32
    %dma_start3A_863 = tpu.memref_slice %arg5[%add3A_857, %dma_start3A_861, %dma_start3A_862] : memref<1024x200x32xf32, #tpu.memory_space<hbm>> -> memref<1x200x32xf32, #tpu.memory_space<hbm>>
    %dma_start3A_864 = tpu.memref_squeeze %dma_start3A_863 : memref<1x200x32xf32, #tpu.memory_space<hbm>> -> memref<200x32xf32, #tpu.memory_space<hbm>>
    %dma_start3A_865 = arith.constant 0 : i32
    %dma_start3A_866 = arith.constant 0 : i32
    %dma_start3A_867 = tpu.memref_slice %arg5[%add3A_857, %dma_start3A_865, %dma_start3A_866] : memref<1024x200x32xf32, #tpu.memory_space<hbm>> -> memref<1x200x32xf32, #tpu.memory_space<hbm>>
    %dma_start3A_868 = tpu.memref_squeeze %dma_start3A_867 : memref<1x200x32xf32, #tpu.memory_space<hbm>> -> memref<200x32xf32, #tpu.memory_space<hbm>>
    %dma_start3A_869 = arith.constant 200 : i32
    %dma_start3A_870 = arith.constant 0 : i32
    %dma_start3A_871 = tpu.memref_slice %arg11[%dma_start3A_869, %dma_start3A_870] : memref<800x32xf32, #tpu.memory_space<vmem>> -> memref<200x32xf32, #tpu.memory_space<vmem>>
    tpu.enqueue_dma source(%dma_start3A_871 : memref<200x32xf32, #tpu.memory_space<vmem>>) target(%dma_start3A_868 : memref<200x32xf32, #tpu.memory_space<hbm>>) target_semaphore(%arg19 : memref<!tpu.dma_semaphore, #tpu.memory_space<semaphore_mem>>)
    %add3A_872 = arith.constant 2 : i32
    %add3A_873 = arith.addi %add3A_839, %add3A_872 : i32
    %dma_start3A_874 = arith.constant 400 : i32
    %dma_start3A_875 = arith.constant 0 : i32
    %dma_start3A_876 = tpu.memref_slice %arg11[%dma_start3A_874, %dma_start3A_875] : memref<800x32xf32, #tpu.memory_space<vmem>> -> memref<200x32xf32, #tpu.memory_space<vmem>>
    %dma_start3A_877 = arith.constant 0 : i32
    %dma_start3A_878 = arith.constant 0 : i32
    %dma_start3A_879 = tpu.memref_slice %arg5[%add3A_873, %dma_start3A_877, %dma_start3A_878] : memref<1024x200x32xf32, #tpu.memory_space<hbm>> -> memref<1x200x32xf32, #tpu.memory_space<hbm>>
    %dma_start3A_880 = tpu.memref_squeeze %dma_start3A_879 : memref<1x200x32xf32, #tpu.memory_space<hbm>> -> memref<200x32xf32, #tpu.memory_space<hbm>>
    %dma_start3A_881 = arith.constant 0 : i32
    %dma_start3A_882 = arith.constant 0 : i32
    %dma_start3A_883 = tpu.memref_slice %arg5[%add3A_873, %dma_start3A_881, %dma_start3A_882] : memref<1024x200x32xf32, #tpu.memory_space<hbm>> -> memref<1x200x32xf32, #tpu.memory_space<hbm>>
    %dma_start3A_884 = tpu.memref_squeeze %dma_start3A_883 : memref<1x200x32xf32, #tpu.memory_space<hbm>> -> memref<200x32xf32, #tpu.memory_space<hbm>>
    %dma_start3A_885 = arith.constant 400 : i32
    %dma_start3A_886 = arith.constant 0 : i32
    %dma_start3A_887 = tpu.memref_slice %arg11[%dma_start3A_885, %dma_start3A_886] : memref<800x32xf32, #tpu.memory_space<vmem>> -> memref<200x32xf32, #tpu.memory_space<vmem>>
    tpu.enqueue_dma source(%dma_start3A_887 : memref<200x32xf32, #tpu.memory_space<vmem>>) target(%dma_start3A_884 : memref<200x32xf32, #tpu.memory_space<hbm>>) target_semaphore(%arg19 : memref<!tpu.dma_semaphore, #tpu.memory_space<semaphore_mem>>)
    %add3A_888 = arith.constant 3 : i32
    %add3A_889 = arith.addi %add3A_839, %add3A_888 : i32
    %dma_start3A_890 = arith.constant 600 : i32
    %dma_start3A_891 = arith.constant 0 : i32
    %dma_start3A_892 = tpu.memref_slice %arg11[%dma_start3A_890, %dma_start3A_891] : memref<800x32xf32, #tpu.memory_space<vmem>> -> memref<200x32xf32, #tpu.memory_space<vmem>>
    %dma_start3A_893 = arith.constant 0 : i32
    %dma_start3A_894 = arith.constant 0 : i32
    %dma_start3A_895 = tpu.memref_slice %arg5[%add3A_889, %dma_start3A_893, %dma_start3A_894] : memref<1024x200x32xf32, #tpu.memory_space<hbm>> -> memref<1x200x32xf32, #tpu.memory_space<hbm>>
    %dma_start3A_896 = tpu.memref_squeeze %dma_start3A_895 : memref<1x200x32xf32, #tpu.memory_space<hbm>> -> memref<200x32xf32, #tpu.memory_space<hbm>>
    %dma_start3A_897 = arith.constant 0 : i32
    %dma_start3A_898 = arith.constant 0 : i32
    %dma_start3A_899 = tpu.memref_slice %arg5[%add3A_889, %dma_start3A_897, %dma_start3A_898] : memref<1024x200x32xf32, #tpu.memory_space<hbm>> -> memref<1x200x32xf32, #tpu.memory_space<hbm>>
    %dma_start3A_900 = tpu.memref_squeeze %dma_start3A_899 : memref<1x200x32xf32, #tpu.memory_space<hbm>> -> memref<200x32xf32, #tpu.memory_space<hbm>>
    %dma_start3A_901 = arith.constant 600 : i32
    %dma_start3A_902 = arith.constant 0 : i32
    %dma_start3A_903 = tpu.memref_slice %arg11[%dma_start3A_901, %dma_start3A_902] : memref<800x32xf32, #tpu.memory_space<vmem>> -> memref<200x32xf32, #tpu.memory_space<vmem>>
    tpu.enqueue_dma source(%dma_start3A_903 : memref<200x32xf32, #tpu.memory_space<vmem>>) target(%dma_start3A_900 : memref<200x32xf32, #tpu.memory_space<hbm>>) target_semaphore(%arg19 : memref<!tpu.dma_semaphore, #tpu.memory_space<semaphore_mem>>)
    %dma_wait3A_904 = arith.constant 0 : i32
    %dma_wait3A_905 = arith.constant 0 : i32
    %dma_wait3A_906 = tpu.memref_slice %arg8[%dma_wait3A_904, %dma_wait3A_905] : memref<800x32xf32, #tpu.memory_space<vmem>> -> memref<200x32xf32, #tpu.memory_space<vmem>>
    %dma_wait3A_907 = arith.constant 0 : i32
    %dma_wait3A_908 = arith.constant 0 : i32
    %dma_wait3A_909 = tpu.memref_slice %arg5[%add3A_540, %dma_wait3A_907, %dma_wait3A_908] : memref<1024x200x32xf32, #tpu.memory_space<hbm>> -> memref<1x200x32xf32, #tpu.memory_space<hbm>>
    %dma_wait3A_910 = tpu.memref_squeeze %dma_wait3A_909 : memref<1x200x32xf32, #tpu.memory_space<hbm>> -> memref<200x32xf32, #tpu.memory_space<hbm>>
    %dma_wait3A_911 = arith.constant 0 : i32
    %dma_wait3A_912 = arith.constant 0 : i32
    %dma_wait3A_913 = tpu.memref_slice %arg5[%add3A_540, %dma_wait3A_911, %dma_wait3A_912] : memref<1024x200x32xf32, #tpu.memory_space<hbm>> -> memref<1x200x32xf32, #tpu.memory_space<hbm>>
    %dma_wait3A_914 = tpu.memref_squeeze %dma_wait3A_913 : memref<1x200x32xf32, #tpu.memory_space<hbm>> -> memref<200x32xf32, #tpu.memory_space<hbm>>
    %dma_wait3A_915 = arith.constant 0 : i32
    %dma_wait3A_916 = arith.constant 0 : i32
    %dma_wait3A_917 = tpu.memref_slice %arg8[%dma_wait3A_915, %dma_wait3A_916] : memref<800x32xf32, #tpu.memory_space<vmem>> -> memref<200x32xf32, #tpu.memory_space<vmem>>
    tpu.wait_dma2 semaphore(%arg16 : memref<!tpu.dma_semaphore, #tpu.memory_space<semaphore_mem>>) src(%dma_wait3A_917 : memref<200x32xf32, #tpu.memory_space<vmem>>) dst(%dma_wait3A_914 : memref<200x32xf32, #tpu.memory_space<hbm>>)
    %dma_wait3A_918 = arith.constant 200 : i32
    %dma_wait3A_919 = arith.constant 0 : i32
    %dma_wait3A_920 = tpu.memref_slice %arg8[%dma_wait3A_918, %dma_wait3A_919] : memref<800x32xf32, #tpu.memory_space<vmem>> -> memref<200x32xf32, #tpu.memory_space<vmem>>
    %dma_wait3A_921 = arith.constant 0 : i32
    %dma_wait3A_922 = arith.constant 0 : i32
    %dma_wait3A_923 = tpu.memref_slice %arg5[%add3A_556, %dma_wait3A_921, %dma_wait3A_922] : memref<1024x200x32xf32, #tpu.memory_space<hbm>> -> memref<1x200x32xf32, #tpu.memory_space<hbm>>
    %dma_wait3A_924 = tpu.memref_squeeze %dma_wait3A_923 : memref<1x200x32xf32, #tpu.memory_space<hbm>> -> memref<200x32xf32, #tpu.memory_space<hbm>>
    %dma_wait3A_925 = arith.constant 0 : i32
    %dma_wait3A_926 = arith.constant 0 : i32
    %dma_wait3A_927 = tpu.memref_slice %arg5[%add3A_556, %dma_wait3A_925, %dma_wait3A_926] : memref<1024x200x32xf32, #tpu.memory_space<hbm>> -> memref<1x200x32xf32, #tpu.memory_space<hbm>>
    %dma_wait3A_928 = tpu.memref_squeeze %dma_wait3A_927 : memref<1x200x32xf32, #tpu.memory_space<hbm>> -> memref<200x32xf32, #tpu.memory_space<hbm>>
    %dma_wait3A_929 = arith.constant 200 : i32
    %dma_wait3A_930 = arith.constant 0 : i32
    %dma_wait3A_931 = tpu.memref_slice %arg8[%dma_wait3A_929, %dma_wait3A_930] : memref<800x32xf32, #tpu.memory_space<vmem>> -> memref<200x32xf32, #tpu.memory_space<vmem>>
    tpu.wait_dma2 semaphore(%arg16 : memref<!tpu.dma_semaphore, #tpu.memory_space<semaphore_mem>>) src(%dma_wait3A_931 : memref<200x32xf32, #tpu.memory_space<vmem>>) dst(%dma_wait3A_928 : memref<200x32xf32, #tpu.memory_space<hbm>>)
    %dma_wait3A_932 = arith.constant 400 : i32
    %dma_wait3A_933 = arith.constant 0 : i32
    %dma_wait3A_934 = tpu.memref_slice %arg8[%dma_wait3A_932, %dma_wait3A_933] : memref<800x32xf32, #tpu.memory_space<vmem>> -> memref<200x32xf32, #tpu.memory_space<vmem>>
    %dma_wait3A_935 = arith.constant 0 : i32
    %dma_wait3A_936 = arith.constant 0 : i32
    %dma_wait3A_937 = tpu.memref_slice %arg5[%add3A_572, %dma_wait3A_935, %dma_wait3A_936] : memref<1024x200x32xf32, #tpu.memory_space<hbm>> -> memref<1x200x32xf32, #tpu.memory_space<hbm>>
    %dma_wait3A_938 = tpu.memref_squeeze %dma_wait3A_937 : memref<1x200x32xf32, #tpu.memory_space<hbm>> -> memref<200x32xf32, #tpu.memory_space<hbm>>
    %dma_wait3A_939 = arith.constant 0 : i32
    %dma_wait3A_940 = arith.constant 0 : i32
    %dma_wait3A_941 = tpu.memref_slice %arg5[%add3A_572, %dma_wait3A_939, %dma_wait3A_940] : memref<1024x200x32xf32, #tpu.memory_space<hbm>> -> memref<1x200x32xf32, #tpu.memory_space<hbm>>
    %dma_wait3A_942 = tpu.memref_squeeze %dma_wait3A_941 : memref<1x200x32xf32, #tpu.memory_space<hbm>> -> memref<200x32xf32, #tpu.memory_space<hbm>>
    %dma_wait3A_943 = arith.constant 400 : i32
    %dma_wait3A_944 = arith.constant 0 : i32
    %dma_wait3A_945 = tpu.memref_slice %arg8[%dma_wait3A_943, %dma_wait3A_944] : memref<800x32xf32, #tpu.memory_space<vmem>> -> memref<200x32xf32, #tpu.memory_space<vmem>>
    tpu.wait_dma2 semaphore(%arg16 : memref<!tpu.dma_semaphore, #tpu.memory_space<semaphore_mem>>) src(%dma_wait3A_945 : memref<200x32xf32, #tpu.memory_space<vmem>>) dst(%dma_wait3A_942 : memref<200x32xf32, #tpu.memory_space<hbm>>)
    %dma_wait3A_946 = arith.constant 600 : i32
    %dma_wait3A_947 = arith.constant 0 : i32
    %dma_wait3A_948 = tpu.memref_slice %arg8[%dma_wait3A_946, %dma_wait3A_947] : memref<800x32xf32, #tpu.memory_space<vmem>> -> memref<200x32xf32, #tpu.memory_space<vmem>>
    %dma_wait3A_949 = arith.constant 0 : i32
    %dma_wait3A_950 = arith.constant 0 : i32
    %dma_wait3A_951 = tpu.memref_slice %arg5[%add3A_588, %dma_wait3A_949, %dma_wait3A_950] : memref<1024x200x32xf32, #tpu.memory_space<hbm>> -> memref<1x200x32xf32, #tpu.memory_space<hbm>>
    %dma_wait3A_952 = tpu.memref_squeeze %dma_wait3A_951 : memref<1x200x32xf32, #tpu.memory_space<hbm>> -> memref<200x32xf32, #tpu.memory_space<hbm>>
    %dma_wait3A_953 = arith.constant 0 : i32
    %dma_wait3A_954 = arith.constant 0 : i32
    %dma_wait3A_955 = tpu.memref_slice %arg5[%add3A_588, %dma_wait3A_953, %dma_wait3A_954] : memref<1024x200x32xf32, #tpu.memory_space<hbm>> -> memref<1x200x32xf32, #tpu.memory_space<hbm>>
    %dma_wait3A_956 = tpu.memref_squeeze %dma_wait3A_955 : memref<1x200x32xf32, #tpu.memory_space<hbm>> -> memref<200x32xf32, #tpu.memory_space<hbm>>
    %dma_wait3A_957 = arith.constant 600 : i32
    %dma_wait3A_958 = arith.constant 0 : i32
    %dma_wait3A_959 = tpu.memref_slice %arg8[%dma_wait3A_957, %dma_wait3A_958] : memref<800x32xf32, #tpu.memory_space<vmem>> -> memref<200x32xf32, #tpu.memory_space<vmem>>
    tpu.wait_dma2 semaphore(%arg16 : memref<!tpu.dma_semaphore, #tpu.memory_space<semaphore_mem>>) src(%dma_wait3A_959 : memref<200x32xf32, #tpu.memory_space<vmem>>) dst(%dma_wait3A_956 : memref<200x32xf32, #tpu.memory_space<hbm>>)
    %dma_wait3A_960 = arith.constant 0 : i32
    %dma_wait3A_961 = arith.constant 0 : i32
    %dma_wait3A_962 = tpu.memref_slice %arg9[%dma_wait3A_960, %dma_wait3A_961] : memref<800x32xf32, #tpu.memory_space<vmem>> -> memref<200x32xf32, #tpu.memory_space<vmem>>
    %dma_wait3A_963 = arith.constant 0 : i32
    %dma_wait3A_964 = arith.constant 0 : i32
    %dma_wait3A_965 = tpu.memref_slice %arg5[%add3A_681, %dma_wait3A_963, %dma_wait3A_964] : memref<1024x200x32xf32, #tpu.memory_space<hbm>> -> memref<1x200x32xf32, #tpu.memory_space<hbm>>
    %dma_wait3A_966 = tpu.memref_squeeze %dma_wait3A_965 : memref<1x200x32xf32, #tpu.memory_space<hbm>> -> memref<200x32xf32, #tpu.memory_space<hbm>>
    %dma_wait3A_967 = arith.constant 0 : i32
    %dma_wait3A_968 = arith.constant 0 : i32
    %dma_wait3A_969 = tpu.memref_slice %arg5[%add3A_681, %dma_wait3A_967, %dma_wait3A_968] : memref<1024x200x32xf32, #tpu.memory_space<hbm>> -> memref<1x200x32xf32, #tpu.memory_space<hbm>>
    %dma_wait3A_970 = tpu.memref_squeeze %dma_wait3A_969 : memref<1x200x32xf32, #tpu.memory_space<hbm>> -> memref<200x32xf32, #tpu.memory_space<hbm>>
    %dma_wait3A_971 = arith.constant 0 : i32
    %dma_wait3A_972 = arith.constant 0 : i32
    %dma_wait3A_973 = tpu.memref_slice %arg9[%dma_wait3A_971, %dma_wait3A_972] : memref<800x32xf32, #tpu.memory_space<vmem>> -> memref<200x32xf32, #tpu.memory_space<vmem>>
    tpu.wait_dma2 semaphore(%arg17 : memref<!tpu.dma_semaphore, #tpu.memory_space<semaphore_mem>>) src(%dma_wait3A_973 : memref<200x32xf32, #tpu.memory_space<vmem>>) dst(%dma_wait3A_970 : memref<200x32xf32, #tpu.memory_space<hbm>>)
    %dma_wait3A_974 = arith.constant 200 : i32
    %dma_wait3A_975 = arith.constant 0 : i32
    %dma_wait3A_976 = tpu.memref_slice %arg9[%dma_wait3A_974, %dma_wait3A_975] : memref<800x32xf32, #tpu.memory_space<vmem>> -> memref<200x32xf32, #tpu.memory_space<vmem>>
    %dma_wait3A_977 = arith.constant 0 : i32
    %dma_wait3A_978 = arith.constant 0 : i32
    %dma_wait3A_979 = tpu.memref_slice %arg5[%add3A_697, %dma_wait3A_977, %dma_wait3A_978] : memref<1024x200x32xf32, #tpu.memory_space<hbm>> -> memref<1x200x32xf32, #tpu.memory_space<hbm>>
    %dma_wait3A_980 = tpu.memref_squeeze %dma_wait3A_979 : memref<1x200x32xf32, #tpu.memory_space<hbm>> -> memref<200x32xf32, #tpu.memory_space<hbm>>
    %dma_wait3A_981 = arith.constant 0 : i32
    %dma_wait3A_982 = arith.constant 0 : i32
    %dma_wait3A_983 = tpu.memref_slice %arg5[%add3A_697, %dma_wait3A_981, %dma_wait3A_982] : memref<1024x200x32xf32, #tpu.memory_space<hbm>> -> memref<1x200x32xf32, #tpu.memory_space<hbm>>
    %dma_wait3A_984 = tpu.memref_squeeze %dma_wait3A_983 : memref<1x200x32xf32, #tpu.memory_space<hbm>> -> memref<200x32xf32, #tpu.memory_space<hbm>>
    %dma_wait3A_985 = arith.constant 200 : i32
    %dma_wait3A_986 = arith.constant 0 : i32
    %dma_wait3A_987 = tpu.memref_slice %arg9[%dma_wait3A_985, %dma_wait3A_986] : memref<800x32xf32, #tpu.memory_space<vmem>> -> memref<200x32xf32, #tpu.memory_space<vmem>>
    tpu.wait_dma2 semaphore(%arg17 : memref<!tpu.dma_semaphore, #tpu.memory_space<semaphore_mem>>) src(%dma_wait3A_987 : memref<200x32xf32, #tpu.memory_space<vmem>>) dst(%dma_wait3A_984 : memref<200x32xf32, #tpu.memory_space<hbm>>)
    %dma_wait3A_988 = arith.constant 400 : i32
    %dma_wait3A_989 = arith.constant 0 : i32
    %dma_wait3A_990 = tpu.memref_slice %arg9[%dma_wait3A_988, %dma_wait3A_989] : memref<800x32xf32, #tpu.memory_space<vmem>> -> memref<200x32xf32, #tpu.memory_space<vmem>>
    %dma_wait3A_991 = arith.constant 0 : i32
    %dma_wait3A_992 = arith.constant 0 : i32
    %dma_wait3A_993 = tpu.memref_slice %arg5[%add3A_713, %dma_wait3A_991, %dma_wait3A_992] : memref<1024x200x32xf32, #tpu.memory_space<hbm>> -> memref<1x200x32xf32, #tpu.memory_space<hbm>>
    %dma_wait3A_994 = tpu.memref_squeeze %dma_wait3A_993 : memref<1x200x32xf32, #tpu.memory_space<hbm>> -> memref<200x32xf32, #tpu.memory_space<hbm>>
    %dma_wait3A_995 = arith.constant 0 : i32
    %dma_wait3A_996 = arith.constant 0 : i32
    %dma_wait3A_997 = tpu.memref_slice %arg5[%add3A_713, %dma_wait3A_995, %dma_wait3A_996] : memref<1024x200x32xf32, #tpu.memory_space<hbm>> -> memref<1x200x32xf32, #tpu.memory_space<hbm>>
    %dma_wait3A_998 = tpu.memref_squeeze %dma_wait3A_997 : memref<1x200x32xf32, #tpu.memory_space<hbm>> -> memref<200x32xf32, #tpu.memory_space<hbm>>
    %dma_wait3A_999 = arith.constant 400 : i32
    %dma_wait3A_1000 = arith.constant 0 : i32
    %dma_wait3A_1001 = tpu.memref_slice %arg9[%dma_wait3A_999, %dma_wait3A_1000] : memref<800x32xf32, #tpu.memory_space<vmem>> -> memref<200x32xf32, #tpu.memory_space<vmem>>
    tpu.wait_dma2 semaphore(%arg17 : memref<!tpu.dma_semaphore, #tpu.memory_space<semaphore_mem>>) src(%dma_wait3A_1001 : memref<200x32xf32, #tpu.memory_space<vmem>>) dst(%dma_wait3A_998 : memref<200x32xf32, #tpu.memory_space<hbm>>)
    %dma_wait3A_1002 = arith.constant 600 : i32
    %dma_wait3A_1003 = arith.constant 0 : i32
    %dma_wait3A_1004 = tpu.memref_slice %arg9[%dma_wait3A_1002, %dma_wait3A_1003] : memref<800x32xf32, #tpu.memory_space<vmem>> -> memref<200x32xf32, #tpu.memory_space<vmem>>
    %dma_wait3A_1005 = arith.constant 0 : i32
    %dma_wait3A_1006 = arith.constant 0 : i32
    %dma_wait3A_1007 = tpu.memref_slice %arg5[%add3A_729, %dma_wait3A_1005, %dma_wait3A_1006] : memref<1024x200x32xf32, #tpu.memory_space<hbm>> -> memref<1x200x32xf32, #tpu.memory_space<hbm>>
    %dma_wait3A_1008 = tpu.memref_squeeze %dma_wait3A_1007 : memref<1x200x32xf32, #tpu.memory_space<hbm>> -> memref<200x32xf32, #tpu.memory_space<hbm>>
    %dma_wait3A_1009 = arith.constant 0 : i32
    %dma_wait3A_1010 = arith.constant 0 : i32
    %dma_wait3A_1011 = tpu.memref_slice %arg5[%add3A_729, %dma_wait3A_1009, %dma_wait3A_1010] : memref<1024x200x32xf32, #tpu.memory_space<hbm>> -> memref<1x200x32xf32, #tpu.memory_space<hbm>>
    %dma_wait3A_1012 = tpu.memref_squeeze %dma_wait3A_1011 : memref<1x200x32xf32, #tpu.memory_space<hbm>> -> memref<200x32xf32, #tpu.memory_space<hbm>>
    %dma_wait3A_1013 = arith.constant 600 : i32
    %dma_wait3A_1014 = arith.constant 0 : i32
    %dma_wait3A_1015 = tpu.memref_slice %arg9[%dma_wait3A_1013, %dma_wait3A_1014] : memref<800x32xf32, #tpu.memory_space<vmem>> -> memref<200x32xf32, #tpu.memory_space<vmem>>
    tpu.wait_dma2 semaphore(%arg17 : memref<!tpu.dma_semaphore, #tpu.memory_space<semaphore_mem>>) src(%dma_wait3A_1015 : memref<200x32xf32, #tpu.memory_space<vmem>>) dst(%dma_wait3A_1012 : memref<200x32xf32, #tpu.memory_space<hbm>>)
    %dma_wait3A_1016 = arith.constant 0 : i32
    %dma_wait3A_1017 = arith.constant 0 : i32
    %dma_wait3A_1018 = tpu.memref_slice %arg10[%dma_wait3A_1016, %dma_wait3A_1017] : memref<800x32xf32, #tpu.memory_space<vmem>> -> memref<200x32xf32, #tpu.memory_space<vmem>>
    %dma_wait3A_1019 = arith.constant 0 : i32
    %dma_wait3A_1020 = arith.constant 0 : i32
    %dma_wait3A_1021 = tpu.memref_slice %arg5[%add3A_761, %dma_wait3A_1019, %dma_wait3A_1020] : memref<1024x200x32xf32, #tpu.memory_space<hbm>> -> memref<1x200x32xf32, #tpu.memory_space<hbm>>
    %dma_wait3A_1022 = tpu.memref_squeeze %dma_wait3A_1021 : memref<1x200x32xf32, #tpu.memory_space<hbm>> -> memref<200x32xf32, #tpu.memory_space<hbm>>
    %dma_wait3A_1023 = arith.constant 0 : i32
    %dma_wait3A_1024 = arith.constant 0 : i32
    %dma_wait3A_1025 = tpu.memref_slice %arg5[%add3A_761, %dma_wait3A_1023, %dma_wait3A_1024] : memref<1024x200x32xf32, #tpu.memory_space<hbm>> -> memref<1x200x32xf32, #tpu.memory_space<hbm>>
    %dma_wait3A_1026 = tpu.memref_squeeze %dma_wait3A_1025 : memref<1x200x32xf32, #tpu.memory_space<hbm>> -> memref<200x32xf32, #tpu.memory_space<hbm>>
    %dma_wait3A_1027 = arith.constant 0 : i32
    %dma_wait3A_1028 = arith.constant 0 : i32
    %dma_wait3A_1029 = tpu.memref_slice %arg10[%dma_wait3A_1027, %dma_wait3A_1028] : memref<800x32xf32, #tpu.memory_space<vmem>> -> memref<200x32xf32, #tpu.memory_space<vmem>>
    tpu.wait_dma2 semaphore(%arg18 : memref<!tpu.dma_semaphore, #tpu.memory_space<semaphore_mem>>) src(%dma_wait3A_1029 : memref<200x32xf32, #tpu.memory_space<vmem>>) dst(%dma_wait3A_1026 : memref<200x32xf32, #tpu.memory_space<hbm>>)
    %dma_wait3A_1030 = arith.constant 200 : i32
    %dma_wait3A_1031 = arith.constant 0 : i32
    %dma_wait3A_1032 = tpu.memref_slice %arg10[%dma_wait3A_1030, %dma_wait3A_1031] : memref<800x32xf32, #tpu.memory_space<vmem>> -> memref<200x32xf32, #tpu.memory_space<vmem>>
    %dma_wait3A_1033 = arith.constant 0 : i32
    %dma_wait3A_1034 = arith.constant 0 : i32
    %dma_wait3A_1035 = tpu.memref_slice %arg5[%add3A_777, %dma_wait3A_1033, %dma_wait3A_1034] : memref<1024x200x32xf32, #tpu.memory_space<hbm>> -> memref<1x200x32xf32, #tpu.memory_space<hbm>>
    %dma_wait3A_1036 = tpu.memref_squeeze %dma_wait3A_1035 : memref<1x200x32xf32, #tpu.memory_space<hbm>> -> memref<200x32xf32, #tpu.memory_space<hbm>>
    %dma_wait3A_1037 = arith.constant 0 : i32
    %dma_wait3A_1038 = arith.constant 0 : i32
    %dma_wait3A_1039 = tpu.memref_slice %arg5[%add3A_777, %dma_wait3A_1037, %dma_wait3A_1038] : memref<1024x200x32xf32, #tpu.memory_space<hbm>> -> memref<1x200x32xf32, #tpu.memory_space<hbm>>
    %dma_wait3A_1040 = tpu.memref_squeeze %dma_wait3A_1039 : memref<1x200x32xf32, #tpu.memory_space<hbm>> -> memref<200x32xf32, #tpu.memory_space<hbm>>
    %dma_wait3A_1041 = arith.constant 200 : i32
    %dma_wait3A_1042 = arith.constant 0 : i32
    %dma_wait3A_1043 = tpu.memref_slice %arg10[%dma_wait3A_1041, %dma_wait3A_1042] : memref<800x32xf32, #tpu.memory_space<vmem>> -> memref<200x32xf32, #tpu.memory_space<vmem>>
    tpu.wait_dma2 semaphore(%arg18 : memref<!tpu.dma_semaphore, #tpu.memory_space<semaphore_mem>>) src(%dma_wait3A_1043 : memref<200x32xf32, #tpu.memory_space<vmem>>) dst(%dma_wait3A_1040 : memref<200x32xf32, #tpu.memory_space<hbm>>)
    %dma_wait3A_1044 = arith.constant 400 : i32
    %dma_wait3A_1045 = arith.constant 0 : i32
    %dma_wait3A_1046 = tpu.memref_slice %arg10[%dma_wait3A_1044, %dma_wait3A_1045] : memref<800x32xf32, #tpu.memory_space<vmem>> -> memref<200x32xf32, #tpu.memory_space<vmem>>
    %dma_wait3A_1047 = arith.constant 0 : i32
    %dma_wait3A_1048 = arith.constant 0 : i32
    %dma_wait3A_1049 = tpu.memref_slice %arg5[%add3A_793, %dma_wait3A_1047, %dma_wait3A_1048] : memref<1024x200x32xf32, #tpu.memory_space<hbm>> -> memref<1x200x32xf32, #tpu.memory_space<hbm>>
    %dma_wait3A_1050 = tpu.memref_squeeze %dma_wait3A_1049 : memref<1x200x32xf32, #tpu.memory_space<hbm>> -> memref<200x32xf32, #tpu.memory_space<hbm>>
    %dma_wait3A_1051 = arith.constant 0 : i32
    %dma_wait3A_1052 = arith.constant 0 : i32
    %dma_wait3A_1053 = tpu.memref_slice %arg5[%add3A_793, %dma_wait3A_1051, %dma_wait3A_1052] : memref<1024x200x32xf32, #tpu.memory_space<hbm>> -> memref<1x200x32xf32, #tpu.memory_space<hbm>>
    %dma_wait3A_1054 = tpu.memref_squeeze %dma_wait3A_1053 : memref<1x200x32xf32, #tpu.memory_space<hbm>> -> memref<200x32xf32, #tpu.memory_space<hbm>>
    %dma_wait3A_1055 = arith.constant 400 : i32
    %dma_wait3A_1056 = arith.constant 0 : i32
    %dma_wait3A_1057 = tpu.memref_slice %arg10[%dma_wait3A_1055, %dma_wait3A_1056] : memref<800x32xf32, #tpu.memory_space<vmem>> -> memref<200x32xf32, #tpu.memory_space<vmem>>
    tpu.wait_dma2 semaphore(%arg18 : memref<!tpu.dma_semaphore, #tpu.memory_space<semaphore_mem>>) src(%dma_wait3A_1057 : memref<200x32xf32, #tpu.memory_space<vmem>>) dst(%dma_wait3A_1054 : memref<200x32xf32, #tpu.memory_space<hbm>>)
    %dma_wait3A_1058 = arith.constant 600 : i32
    %dma_wait3A_1059 = arith.constant 0 : i32
    %dma_wait3A_1060 = tpu.memref_slice %arg10[%dma_wait3A_1058, %dma_wait3A_1059] : memref<800x32xf32, #tpu.memory_space<vmem>> -> memref<200x32xf32, #tpu.memory_space<vmem>>
    %dma_wait3A_1061 = arith.constant 0 : i32
    %dma_wait3A_1062 = arith.constant 0 : i32
    %dma_wait3A_1063 = tpu.memref_slice %arg5[%add3A_809, %dma_wait3A_1061, %dma_wait3A_1062] : memref<1024x200x32xf32, #tpu.memory_space<hbm>> -> memref<1x200x32xf32, #tpu.memory_space<hbm>>
    %dma_wait3A_1064 = tpu.memref_squeeze %dma_wait3A_1063 : memref<1x200x32xf32, #tpu.memory_space<hbm>> -> memref<200x32xf32, #tpu.memory_space<hbm>>
    %dma_wait3A_1065 = arith.constant 0 : i32
    %dma_wait3A_1066 = arith.constant 0 : i32
    %dma_wait3A_1067 = tpu.memref_slice %arg5[%add3A_809, %dma_wait3A_1065, %dma_wait3A_1066] : memref<1024x200x32xf32, #tpu.memory_space<hbm>> -> memref<1x200x32xf32, #tpu.memory_space<hbm>>
    %dma_wait3A_1068 = tpu.memref_squeeze %dma_wait3A_1067 : memref<1x200x32xf32, #tpu.memory_space<hbm>> -> memref<200x32xf32, #tpu.memory_space<hbm>>
    %dma_wait3A_1069 = arith.constant 600 : i32
    %dma_wait3A_1070 = arith.constant 0 : i32
    %dma_wait3A_1071 = tpu.memref_slice %arg10[%dma_wait3A_1069, %dma_wait3A_1070] : memref<800x32xf32, #tpu.memory_space<vmem>> -> memref<200x32xf32, #tpu.memory_space<vmem>>
    tpu.wait_dma2 semaphore(%arg18 : memref<!tpu.dma_semaphore, #tpu.memory_space<semaphore_mem>>) src(%dma_wait3A_1071 : memref<200x32xf32, #tpu.memory_space<vmem>>) dst(%dma_wait3A_1068 : memref<200x32xf32, #tpu.memory_space<hbm>>)
    %dma_wait3A_1072 = arith.constant 0 : i32
    %dma_wait3A_1073 = arith.constant 0 : i32
    %dma_wait3A_1074 = tpu.memref_slice %arg11[%dma_wait3A_1072, %dma_wait3A_1073] : memref<800x32xf32, #tpu.memory_space<vmem>> -> memref<200x32xf32, #tpu.memory_space<vmem>>
    %dma_wait3A_1075 = arith.constant 0 : i32
    %dma_wait3A_1076 = arith.constant 0 : i32
    %dma_wait3A_1077 = tpu.memref_slice %arg5[%add3A_841, %dma_wait3A_1075, %dma_wait3A_1076] : memref<1024x200x32xf32, #tpu.memory_space<hbm>> -> memref<1x200x32xf32, #tpu.memory_space<hbm>>
    %dma_wait3A_1078 = tpu.memref_squeeze %dma_wait3A_1077 : memref<1x200x32xf32, #tpu.memory_space<hbm>> -> memref<200x32xf32, #tpu.memory_space<hbm>>
    %dma_wait3A_1079 = arith.constant 0 : i32
    %dma_wait3A_1080 = arith.constant 0 : i32
    %dma_wait3A_1081 = tpu.memref_slice %arg5[%add3A_841, %dma_wait3A_1079, %dma_wait3A_1080] : memref<1024x200x32xf32, #tpu.memory_space<hbm>> -> memref<1x200x32xf32, #tpu.memory_space<hbm>>
    %dma_wait3A_1082 = tpu.memref_squeeze %dma_wait3A_1081 : memref<1x200x32xf32, #tpu.memory_space<hbm>> -> memref<200x32xf32, #tpu.memory_space<hbm>>
    %dma_wait3A_1083 = arith.constant 0 : i32
    %dma_wait3A_1084 = arith.constant 0 : i32
    %dma_wait3A_1085 = tpu.memref_slice %arg11[%dma_wait3A_1083, %dma_wait3A_1084] : memref<800x32xf32, #tpu.memory_space<vmem>> -> memref<200x32xf32, #tpu.memory_space<vmem>>
    tpu.wait_dma2 semaphore(%arg19 : memref<!tpu.dma_semaphore, #tpu.memory_space<semaphore_mem>>) src(%dma_wait3A_1085 : memref<200x32xf32, #tpu.memory_space<vmem>>) dst(%dma_wait3A_1082 : memref<200x32xf32, #tpu.memory_space<hbm>>)
    %dma_wait3A_1086 = arith.constant 200 : i32
    %dma_wait3A_1087 = arith.constant 0 : i32
    %dma_wait3A_1088 = tpu.memref_slice %arg11[%dma_wait3A_1086, %dma_wait3A_1087] : memref<800x32xf32, #tpu.memory_space<vmem>> -> memref<200x32xf32, #tpu.memory_space<vmem>>
    %dma_wait3A_1089 = arith.constant 0 : i32
    %dma_wait3A_1090 = arith.constant 0 : i32
    %dma_wait3A_1091 = tpu.memref_slice %arg5[%add3A_857, %dma_wait3A_1089, %dma_wait3A_1090] : memref<1024x200x32xf32, #tpu.memory_space<hbm>> -> memref<1x200x32xf32, #tpu.memory_space<hbm>>
    %dma_wait3A_1092 = tpu.memref_squeeze %dma_wait3A_1091 : memref<1x200x32xf32, #tpu.memory_space<hbm>> -> memref<200x32xf32, #tpu.memory_space<hbm>>
    %dma_wait3A_1093 = arith.constant 0 : i32
    %dma_wait3A_1094 = arith.constant 0 : i32
    %dma_wait3A_1095 = tpu.memref_slice %arg5[%add3A_857, %dma_wait3A_1093, %dma_wait3A_1094] : memref<1024x200x32xf32, #tpu.memory_space<hbm>> -> memref<1x200x32xf32, #tpu.memory_space<hbm>>
    %dma_wait3A_1096 = tpu.memref_squeeze %dma_wait3A_1095 : memref<1x200x32xf32, #tpu.memory_space<hbm>> -> memref<200x32xf32, #tpu.memory_space<hbm>>
    %dma_wait3A_1097 = arith.constant 200 : i32
    %dma_wait3A_1098 = arith.constant 0 : i32
    %dma_wait3A_1099 = tpu.memref_slice %arg11[%dma_wait3A_1097, %dma_wait3A_1098] : memref<800x32xf32, #tpu.memory_space<vmem>> -> memref<200x32xf32, #tpu.memory_space<vmem>>
    tpu.wait_dma2 semaphore(%arg19 : memref<!tpu.dma_semaphore, #tpu.memory_space<semaphore_mem>>) src(%dma_wait3A_1099 : memref<200x32xf32, #tpu.memory_space<vmem>>) dst(%dma_wait3A_1096 : memref<200x32xf32, #tpu.memory_space<hbm>>)
    %dma_wait3A_1100 = arith.constant 400 : i32
    %dma_wait3A_1101 = arith.constant 0 : i32
    %dma_wait3A_1102 = tpu.memref_slice %arg11[%dma_wait3A_1100, %dma_wait3A_1101] : memref<800x32xf32, #tpu.memory_space<vmem>> -> memref<200x32xf32, #tpu.memory_space<vmem>>
    %dma_wait3A_1103 = arith.constant 0 : i32
    %dma_wait3A_1104 = arith.constant 0 : i32
    %dma_wait3A_1105 = tpu.memref_slice %arg5[%add3A_873, %dma_wait3A_1103, %dma_wait3A_1104] : memref<1024x200x32xf32, #tpu.memory_space<hbm>> -> memref<1x200x32xf32, #tpu.memory_space<hbm>>
    %dma_wait3A_1106 = tpu.memref_squeeze %dma_wait3A_1105 : memref<1x200x32xf32, #tpu.memory_space<hbm>> -> memref<200x32xf32, #tpu.memory_space<hbm>>
    %dma_wait3A_1107 = arith.constant 0 : i32
    %dma_wait3A_1108 = arith.constant 0 : i32
    %dma_wait3A_1109 = tpu.memref_slice %arg5[%add3A_873, %dma_wait3A_1107, %dma_wait3A_1108] : memref<1024x200x32xf32, #tpu.memory_space<hbm>> -> memref<1x200x32xf32, #tpu.memory_space<hbm>>
    %dma_wait3A_1110 = tpu.memref_squeeze %dma_wait3A_1109 : memref<1x200x32xf32, #tpu.memory_space<hbm>> -> memref<200x32xf32, #tpu.memory_space<hbm>>
    %dma_wait3A_1111 = arith.constant 400 : i32
    %dma_wait3A_1112 = arith.constant 0 : i32
    %dma_wait3A_1113 = tpu.memref_slice %arg11[%dma_wait3A_1111, %dma_wait3A_1112] : memref<800x32xf32, #tpu.memory_space<vmem>> -> memref<200x32xf32, #tpu.memory_space<vmem>>
    tpu.wait_dma2 semaphore(%arg19 : memref<!tpu.dma_semaphore, #tpu.memory_space<semaphore_mem>>) src(%dma_wait3A_1113 : memref<200x32xf32, #tpu.memory_space<vmem>>) dst(%dma_wait3A_1110 : memref<200x32xf32, #tpu.memory_space<hbm>>)
    %dma_wait3A_1114 = arith.constant 600 : i32
    %dma_wait3A_1115 = arith.constant 0 : i32
    %dma_wait3A_1116 = tpu.memref_slice %arg11[%dma_wait3A_1114, %dma_wait3A_1115] : memref<800x32xf32, #tpu.memory_space<vmem>> -> memref<200x32xf32, #tpu.memory_space<vmem>>
    %dma_wait3A_1117 = arith.constant 0 : i32
    %dma_wait3A_1118 = arith.constant 0 : i32
    %dma_wait3A_1119 = tpu.memref_slice %arg5[%add3A_889, %dma_wait3A_1117, %dma_wait3A_1118] : memref<1024x200x32xf32, #tpu.memory_space<hbm>> -> memref<1x200x32xf32, #tpu.memory_space<hbm>>
    %dma_wait3A_1120 = tpu.memref_squeeze %dma_wait3A_1119 : memref<1x200x32xf32, #tpu.memory_space<hbm>> -> memref<200x32xf32, #tpu.memory_space<hbm>>
    %dma_wait3A_1121 = arith.constant 0 : i32
    %dma_wait3A_1122 = arith.constant 0 : i32
    %dma_wait3A_1123 = tpu.memref_slice %arg5[%add3A_889, %dma_wait3A_1121, %dma_wait3A_1122] : memref<1024x200x32xf32, #tpu.memory_space<hbm>> -> memref<1x200x32xf32, #tpu.memory_space<hbm>>
    %dma_wait3A_1124 = tpu.memref_squeeze %dma_wait3A_1123 : memref<1x200x32xf32, #tpu.memory_space<hbm>> -> memref<200x32xf32, #tpu.memory_space<hbm>>
    %dma_wait3A_1125 = arith.constant 600 : i32
    %dma_wait3A_1126 = arith.constant 0 : i32
    %dma_wait3A_1127 = tpu.memref_slice %arg11[%dma_wait3A_1125, %dma_wait3A_1126] : memref<800x32xf32, #tpu.memory_space<vmem>> -> memref<200x32xf32, #tpu.memory_space<vmem>>
    tpu.wait_dma2 semaphore(%arg19 : memref<!tpu.dma_semaphore, #tpu.memory_space<semaphore_mem>>) src(%dma_wait3A_1127 : memref<200x32xf32, #tpu.memory_space<vmem>>) dst(%dma_wait3A_1124 : memref<200x32xf32, #tpu.memory_space<hbm>>)
    return
  }
}

</mosaic_0001>

<sc_bundles>
// kernel: kernel.3.cloned.1.call-start
scs
__scs_entry_jumppad:
0x0: {  	(pc) =	sbr.rel $0x88, $3  }
0x1: {  	(tag) =	ssettag $0x0;
	lr =	simm.s32 $0x1  }
0x2: {  	[smem:$0x3F9E] =	sst lr;
	_ =	strace $0xD0000000  }
0x3: {  	_ = 	snop  }
0x4: {  	_ = 	snop  }
0x5: {  	_ = 	snop  }
0x6: {  	_ = 	snop  }
0x7: {  	_ = 	snop  }
__scs_overlays_trampoline_lowered:
0x8: {  	[smem:$0x3FAD] =	sst s0  }
0x9: {  	[smem:$0x3FAE] =	sst s1  }
0xa: {  	[smem:$0x3FAF] =	sst s2  }
0xb: {  	[smem:$0x3FB0] =	sst s3  }
0xc: {  	[smem:$0x3FB1] =	sst s4  }
0xd: {  	[smem:$0x3FB2] =	sst s5  }
0xe: {  	[smem:$0x3FB3] =	sst s6  }
0xf: {  	[smem:$0x3FB4] =	sst s7  }
0x10: {  	[smem:$0x3FB5] =	sst s8  }
0x11: {  	[smem:$0x3FB6] =	sst s9;
	s0 =	simm.s32 @!p0 $0x0  }
0x12: {  	s1 =	sld [smem:$0x3F9C];
	s0 =	simm.s32 @p0 $0x1  }
0x13: {  	[smem:$0x3FB7] =	sst s0;
	s0 =	simm.s32 @!p1 $0x0  }
0x14: {  	s2 =	sld [smem:$0x3F9B];
	s0 =	simm.s32 @p1 $0x1  }
0x15: {  	[smem:$0x3FB8] =	sst s0;
	s0 =	simm.s32 @!p2 $0x0  }
0x16: {  	s3 =	sld [smem:$0x3FDB];
	s0 =	simm.s32 @p2 $0x1  }
0x17: {  	s4 =	simm.s32 $0x1BF5;
	[smem:$0x3FBA] =	sst s0  }
0x18: {  	s0 =	sld [smem:$0x3F9D];
	_ =	swait.ge [sflag:s4], $0x0  }
0x19: {  	s7 =	sld [smem:$0x3F9E]  }
0x1a: {  	s8 =	sadd.s32 $0xFFFFE003, lr  }
0x1b: {  	s9 =	sadd.s32 $0xFFFFFEF7, lr;
	s5 =	simm.s32 $0xFFFFFFFF;
	p2 =	slt.u32 s8, $0xFFFFF086  }
0x1c: {  	p1 =	slt.u32 s9, $0xF7A;
	s5 =	simm.s32 @!p2 $0x0  }
0x1d: {  	s5 =	simm.s32 @p1 $0x1;
	p0 =	seq.s32 s7, s2  }
0x1e: {  	s7 =	smul.u32 @!p0 $0xF7A, s2;
	p2 =	seq.s32 @!p0 s5, $0x0  }
0x1f: {  	s9 =	smul.u32 $0xF7A, s1;
	s8 =	simm.s32 @!p0 $0x1BF5;
	p2 =	por !p2, p0  }
0x20: {  	[sflag:s8] =	ssyncset.s32 @!p0 $0xFFFFF086;
	s6 =	sadd.s32 @!p0 s3, s7;
	s7 =	simm.s32 @!p0 $0x108  }
0x21: {  	s3 =	sadd.s32 s3, s9;
	s6 =	sadd.s32 @!p0 $0x88, s6;
	s7 =	simm.s32 @p2 $0x1082  }
0x22: {  	[simem:s7], [sflag:s8] =	dma.local @!p0 [hbm:s6], $0xF7A  }
0x23: {  	s9 =	sor.u32 $0xD0000000, s2;
	s6 =	simm.s32 $0x108;
	_ =	swait.ge @!p0 [sflag:s8], $0x0  }
0x24: {  	s3 =	sadd.s32 $0x88, s3;
	s6 =	simm.s32 @!p1 $0x1082;
	[sflag:s4] =	ssyncset.s32 $0xFFFFF086  }
0x25: {  	[simem:s6], [sflag:s4] =	dma.local [hbm:s3], $0xF7A  }
0x26: {  	[smem:$0x3F9E] =	sst s1;
	(tag) =	ssettag s2;
	_ =	strace s9  }
0x27: {  	s1 =	sld [smem:$0x3FAE]  }
0x28: {  	s2 =	sld [smem:$0x3FAF]  }
0x29: {  	s4 =	sld [smem:$0x3FB1]  }
0x2a: {  	p0 =	seq.s32 s5, $0x0;
	s5 =	sld [smem:$0x3FB2]  }
0x2b: {  	s6 =	sld [smem:$0x3FB3]  }
0x2c: {  	s7 =	sld [smem:$0x3FB4]  }
0x2d: {  	s3 =	simm.s32 $0x108;
	s8 =	sld [smem:$0x3FB5]  }
0x2e: {  	s3 =	simm.s32 @!p0 $0x1082;
	s9 =	sld [smem:$0x3FB6]  }
0x2f: {  	lr =	sadd.s32 s0, s3;
	s0 =	sld [smem:$0x3FAD]  }
0x30: {  	s3 =	sld [smem:$0x3FB0]  }
0x31: {  	[smem:$0x3FB9] =	sst s10  }
0x32: {  	s10 =	sld [smem:$0x3FB7];
	_ =	sdelay $0x3  }
0x33: {  	p0 =	seq.s32 s10, $0x1;
	s10 =	sld [smem:$0x3FB9];
	_ =	sdelay $0x3  }
0x34: {  	[smem:$0x3FB9] =	sst s10  }
0x35: {  	s10 =	sld [smem:$0x3FB8];
	_ =	sdelay $0x3  }
0x36: {  	p1 =	seq.s32 s10, $0x1;
	s10 =	sld [smem:$0x3FB9];
	_ =	sdelay $0x3  }
0x37: {  	[smem:$0x3FB9] =	sst s10  }
0x38: {  	s10 =	sld [smem:$0x3FBA]  }
0x39: {  	_ = 	snop;
	(pc) =	sbr.ind lr, $3  }
0x3a: {  	_ = 	snop  }
0x3b: {  	_ = 	snop  }
0x3c: {  	p2 =	seq.s32 s10, $0x1;
	s10 =	sld [smem:$0x3FB9]  }
0x3d: {  	_ =	shalt  }
0x3e: {  	_ =	shalt  }
0x3f: {  	_ =	shalt  }
0x40: {  	_ =	shalt  }
0x41: {  	_ =	shalt  }
0x42: {  	_ =	shalt  }
0x43: {  	_ =	shalt  }
0x44: {  	_ =	shalt  }
0x45: {  	_ =	shalt  }
0x46: {  	_ =	shalt  }
0x47: {  	_ =	shalt  }
0x48: {  	_ =	shalt  }
0x49: {  	_ =	shalt  }
0x4a: {  	_ =	shalt  }
0x4b: {  	_ =	shalt  }
0x4c: {  	_ =	shalt  }
0x4d: {  	_ =	shalt  }
0x4e: {  	_ =	shalt  }
0x4f: {  	_ =	shalt  }
0x50: {  	_ =	shalt  }
0x51: {  	_ =	shalt  }
0x52: {  	_ =	shalt  }
0x53: {  	_ =	shalt  }
0x54: {  	_ =	shalt  }
0x55: {  	_ =	shalt  }
0x56: {  	_ =	shalt  }
0x57: {  	_ =	shalt  }
0x58: {  	_ =	shalt  }
0x59: {  	_ =	shalt  }
0x5a: {  	_ =	shalt  }
0x5b: {  	_ =	shalt  }
0x5c: {  	_ =	shalt  }
0x5d: {  	_ =	shalt  }
0x5e: {  	_ =	shalt  }
0x5f: {  	_ =	shalt  }
0x60: {  	_ =	shalt  }
0x61: {  	_ =	shalt  }
0x62: {  	_ =	shalt  }
0x63: {  	_ =	shalt  }
0x64: {  	_ =	shalt  }
0x65: {  	_ =	shalt  }
0x66: {  	_ =	shalt  }
0x67: {  	_ =	shalt  }
0x68: {  	_ =	shalt  }
0x69: {  	_ =	shalt  }
0x6a: {  	_ =	shalt  }
0x6b: {  	_ =	shalt  }
0x6c: {  	_ =	shalt  }
0x6d: {  	_ =	shalt  }
0x6e: {  	_ =	shalt  }
0x6f: {  	_ =	shalt  }
0x70: {  	_ =	shalt  }
0x71: {  	_ =	shalt  }
0x72: {  	_ =	shalt  }
0x73: {  	_ =	shalt  }
0x74: {  	_ =	shalt  }
0x75: {  	_ =	shalt  }
0x76: {  	_ =	shalt  }
0x77: {  	_ =	shalt  }
0x78: {  	_ =	shalt  }
0x79: {  	_ =	shalt  }
0x7a: {  	_ =	shalt  }
0x7b: {  	_ =	shalt  }
0x7c: {  	_ =	shalt  }
0x7d: {  	_ =	shalt  }
0x7e: {  	_ =	shalt  }
0x7f: {  	_ =	shalt  }
0x80: {  	_ =	shalt  }
0x81: {  	_ =	shalt  }
0x82: {  	_ =	shalt  }
0x83: {  	_ =	shalt  }
0x84: {  	_ =	shalt  }
0x85: {  	_ =	shalt  }
0x86: {  	_ =	shalt  }
0x87: {  	_ =	shalt  }
.Lfunc_end0:
.L_simem_size_0:
called_computation_lowered:
.L_overlay_start_0:
0x88: {  	s2 =	sld [smem:$0x3FD9]  }
0x89: {  	s3 =	sld [smem:$0x3FFE];
	_ =	sdelay $0x1  }
0x8a: {  	s1 =	srdreg.scid  }
0x8b: {  	s0 =	sand.u32 $0x1, s1  }
0x8c: {  	s17 =	sshll.u32 s0, $0xA;
	s2 =	sadd.s32 s3, s2  }
0x8d: {  	s2 =	sadd.s32 s2, s17  }
0x8e: {  	[smem:$0x3FC5] =	sst s2  }
0x8f: {  	_ = 	snop  }
0x90: {  	s2 =	sld [smem:$0x3FD0];
	(tm) =	ssettm $0x1  }
0x91: {  	s18 =	sld [smem:$0x3FFB];
	_ =	sdelay $0x3  }
0x92: {  	_ =	strace s18  }
0x93: {  	s3 =	sld [smem:$0x3FFC];
	_ =	sdelay $0x3  }
0x94: {  	_ =	strace s3  }
0x95: {  	s3 =	sld [smem:$0x3FFD];
	_ =	sdelay $0x3  }
0x96: {  	_ =	strace s3  }
0x97: {  	_ =	strace $0x8FFFFFFF  }
0x98: {  	s19 =	sld [smem:$0x3FDB];
	_ =	sdelay $0x1  }
0x99: {  	s4 =	simm.s32 $_scs_section_size  }
0x9a: {  	s5 =	simm.s32 $_size__tile_overlayer_lowered;
	s6 =	simm.s32 $_tile_overlayer_lowered  }
0x9b: {  	s22 =	simm.s32 $0x1BFF;
	s21 =	sshll.u32 s6, $0x1;
	s3 =	sadd.s32 s4, s19  }
0x9c: {  	s7 =	simm.s32 $0x0;
	s20 =	sshll.u32 s5, $0x1;
	s5 =	sadd.s32 s21, s3  }
0x9d: {  	[timem:s7], [sflag:s22] =	dma.local [hbm:s5], s20  }
0x9e: {  	_ =	swait.ge [sflag:s22], s20  }
0x9f: {  	s4 =	ssub.s32 $0x0, s20;
	[sflag:s22] =	ssyncset.done $0x0  }
0xa0: {  	[sflag:s22] =	ssyncadd.s32 s4;
	_ =	sdelay $0x1  }
0xa1: {  	s23 =	simm.s32 $0x1B8B  }
0xa2: {  	_ =	swait.ge [sflag:s23], $0x1  }
0xa3: {  	[sflag:s23] =	ssyncset.done $0x0  }
0xa4: {  	s25 =	simm.s32 $0x1B8E;
	s24 =	sld [smem:$0x3FFE];
	[sflag:s23] =	ssyncadd.s32 $0xFFFFFFFF  }
0xa5: {  	s26 =	simm.s32 $execute0_lowered;
	[smem:$0x3FD2] =	sst s25  }
0xa6: {  	s5 =	sshll.u32 s26, $0x1;
	_ =	strace $0x80000046;
	[dreg:$0x1] =	wrdreg $0xFFFFFFFF  }
0xa7: {  	s28 =	simm.s32 $_size_execute0_lowered;
	s3 =	sadd.s32 s3, s5;
	[dreg:$0x0] =	wrdreg $0x0  }
0xa8: {  	s5 =	sshll.u32 s28, $0x1;
	[dreg:$0x2] =	wrdreg s3  }
0xa9: {  	[dreg:$0x3] =	wrdreg s5  }
0xaa: {  	[dreg:$0x4] =	wrdreg $0xC0  }
0xab: {  	_ =	task [dreg:s7], $0x5FFFF  }
0xac: {  	[dreg:$0x1] =	wrdreg $0xFFFFFFFF  }
0xad: {  	[dreg:$0x0] =	wrdreg $0x60  }
0xae: {  	[dreg:$0x2] =	wrdreg s24  }
0xaf: {  	[dreg:$0x3] =	wrdreg s2  }
0xb0: {  	[dreg:$0x4] =	wrdreg $0x9  }
0xb1: {  	_ =	task.clear_ibuf [dreg:s7], $0x5FFFF;
	_ =	strace $0x90000046  }
0xb2: {  	s29 =	simm.s32 $0x9;
	_ =	strace $0x80000048  }
0xb3: {  	_ =	swait.ge [sflag:s29], $0x1  }
0xb4: {  	[sflag:s29] =	ssyncadd.s32 $0xFFFFFFFF  }
0xb5: {  	_ =	strace $0x90000048  }
0xb6: {  	_ =	sfence  }
0xb7: {  	s30 =	sld [smem:$0x0];
	_ =	sdelay $0x2  }
0xb8: {  	s31 =	sshll.u32 s1, $0xD;
	s1 =	sshrl.u32 s1, $0x2  }
0xb9: {  	s3 =	sand.u32 $0x4000, s31;
	s1 =	sadd.s32 s1, s30  }
0xba: {  	s0 =	sor.u32 s3, s0;
	s1 =	sshll.u32 s1, $0x11  }
0xbb: {  	s0 =	sor.u32 s1, s0  }
0xbc: {  	s0 =	sadd.s32 $0x8F2B, s0  }
0xbd: {  	[sflag:s0] =	ssyncadd.remote.s32 $0x1  }
0xbe: {  	_ =	sfence.sel $0xFFFF  }
0xbf: {  	[dreg:$0x0] =	wrdreg $0xFFFFFFFF;
	(pc) =	sbr.abs _section_cstart, $3  }
0xc0: {  	[dreg:$0x1] =	wrdreg $0xFFFFFFFF  }
0xc1: {  	_ =	task.clear_ibuf [dreg:s7], $0x2FFFF;
	_ =	strace $0x9FFFFFFF  }
0xc2: {  	(tm) =	ssettm $0x7FFFFFFF  }
0xc3: {  	_ =	shalt  }
tec
execute0_lowered:
.L_overlay_start_1:
0x0: {  	(tag) =	ssettag $0x1  }
0x1: {  	s3 =	srdreg.scid;
	s5 =	stileid.u32  }
0x2: {  	s4 =	sand.u32 $0x1, s3;
	s16 =	sshll.u32 s5, $0x1  }
0x3: {  	s0 =	rddreg [dreg:$0x0];
	s5 =	sor.u32 s4, s16  }
0x4: {  	s1 =	rddreg [dreg:$0x1];
	s2 =	simm.s32 $0x0;
	s6 =	smul.u32 $0x320, s5  }
0x5: {  	[smem:$0x7FF] =	sst s2;
	s7 =	smul.u32 $0x32000, s5  }
0x6: {  	s3 =	sadd.s32 $0xF42C00, s0;
	s8 =	sadd.s32 $0x6C00, s0;
	s0 =	sadd.s32 s6, s0  }
0x7: {  	s5 =	smul.u32 $0x6400, s5;
	s18 =	sshrl.u32 s7, $0x3;
	s0 =	sadd.s32 $0x800, s0  }
0x8: {  	_ =	strace $0x80000047;
	[dreg:$0x4] =	wrdreg s0;
	s0 =	sadd.s32 s1, s18  }
0x9: {  	[dreg:$0x3] =	wrdreg s8;
	s5 =	sadd.s32 s1, s5;
	s1 =	sadd.s32 $0x640, s0  }
0xa: {  	s19 =	sadd.s32 $0x960, s0;
	[dreg:$0x5] =	wrdreg s1  }
0xb: {  	s20 =	sadd.s32 $0xC80, s0;
	[dreg:$0x6] =	wrdreg s19  }
0xc: {  	s21 =	sadd.s32 $0xFA0, s0;
	[dreg:$0x7] =	wrdreg s20  }
0xd: {  	s22 =	sadd.s32 $0x12C0, s0;
	[dreg:$0x8] =	wrdreg s21  }
0xe: {  	s23 =	sadd.s32 $0x15E0, s0;
	[dreg:$0x9] =	wrdreg s22  }
0xf: {  	s24 =	sadd.s32 $0x1900, s0;
	[dreg:$0xa] =	wrdreg s23  }
0x10: {  	s25 =	sadd.s32 $0x1C20, s0;
	[dreg:$0xb] =	wrdreg s24  }
0x11: {  	s26 =	sadd.s32 $0x1F40, s0;
	[dreg:$0xc] =	wrdreg s25  }
0x12: {  	s6 =	sadd.s32 $0x2260, s0;
	[dreg:$0xd] =	wrdreg s26  }
0x13: {  	s7 =	sadd.s32 $0x2580, s0;
	[dreg:$0xe] =	wrdreg s6  }
0x14: {  	s8 =	sadd.s32 $0x28A0, s0;
	[dreg:$0xf] =	wrdreg s7  }
0x15: {  	s9 =	sadd.s32 $0x2BC0, s0;
	[dreg:$0x10] =	wrdreg s8  }
0x16: {  	s10 =	sadd.s32 $0x2EE0, s0;
	[dreg:$0x11] =	wrdreg s9  }
0x17: {  	s11 =	sadd.s32 $0x3200, s0;
	[dreg:$0x12] =	wrdreg s10  }
0x18: {  	s12 =	sadd.s32 $0x3520, s0;
	[dreg:$0x13] =	wrdreg s11  }
0x19: {  	s28 =	simm.s32 $0x11300;
	s13 =	sadd.s32 $0x3840, s0;
	[dreg:$0x14] =	wrdreg s12  }
0x1a: {  	s29 =	simm.s32 $0x12C00;
	s14 =	sadd.s32 $0x3B60, s0;
	[dreg:$0x15] =	wrdreg s13  }
0x1b: {  	s4 =	ssub.s32 $0x2, s4;
	s15 =	sadd.s32 $0x3E80, s0;
	[dreg:$0x16] =	wrdreg s14  }
0x1c: {  	s17 =	sshrl.u32 s4, $0x1;
	s16 =	sadd.s32 $0x41A0, s0;
	[dreg:$0x17] =	wrdreg s15  }
0x1d: {  	s4 =	ssub.s32 s4, s17;
	s17 =	sadd.s32 $0x44C0, s0;
	[dreg:$0x18] =	wrdreg s16  }
0x1e: {  	s30 =	simm.s32 $0x14500;
	s18 =	sadd.s32 $0x47E0, s0;
	[dreg:$0x19] =	wrdreg s17  }
0x1f: {  	s31 =	simm.s32 $0x4;
	[dreg:$0x1a] =	wrdreg s18;
	s19 =	sadd.s32 $0x4B00, s0  }
0x20: {  	s20 =	sadd.s32 $0x4E20, s0;
	s21 =	sadd.s32 $0x5140, s0;
	s22 =	sadd.s32 $0x5460, s0  }
0x21: {  	s23 =	sadd.s32 $0x5780, s0;
	s24 =	sadd.s32 $0x5AA0, s0;
	s25 =	sadd.s32 $0x5DC0, s0  }
0x22: {  	s0 =	sadd.s32 $0x60E0, s0;
	s26 =	smax.u32 s4, $0x1;
	[dreg:$0x1b] =	wrdreg s19  }
0x23: {  	s9 =	smov.u32 s5;
	s10 =	sadd.s32 $0x320, s5;
	[dreg:$0x1c] =	wrdreg s20  }
0x24: {  	s11 =	simm.s32 $0x9;
	s12 =	simm.s32 $0x320;
	[dreg:$0x1d] =	wrdreg s21  }
0x25: {  	s13 =	simm.s32 $0x3200;
	s14 =	simm.s32 $0x9600;
	[dreg:$0x1e] =	wrdreg s22  }
0x26: {  	s15 =	simm.s32 $0x1;
	s16 =	simm.s32 $0xFA00;
	[dreg:$0x1f] =	wrdreg s23  }
0x27: {  	s6 =	simm.s32 $0x6;
	s1 =	simm.s32 $0x19000;
	[smem:$0x7FA] =	sst s24  }
0x28: {  	s4 =	simm.s32 $0x1A900;
	s5 =	simm.s32 $0x7;
	[smem:$0x7FB] =	sst s25  }
0x29: {  	s17 =	simm.s32 $0x8;
	s7 =	simm.s32 $0x0;
	[smem:$0x7FC] =	sst s0  }
0x2a: {  	[smem:$0x7FD] =	sst s26;
	s20 =	simm.s32 $0x2;
	s21 =	simm.s32 $0x15E00  }
0x2b: {  	s22 =	simm.s32 $0xAF00;
	s23 =	simm.s32 $0xC800;
	s24 =	simm.s32 $0xE100  }
0x2c: {  	s25 =	simm.s32 $0x3;
	s26 =	simm.s32 $0x5;
	s0 =	simm.s32 $0x17700  }
.LBB2_1:
0x2d: {  	s8 =	rddreg [dreg:$0x4]  }
0x2e: {  	[tilespmem:s2], [sflag:$0x9] =	stream.linear.gather [hbm4b:s8+s2], $0x1900, $0x38;
	[tilespmem:$0x1C200] =	vst v63  }
0x2f: {  	_ =	swait.ge [sflag:s11], $0x1900  }
0x30: {  	[sflag:s11] =	ssyncset.done $0x0  }
0x31: {  	s18 =	simm.s32 $0x1900;
	s19 =	rddreg [dreg:$0x3];
	[sflag:s11] =	ssyncadd.s32 $0xFFFFE700  }
0x32: {  	[tilespmem:s18], [sflag:$0x9] =	stream.linear.gather [hbm4b:s19+s2], $0x1900, $0x38;
	[tilespmem:$0x1C200] =	vst v63  }
0x33: {  	_ =	swait.ge [sflag:s11], $0x1900  }
0x34: {  	[sflag:s11] =	ssyncset.done $0x0  }
0x35: {  	[sflag:s11] =	ssyncadd.s32 $0xFFFFE700  }
0x36: {  	[tilespmem:s13], [sflag:$0x1] =	stream.indirect.gather [hbm4b:s3+s12], $0x20, s2, s12, $0xb8;
	[tilespmem:$0x1C200] =	vst v63  }
0x37: {  	_ = 	snop  }
0x38: {  	[tilespmem:s14], [sflag:$0x2] =	stream.indirect.gather [hbm4b:s3+s12], $0x20, s12, s12, $0xb8;
	[tilespmem:$0x1C200] =	vst v63  }
0x39: {  	_ =	swait.ge [sflag:s15], $0x6400  }
0x3a: {  	[sflag:s15] =	ssyncset.done $0x0  }
0x3b: {  	s19 =	simm.s32 $0x640;
	s18 =	simm.s32 $0x0;
	[sflag:s15] =	ssyncadd.s32 $0xFFFF9C00  }
0x3c: {  	[tilespmem:s16], [sflag:$0x3] =	stream.indirect.gather [hbm4b:s3+s12], $0x20, s19, s12, $0xb8;
	[tilespmem:$0x1C200] =	vst v63  }
0x3d: {  	v1 =	vld [tilespmem:s18+$0x1900]  }
0x3e: {  	v0 =	vld [tilespmem:s18+$0x1910]  }
0x3f: {  	v4 =	vld [tilespmem:s18+$0x3200]  }
0x40: {  	v7 =	vld [tilespmem:s18+$0x4B00]  }
0x41: {  	v6 =	vld [tilespmem:s18+$0x6400]  }
0x42: {  	v5 =	vld [tilespmem:s18+$0x7D00]  }
0x43: {  	v2 =	vld [tilespmem:s18+$0x3210]  }
0x44: {  	v3 =	vld [tilespmem:s18+$0x4B10];
	v8 =	vadd.f32 v4, v1  }
0x45: {  	s8 =	simm.s32 $0x80;
	v7 =	vadd.f32 v7, v1;
	v4 =	vld [tilespmem:s18+$0x6410]  }
.LBB2_2:
0x46: {  	s19 =	sshra.s32 s8, $0x2;
	p0 =	sne.s32 s8, $0x6380;
	[tilespmem:s18+$0x3200] =	vst v8;
	v6 =	vadd.f32 v6, v1;
	v8 =	vld [tilespmem:s18+$0x7D10]  }
0x47: {  	[tilespmem:s18+$0x4B00] =	vst v7;
	v5 =	vadd.f32 v5, v1;
	v1 =	vld [tilespmem:s19+$0x1900]  }
0x48: {  	v7 =	vld [tilespmem:s19+$0x1910];
	[tilespmem:s18+$0x6400] =	vst v6;
	v2 =	vadd.f32 v2, v0  }
0x49: {  	v9 =	vld [tilespmem:s19+$0x3200];
	[tilespmem:s18+$0x7D00] =	vst v5;
	v3 =	vadd.f32 v3, v0  }
0x4a: {  	v10 =	vld [tilespmem:s19+$0x4B00];
	[tilespmem:s18+$0x3210] =	vst v2;
	v2 =	vadd.f32 v4, v0  }
.Ltmp0:
0x4b: {  	v6 =	vld [tilespmem:s19+$0x6400];
	[tilespmem:s18+$0x4B10] =	vst v3;
	v3 =	vadd.f32 v8, v0;
	(pc) =	sbr.rel @p0 .LBB2_2-.Ltmp0, $4  }
0x4c: {  	v5 =	vld [tilespmem:s19+$0x7D00];
	[tilespmem:s18+$0x6410] =	vst v2  }
0x4d: {  	v2 =	vld [tilespmem:s19+$0x3210];
	[tilespmem:s18+$0x7D10] =	vst v3;
	v0 =	vmov v7;
	s18 =	smov.u32 s19  }
0x4e: {  	v8 =	vadd.f32 v9, v1;
	v3 =	vld [tilespmem:s18+$0x4B10]  }
0x4f: {  	s8 =	sadd.s32 $0x80, s8;
	v7 =	vadd.f32 v10, v1;
	v4 =	vld [tilespmem:s18+$0x6410]  }
0x50: {  	[tilespmem:s18+$0x3200] =	vst v8;
	v6 =	vadd.f32 v6, v1;
	v8 =	vld [tilespmem:s18+$0x7D10]  }
0x51: {  	[tilespmem:s18+$0x4B00] =	vst v7;
	v1 =	vadd.f32 v5, v1  }
0x52: {  	[tilespmem:s18+$0x6400] =	vst v6;
	v2 =	vadd.f32 v2, v0  }
0x53: {  	[tilespmem:s18+$0x7D00] =	vst v1;
	v1 =	vadd.f32 v3, v0  }
0x54: {  	[tilespmem:s18+$0x3210] =	vst v2;
	v2 =	vadd.f32 v4, v0  }
0x55: {  	[tilespmem:s18+$0x4B10] =	vst v1;
	v0 =	vadd.f32 v8, v0  }
0x56: {  	[tilespmem:s18+$0x6410] =	vst v2  }
0x57: {  	s8 =	simm.s32 $0x0;
	[tilespmem:s18+$0x7D10] =	vst v0  }
0x58: {  	[hbm4b:s9+s8] =	stream.linear.scatter [tilespmem:s13], [sflag:$0x5], $0x1900, $0x38;
	[tilespmem:$0x1C200] =	vst v63  }
0x59: {  	s19 =	simm.s32 $0x4B00  }
0x5a: {  	[hbm4b:s10+s8] =	stream.linear.scatter [tilespmem:s19], [sflag:$0x5], $0x1900, $0x38;
	[tilespmem:$0x1C200] =	vst v63  }
0x5b: {  	s18 =	rddreg [dreg:$0x5];
	s19 =	simm.s32 $0x6400  }
0x5c: {  	[hbm4b:s18+s8] =	stream.linear.scatter [tilespmem:s19], [sflag:$0x5], $0x1900, $0x38;
	[tilespmem:$0x1C200] =	vst v63  }
0x5d: {  	s18 =	rddreg [dreg:$0x6];
	s19 =	simm.s32 $0x7D00  }
0x5e: {  	[hbm4b:s18+s8] =	stream.linear.scatter [tilespmem:s19], [sflag:$0x5], $0x1900, $0x38;
	[tilespmem:$0x1C200] =	vst v63  }
0x5f: {  	_ =	swait.ge [sflag:s20], $0x6400  }
0x60: {  	[sflag:s20] =	ssyncset.done $0x0  }
0x61: {  	s19 =	simm.s32 $0x960;
	s18 =	simm.s32 $0x0;
	[sflag:s20] =	ssyncadd.s32 $0xFFFF9C00  }
0x62: {  	[tilespmem:s21], [sflag:$0x4] =	stream.indirect.gather [hbm4b:s3+s12], $0x20, s19, s12, $0xb8;
	[tilespmem:$0x1C200] =	vst v63  }
0x63: {  	v1 =	vld [tilespmem:s18+$0x1900]  }
0x64: {  	v0 =	vld [tilespmem:s18+$0x1910]  }
0x65: {  	v4 =	vld [tilespmem:s18+$0x9600]  }
0x66: {  	v7 =	vld [tilespmem:s18+$0xAF00]  }
0x67: {  	v6 =	vld [tilespmem:s18+$0xC800]  }
0x68: {  	v5 =	vld [tilespmem:s18+$0xE100]  }
0x69: {  	v2 =	vld [tilespmem:s18+$0x9610]  }
0x6a: {  	v3 =	vld [tilespmem:s18+$0xAF10];
	v8 =	vadd.f32 v4, v1  }
0x6b: {  	s8 =	simm.s32 $0x80;
	v7 =	vadd.f32 v7, v1;
	v4 =	vld [tilespmem:s18+$0xC810]  }
.LBB2_4:
0x6c: {  	s19 =	sshra.s32 s8, $0x2;
	p0 =	sne.s32 s8, $0x6380;
	[tilespmem:s18+$0x9600] =	vst v8;
	v6 =	vadd.f32 v6, v1;
	v8 =	vld [tilespmem:s18+$0xE110]  }
0x6d: {  	[tilespmem:s18+$0xAF00] =	vst v7;
	v5 =	vadd.f32 v5, v1;
	v1 =	vld [tilespmem:s19+$0x1900]  }
0x6e: {  	v7 =	vld [tilespmem:s19+$0x1910];
	[tilespmem:s18+$0xC800] =	vst v6;
	v2 =	vadd.f32 v2, v0  }
0x6f: {  	v9 =	vld [tilespmem:s19+$0x9600];
	[tilespmem:s18+$0xE100] =	vst v5;
	v3 =	vadd.f32 v3, v0  }
0x70: {  	v10 =	vld [tilespmem:s19+$0xAF00];
	[tilespmem:s18+$0x9610] =	vst v2;
	v2 =	vadd.f32 v4, v0  }
.Ltmp1:
0x71: {  	v6 =	vld [tilespmem:s19+$0xC800];
	[tilespmem:s18+$0xAF10] =	vst v3;
	v3 =	vadd.f32 v8, v0;
	(pc) =	sbr.rel @p0 .LBB2_4-.Ltmp1, $4  }
0x72: {  	v5 =	vld [tilespmem:s19+$0xE100];
	[tilespmem:s18+$0xC810] =	vst v2  }
0x73: {  	v2 =	vld [tilespmem:s19+$0x9610];
	[tilespmem:s18+$0xE110] =	vst v3;
	v0 =	vmov v7;
	s18 =	smov.u32 s19  }
0x74: {  	v8 =	vadd.f32 v9, v1;
	v3 =	vld [tilespmem:s18+$0xAF10]  }
0x75: {  	s8 =	sadd.s32 $0x80, s8;
	v7 =	vadd.f32 v10, v1;
	v4 =	vld [tilespmem:s18+$0xC810]  }
0x76: {  	[tilespmem:s18+$0x9600] =	vst v8;
	v6 =	vadd.f32 v6, v1;
	v8 =	vld [tilespmem:s18+$0xE110]  }
0x77: {  	[tilespmem:s18+$0xAF00] =	vst v7;
	v1 =	vadd.f32 v5, v1  }
0x78: {  	[tilespmem:s18+$0xC800] =	vst v6;
	v2 =	vadd.f32 v2, v0  }
0x79: {  	[tilespmem:s18+$0xE100] =	vst v1;
	v1 =	vadd.f32 v3, v0  }
0x7a: {  	[tilespmem:s18+$0x9610] =	vst v2;
	v2 =	vadd.f32 v4, v0  }
0x7b: {  	[tilespmem:s18+$0xAF10] =	vst v1;
	v0 =	vadd.f32 v8, v0  }
0x7c: {  	[tilespmem:s18+$0xC810] =	vst v2  }
0x7d: {  	s8 =	simm.s32 $0x0;
	s19 =	rddreg [dreg:$0x7];
	[tilespmem:s18+$0xE110] =	vst v0  }
0x7e: {  	[hbm4b:s19+s8] =	stream.linear.scatter [tilespmem:s14], [sflag:$0x6], $0x1900, $0x38;
	[tilespmem:$0x1C200] =	vst v63  }
0x7f: {  	s19 =	rddreg [dreg:$0x8]  }
0x80: {  	[hbm4b:s19+s8] =	stream.linear.scatter [tilespmem:s22], [sflag:$0x6], $0x1900, $0x38;
	[tilespmem:$0x1C200] =	vst v63  }
0x81: {  	s19 =	rddreg [dreg:$0x9]  }
0x82: {  	[hbm4b:s19+s8] =	stream.linear.scatter [tilespmem:s23], [sflag:$0x6], $0x1900, $0x38;
	[tilespmem:$0x1C200] =	vst v63  }
0x83: {  	s19 =	rddreg [dreg:$0xa]  }
0x84: {  	[hbm4b:s19+s8] =	stream.linear.scatter [tilespmem:s24], [sflag:$0x6], $0x1900, $0x38;
	[tilespmem:$0x1C200] =	vst v63  }
0x85: {  	_ =	swait.ge [sflag:s25], $0x6400  }
0x86: {  	[sflag:s25] =	ssyncset.done $0x0  }
0x87: {  	[sflag:s25] =	ssyncadd.s32 $0xFFFF9C00  }
0x88: {  	_ =	swait.ge [sflag:s26], $0x1900  }
0x89: {  	[sflag:s26] =	ssyncset.done $0x0  }
0x8a: {  	[sflag:s26] =	ssyncadd.s32 $0xFFFFE700  }
0x8b: {  	_ =	swait.ge [sflag:s26], $0x1900  }
0x8c: {  	[sflag:s26] =	ssyncset.done $0x0  }
0x8d: {  	[sflag:s26] =	ssyncadd.s32 $0xFFFFE700  }
0x8e: {  	_ =	swait.ge [sflag:s26], $0x1900  }
0x8f: {  	[sflag:s26] =	ssyncset.done $0x0  }
0x90: {  	[sflag:s26] =	ssyncadd.s32 $0xFFFFE700  }
0x91: {  	_ =	swait.ge [sflag:s26], $0x1900  }
0x92: {  	[sflag:s26] =	ssyncset.done $0x0  }
0x93: {  	s18 =	simm.s32 $0x0;
	s19 =	simm.s32 $0xC80;
	[sflag:s26] =	ssyncadd.s32 $0xFFFFE700  }
0x94: {  	[tilespmem:s13], [sflag:$0x1] =	stream.indirect.gather [hbm4b:s3+s12], $0x20, s19, s12, $0xb8;
	[tilespmem:$0x1C200] =	vst v63  }
0x95: {  	v1 =	vld [tilespmem:s18+$0x1900]  }
0x96: {  	v0 =	vld [tilespmem:s18+$0x1910]  }
0x97: {  	v4 =	vld [tilespmem:s18+$0xFA00]  }
0x98: {  	v7 =	vld [tilespmem:s18+$0x11300]  }
0x99: {  	v6 =	vld [tilespmem:s18+$0x12C00]  }
0x9a: {  	v5 =	vld [tilespmem:s18+$0x14500]  }
0x9b: {  	v2 =	vld [tilespmem:s18+$0xFA10]  }
0x9c: {  	v3 =	vld [tilespmem:s18+$0x11310];
	v8 =	vadd.f32 v4, v1  }
0x9d: {  	s8 =	simm.s32 $0x80;
	v7 =	vadd.f32 v7, v1;
	v4 =	vld [tilespmem:s18+$0x12C10]  }
.LBB2_6:
0x9e: {  	s19 =	sshra.s32 s8, $0x2;
	p0 =	sne.s32 s8, $0x6380;
	[tilespmem:s18+$0xFA00] =	vst v8;
	v6 =	vadd.f32 v6, v1;
	v8 =	vld [tilespmem:s18+$0x14510]  }
0x9f: {  	[tilespmem:s18+$0x11300] =	vst v7;
	v5 =	vadd.f32 v5, v1;
	v1 =	vld [tilespmem:s19+$0x1900]  }
0xa0: {  	v7 =	vld [tilespmem:s19+$0x1910];
	[tilespmem:s18+$0x12C00] =	vst v6;
	v2 =	vadd.f32 v2, v0  }
0xa1: {  	v9 =	vld [tilespmem:s19+$0xFA00];
	[tilespmem:s18+$0x14500] =	vst v5;
	v3 =	vadd.f32 v3, v0  }
0xa2: {  	v10 =	vld [tilespmem:s19+$0x11300];
	[tilespmem:s18+$0xFA10] =	vst v2;
	v2 =	vadd.f32 v4, v0  }
.Ltmp2:
0xa3: {  	v6 =	vld [tilespmem:s19+$0x12C00];
	[tilespmem:s18+$0x11310] =	vst v3;
	v3 =	vadd.f32 v8, v0;
	(pc) =	sbr.rel @p0 .LBB2_6-.Ltmp2, $4  }
0xa4: {  	v5 =	vld [tilespmem:s19+$0x14500];
	[tilespmem:s18+$0x12C10] =	vst v2  }
0xa5: {  	v2 =	vld [tilespmem:s19+$0xFA10];
	[tilespmem:s18+$0x14510] =	vst v3;
	v0 =	vmov v7;
	s18 =	smov.u32 s19  }
0xa6: {  	v8 =	vadd.f32 v9, v1;
	v3 =	vld [tilespmem:s18+$0x11310]  }
0xa7: {  	s8 =	sadd.s32 $0x80, s8;
	v7 =	vadd.f32 v10, v1;
	v4 =	vld [tilespmem:s18+$0x12C10]  }
0xa8: {  	[tilespmem:s18+$0xFA00] =	vst v8;
	v6 =	vadd.f32 v6, v1;
	v8 =	vld [tilespmem:s18+$0x14510]  }
0xa9: {  	[tilespmem:s18+$0x11300] =	vst v7;
	v1 =	vadd.f32 v5, v1  }
0xaa: {  	[tilespmem:s18+$0x12C00] =	vst v6;
	v2 =	vadd.f32 v2, v0  }
0xab: {  	[tilespmem:s18+$0x14500] =	vst v1;
	v1 =	vadd.f32 v3, v0  }
0xac: {  	[tilespmem:s18+$0xFA10] =	vst v2;
	v2 =	vadd.f32 v4, v0  }
0xad: {  	[tilespmem:s18+$0x11310] =	vst v1;
	v0 =	vadd.f32 v8, v0  }
0xae: {  	[tilespmem:s18+$0x12C10] =	vst v2  }
0xaf: {  	s8 =	simm.s32 $0x0;
	s19 =	rddreg [dreg:$0xb];
	[tilespmem:s18+$0x14510] =	vst v0  }
0xb0: {  	[hbm4b:s19+s8] =	stream.linear.scatter [tilespmem:s16], [sflag:$0x7], $0x1900, $0x38;
	[tilespmem:$0x1C200] =	vst v63  }
0xb1: {  	s19 =	rddreg [dreg:$0xc]  }
0xb2: {  	[hbm4b:s19+s8] =	stream.linear.scatter [tilespmem:s28], [sflag:$0x7], $0x1900, $0x38;
	[tilespmem:$0x1C200] =	vst v63  }
0xb3: {  	s19 =	rddreg [dreg:$0xd]  }
0xb4: {  	[hbm4b:s19+s8] =	stream.linear.scatter [tilespmem:s29], [sflag:$0x7], $0x1900, $0x38;
	[tilespmem:$0x1C200] =	vst v63  }
0xb5: {  	s19 =	rddreg [dreg:$0xe]  }
0xb6: {  	[hbm4b:s19+s8] =	stream.linear.scatter [tilespmem:s30], [sflag:$0x7], $0x1900, $0x38;
	[tilespmem:$0x1C200] =	vst v63  }
0xb7: {  	_ =	swait.ge [sflag:s31], $0x6400  }
0xb8: {  	[sflag:s31] =	ssyncset.done $0x0  }
0xb9: {  	[sflag:s31] =	ssyncadd.s32 $0xFFFF9C00  }
0xba: {  	_ =	swait.ge [sflag:s6], $0x1900  }
0xbb: {  	[sflag:s6] =	ssyncset.done $0x0  }
0xbc: {  	[sflag:s6] =	ssyncadd.s32 $0xFFFFE700  }
0xbd: {  	_ =	swait.ge [sflag:s6], $0x1900  }
0xbe: {  	[sflag:s6] =	ssyncset.done $0x0  }
0xbf: {  	[sflag:s6] =	ssyncadd.s32 $0xFFFFE700  }
0xc0: {  	_ =	swait.ge [sflag:s6], $0x1900  }
0xc1: {  	[sflag:s6] =	ssyncset.done $0x0  }
0xc2: {  	[sflag:s6] =	ssyncadd.s32 $0xFFFFE700  }
0xc3: {  	_ =	swait.ge [sflag:s6], $0x1900  }
0xc4: {  	[sflag:s6] =	ssyncset.done $0x0  }
0xc5: {  	s18 =	simm.s32 $0x0;
	s19 =	simm.s32 $0xFA0;
	[sflag:s6] =	ssyncadd.s32 $0xFFFFE700  }
0xc6: {  	[tilespmem:s14], [sflag:$0x2] =	stream.indirect.gather [hbm4b:s3+s12], $0x20, s19, s12, $0xb8;
	[tilespmem:$0x1C200] =	vst v63  }
0xc7: {  	v1 =	vld [tilespmem:s18+$0x1900]  }
0xc8: {  	v0 =	vld [tilespmem:s18+$0x1910]  }
0xc9: {  	v4 =	vld [tilespmem:s18+$0x15E00]  }
0xca: {  	v7 =	vld [tilespmem:s18+$0x17700]  }
0xcb: {  	v6 =	vld [tilespmem:s18+$0x19000]  }
0xcc: {  	v5 =	vld [tilespmem:s18+$0x1A900]  }
0xcd: {  	v2 =	vld [tilespmem:s18+$0x15E10]  }
0xce: {  	v3 =	vld [tilespmem:s18+$0x17710];
	v8 =	vadd.f32 v4, v1  }
0xcf: {  	s8 =	simm.s32 $0x80;
	v7 =	vadd.f32 v7, v1;
	v4 =	vld [tilespmem:s18+$0x19010]  }
.LBB2_8:
0xd0: {  	s19 =	sshra.s32 s8, $0x2;
	p0 =	sne.s32 s8, $0x6380;
	[tilespmem:s18+$0x15E00] =	vst v8;
	v6 =	vadd.f32 v6, v1;
	v8 =	vld [tilespmem:s18+$0x1A910]  }
0xd1: {  	[tilespmem:s18+$0x17700] =	vst v7;
	v5 =	vadd.f32 v5, v1;
	v1 =	vld [tilespmem:s19+$0x1900]  }
0xd2: {  	v7 =	vld [tilespmem:s19+$0x1910];
	[tilespmem:s18+$0x19000] =	vst v6;
	v2 =	vadd.f32 v2, v0  }
0xd3: {  	v9 =	vld [tilespmem:s19+$0x15E00];
	[tilespmem:s18+$0x1A900] =	vst v5;
	v3 =	vadd.f32 v3, v0  }
0xd4: {  	v10 =	vld [tilespmem:s19+$0x17700];
	[tilespmem:s18+$0x15E10] =	vst v2;
	v2 =	vadd.f32 v4, v0  }
.Ltmp3:
0xd5: {  	v6 =	vld [tilespmem:s19+$0x19000];
	[tilespmem:s18+$0x17710] =	vst v3;
	v3 =	vadd.f32 v8, v0;
	(pc) =	sbr.rel @p0 .LBB2_8-.Ltmp3, $4  }
0xd6: {  	v5 =	vld [tilespmem:s19+$0x1A900];
	[tilespmem:s18+$0x19010] =	vst v2  }
0xd7: {  	v2 =	vld [tilespmem:s19+$0x15E10];
	[tilespmem:s18+$0x1A910] =	vst v3;
	v0 =	vmov v7;
	s18 =	smov.u32 s19  }
0xd8: {  	v8 =	vadd.f32 v9, v1;
	v3 =	vld [tilespmem:s18+$0x17710]  }
0xd9: {  	s8 =	sadd.s32 $0x80, s8;
	v7 =	vadd.f32 v10, v1;
	v4 =	vld [tilespmem:s18+$0x19010]  }
0xda: {  	[tilespmem:s18+$0x15E00] =	vst v8;
	v6 =	vadd.f32 v6, v1;
	v8 =	vld [tilespmem:s18+$0x1A910]  }
0xdb: {  	[tilespmem:s18+$0x17700] =	vst v7;
	v1 =	vadd.f32 v5, v1  }
0xdc: {  	[tilespmem:s18+$0x19000] =	vst v6;
	v2 =	vadd.f32 v2, v0  }
0xdd: {  	[tilespmem:s18+$0x1A900] =	vst v1;
	v1 =	vadd.f32 v3, v0  }
0xde: {  	[tilespmem:s18+$0x15E10] =	vst v2;
	v2 =	vadd.f32 v4, v0  }
0xdf: {  	[tilespmem:s18+$0x17710] =	vst v1;
	v0 =	vadd.f32 v8, v0  }
0xe0: {  	[tilespmem:s18+$0x19010] =	vst v2  }
0xe1: {  	s8 =	simm.s32 $0x0;
	s19 =	rddreg [dreg:$0xf];
	[tilespmem:s18+$0x1A910] =	vst v0  }
0xe2: {  	[hbm4b:s19+s8] =	stream.linear.scatter [tilespmem:s21], [sflag:$0x8], $0x1900, $0x38;
	[tilespmem:$0x1C200] =	vst v63  }
0xe3: {  	s19 =	rddreg [dreg:$0x10]  }
0xe4: {  	[hbm4b:s19+s8] =	stream.linear.scatter [tilespmem:s0], [sflag:$0x8], $0x1900, $0x38;
	[tilespmem:$0x1C200] =	vst v63  }
0xe5: {  	s19 =	rddreg [dreg:$0x11]  }
0xe6: {  	[hbm4b:s19+s8] =	stream.linear.scatter [tilespmem:s1], [sflag:$0x8], $0x1900, $0x38;
	[tilespmem:$0x1C200] =	vst v63  }
0xe7: {  	s19 =	rddreg [dreg:$0x12]  }
0xe8: {  	[hbm4b:s19+s8] =	stream.linear.scatter [tilespmem:s4], [sflag:$0x8], $0x1900, $0x38;
	[tilespmem:$0x1C200] =	vst v63  }
0xe9: {  	_ =	swait.ge [sflag:s15], $0x6400  }
0xea: {  	[sflag:s15] =	ssyncset.done $0x0  }
0xeb: {  	[sflag:s15] =	ssyncadd.s32 $0xFFFF9C00  }
0xec: {  	_ =	swait.ge [sflag:s5], $0x1900  }
0xed: {  	[sflag:s5] =	ssyncset.done $0x0  }
0xee: {  	[sflag:s5] =	ssyncadd.s32 $0xFFFFE700  }
0xef: {  	_ =	swait.ge [sflag:s5], $0x1900  }
0xf0: {  	[sflag:s5] =	ssyncset.done $0x0  }
0xf1: {  	[sflag:s5] =	ssyncadd.s32 $0xFFFFE700  }
0xf2: {  	_ =	swait.ge [sflag:s5], $0x1900  }
0xf3: {  	[sflag:s5] =	ssyncset.done $0x0  }
0xf4: {  	[sflag:s5] =	ssyncadd.s32 $0xFFFFE700  }
0xf5: {  	_ =	swait.ge [sflag:s5], $0x1900  }
0xf6: {  	[sflag:s5] =	ssyncset.done $0x0  }
0xf7: {  	s18 =	simm.s32 $0x0;
	s19 =	simm.s32 $0x12C0;
	[sflag:s5] =	ssyncadd.s32 $0xFFFFE700  }
0xf8: {  	[tilespmem:s16], [sflag:$0x3] =	stream.indirect.gather [hbm4b:s3+s12], $0x20, s19, s12, $0xb8;
	[tilespmem:$0x1C200] =	vst v63  }
0xf9: {  	v1 =	vld [tilespmem:s18+$0x1900]  }
0xfa: {  	v0 =	vld [tilespmem:s18+$0x1910]  }
0xfb: {  	v4 =	vld [tilespmem:s18+$0x3200]  }
0xfc: {  	v7 =	vld [tilespmem:s18+$0x4B00]  }
0xfd: {  	v6 =	vld [tilespmem:s18+$0x6400]  }
0xfe: {  	v5 =	vld [tilespmem:s18+$0x7D00]  }
0xff: {  	v2 =	vld [tilespmem:s18+$0x3210]  }
0x100: {  	v3 =	vld [tilespmem:s18+$0x4B10];
	v8 =	vadd.f32 v4, v1  }
0x101: {  	s8 =	simm.s32 $0x80;
	v7 =	vadd.f32 v7, v1;
	v4 =	vld [tilespmem:s18+$0x6410]  }
.LBB2_10:
0x102: {  	s19 =	sshra.s32 s8, $0x2;
	p0 =	sne.s32 s8, $0x6380;
	[tilespmem:s18+$0x3200] =	vst v8;
	v6 =	vadd.f32 v6, v1;
	v8 =	vld [tilespmem:s18+$0x7D10]  }
0x103: {  	[tilespmem:s18+$0x4B00] =	vst v7;
	v5 =	vadd.f32 v5, v1;
	v1 =	vld [tilespmem:s19+$0x1900]  }
0x104: {  	v7 =	vld [tilespmem:s19+$0x1910];
	[tilespmem:s18+$0x6400] =	vst v6;
	v2 =	vadd.f32 v2, v0  }
0x105: {  	v9 =	vld [tilespmem:s19+$0x3200];
	[tilespmem:s18+$0x7D00] =	vst v5;
	v3 =	vadd.f32 v3, v0  }
0x106: {  	v10 =	vld [tilespmem:s19+$0x4B00];
	[tilespmem:s18+$0x3210] =	vst v2;
	v2 =	vadd.f32 v4, v0  }
.Ltmp4:
0x107: {  	v6 =	vld [tilespmem:s19+$0x6400];
	[tilespmem:s18+$0x4B10] =	vst v3;
	v3 =	vadd.f32 v8, v0;
	(pc) =	sbr.rel @p0 .LBB2_10-.Ltmp4, $4  }
0x108: {  	v5 =	vld [tilespmem:s19+$0x7D00];
	[tilespmem:s18+$0x6410] =	vst v2  }
0x109: {  	v2 =	vld [tilespmem:s19+$0x3210];
	[tilespmem:s18+$0x7D10] =	vst v3;
	v0 =	vmov v7;
	s18 =	smov.u32 s19  }
0x10a: {  	v8 =	vadd.f32 v9, v1;
	v3 =	vld [tilespmem:s18+$0x4B10]  }
0x10b: {  	s8 =	sadd.s32 $0x80, s8;
	v7 =	vadd.f32 v10, v1;
	v4 =	vld [tilespmem:s18+$0x6410]  }
0x10c: {  	[tilespmem:s18+$0x3200] =	vst v8;
	v6 =	vadd.f32 v6, v1;
	v8 =	vld [tilespmem:s18+$0x7D10]  }
0x10d: {  	[tilespmem:s18+$0x4B00] =	vst v7;
	v1 =	vadd.f32 v5, v1  }
0x10e: {  	[tilespmem:s18+$0x6400] =	vst v6;
	v2 =	vadd.f32 v2, v0  }
0x10f: {  	[tilespmem:s18+$0x7D00] =	vst v1;
	v1 =	vadd.f32 v3, v0  }
0x110: {  	[tilespmem:s18+$0x3210] =	vst v2;
	v2 =	vadd.f32 v4, v0  }
0x111: {  	[tilespmem:s18+$0x4B10] =	vst v1;
	v0 =	vadd.f32 v8, v0  }
0x112: {  	[tilespmem:s18+$0x6410] =	vst v2  }
0x113: {  	s8 =	simm.s32 $0x0;
	s19 =	rddreg [dreg:$0x13];
	[tilespmem:s18+$0x7D10] =	vst v0  }
0x114: {  	[hbm4b:s19+s8] =	stream.linear.scatter [tilespmem:s13], [sflag:$0x5], $0x1900, $0x38;
	[tilespmem:$0x1C200] =	vst v63  }
0x115: {  	s18 =	rddreg [dreg:$0x14];
	s19 =	simm.s32 $0x4B00  }
0x116: {  	[hbm4b:s18+s8] =	stream.linear.scatter [tilespmem:s19], [sflag:$0x5], $0x1900, $0x38;
	[tilespmem:$0x1C200] =	vst v63  }
0x117: {  	s18 =	rddreg [dreg:$0x15];
	s19 =	simm.s32 $0x6400  }
0x118: {  	[hbm4b:s18+s8] =	stream.linear.scatter [tilespmem:s19], [sflag:$0x5], $0x1900, $0x38;
	[tilespmem:$0x1C200] =	vst v63  }
0x119: {  	s18 =	rddreg [dreg:$0x16];
	s19 =	simm.s32 $0x7D00  }
0x11a: {  	[hbm4b:s18+s8] =	stream.linear.scatter [tilespmem:s19], [sflag:$0x5], $0x1900, $0x38;
	[tilespmem:$0x1C200] =	vst v63  }
0x11b: {  	_ =	swait.ge [sflag:s20], $0x6400  }
0x11c: {  	[sflag:s20] =	ssyncset.done $0x0  }
0x11d: {  	[sflag:s20] =	ssyncadd.s32 $0xFFFF9C00  }
0x11e: {  	_ =	swait.ge [sflag:s17], $0x1900  }
0x11f: {  	[sflag:s17] =	ssyncset.done $0x0  }
0x120: {  	[sflag:s17] =	ssyncadd.s32 $0xFFFFE700  }
0x121: {  	_ =	swait.ge [sflag:s17], $0x1900  }
0x122: {  	[sflag:s17] =	ssyncset.done $0x0  }
0x123: {  	[sflag:s17] =	ssyncadd.s32 $0xFFFFE700  }
0x124: {  	_ =	swait.ge [sflag:s17], $0x1900  }
0x125: {  	[sflag:s17] =	ssyncset.done $0x0  }
0x126: {  	[sflag:s17] =	ssyncadd.s32 $0xFFFFE700  }
0x127: {  	_ =	swait.ge [sflag:s17], $0x1900  }
0x128: {  	[sflag:s17] =	ssyncset.done $0x0  }
0x129: {  	s19 =	simm.s32 $0x15E0;
	s18 =	simm.s32 $0x0;
	[sflag:s17] =	ssyncadd.s32 $0xFFFFE700  }
0x12a: {  	[tilespmem:s21], [sflag:$0x4] =	stream.indirect.gather [hbm4b:s3+s12], $0x20, s19, s12, $0xb8;
	[tilespmem:$0x1C200] =	vst v63  }
0x12b: {  	v1 =	vld [tilespmem:s18+$0x1900]  }
0x12c: {  	v0 =	vld [tilespmem:s18+$0x1910]  }
0x12d: {  	v4 =	vld [tilespmem:s18+$0x9600]  }
0x12e: {  	v7 =	vld [tilespmem:s18+$0xAF00]  }
0x12f: {  	v6 =	vld [tilespmem:s18+$0xC800]  }
0x130: {  	v5 =	vld [tilespmem:s18+$0xE100]  }
0x131: {  	v2 =	vld [tilespmem:s18+$0x9610]  }
0x132: {  	v3 =	vld [tilespmem:s18+$0xAF10];
	v8 =	vadd.f32 v4, v1  }
0x133: {  	s8 =	simm.s32 $0x80;
	v7 =	vadd.f32 v7, v1;
	v4 =	vld [tilespmem:s18+$0xC810]  }
.LBB2_12:
0x134: {  	s19 =	sshra.s32 s8, $0x2;
	p0 =	sne.s32 s8, $0x6380;
	[tilespmem:s18+$0x9600] =	vst v8;
	v6 =	vadd.f32 v6, v1;
	v8 =	vld [tilespmem:s18+$0xE110]  }
0x135: {  	[tilespmem:s18+$0xAF00] =	vst v7;
	v5 =	vadd.f32 v5, v1;
	v1 =	vld [tilespmem:s19+$0x1900]  }
0x136: {  	v7 =	vld [tilespmem:s19+$0x1910];
	[tilespmem:s18+$0xC800] =	vst v6;
	v2 =	vadd.f32 v2, v0  }
0x137: {  	v9 =	vld [tilespmem:s19+$0x9600];
	[tilespmem:s18+$0xE100] =	vst v5;
	v3 =	vadd.f32 v3, v0  }
0x138: {  	v10 =	vld [tilespmem:s19+$0xAF00];
	[tilespmem:s18+$0x9610] =	vst v2;
	v2 =	vadd.f32 v4, v0  }
.Ltmp5:
0x139: {  	v6 =	vld [tilespmem:s19+$0xC800];
	[tilespmem:s18+$0xAF10] =	vst v3;
	v3 =	vadd.f32 v8, v0;
	(pc) =	sbr.rel @p0 .LBB2_12-.Ltmp5, $4  }
0x13a: {  	v5 =	vld [tilespmem:s19+$0xE100];
	[tilespmem:s18+$0xC810] =	vst v2  }
0x13b: {  	v2 =	vld [tilespmem:s19+$0x9610];
	[tilespmem:s18+$0xE110] =	vst v3;
	v0 =	vmov v7;
	s18 =	smov.u32 s19  }
0x13c: {  	v8 =	vadd.f32 v9, v1;
	v3 =	vld [tilespmem:s18+$0xAF10]  }
0x13d: {  	s8 =	sadd.s32 $0x80, s8;
	v7 =	vadd.f32 v10, v1;
	v4 =	vld [tilespmem:s18+$0xC810]  }
0x13e: {  	[tilespmem:s18+$0x9600] =	vst v8;
	v6 =	vadd.f32 v6, v1;
	v8 =	vld [tilespmem:s18+$0xE110]  }
0x13f: {  	[tilespmem:s18+$0xAF00] =	vst v7;
	v1 =	vadd.f32 v5, v1  }
0x140: {  	[tilespmem:s18+$0xC800] =	vst v6;
	v2 =	vadd.f32 v2, v0  }
0x141: {  	[tilespmem:s18+$0xE100] =	vst v1;
	v1 =	vadd.f32 v3, v0  }
0x142: {  	[tilespmem:s18+$0x9610] =	vst v2;
	v2 =	vadd.f32 v4, v0  }
0x143: {  	[tilespmem:s18+$0xAF10] =	vst v1;
	v0 =	vadd.f32 v8, v0  }
0x144: {  	[tilespmem:s18+$0xC810] =	vst v2  }
0x145: {  	s8 =	simm.s32 $0x0;
	s19 =	rddreg [dreg:$0x17];
	[tilespmem:s18+$0xE110] =	vst v0  }
0x146: {  	[hbm4b:s19+s8] =	stream.linear.scatter [tilespmem:s14], [sflag:$0x6], $0x1900, $0x38;
	[tilespmem:$0x1C200] =	vst v63  }
0x147: {  	s19 =	rddreg [dreg:$0x18]  }
0x148: {  	[hbm4b:s19+s8] =	stream.linear.scatter [tilespmem:s22], [sflag:$0x6], $0x1900, $0x38;
	[tilespmem:$0x1C200] =	vst v63  }
0x149: {  	s19 =	rddreg [dreg:$0x19]  }
0x14a: {  	[hbm4b:s19+s8] =	stream.linear.scatter [tilespmem:s23], [sflag:$0x6], $0x1900, $0x38;
	[tilespmem:$0x1C200] =	vst v63  }
0x14b: {  	s19 =	rddreg [dreg:$0x1a]  }
0x14c: {  	[hbm4b:s19+s8] =	stream.linear.scatter [tilespmem:s24], [sflag:$0x6], $0x1900, $0x38;
	[tilespmem:$0x1C200] =	vst v63  }
0x14d: {  	_ =	swait.ge [sflag:s25], $0x6400  }
0x14e: {  	[sflag:s25] =	ssyncset.done $0x0  }
0x14f: {  	s18 =	simm.s32 $0x0;
	[sflag:s25] =	ssyncadd.s32 $0xFFFF9C00  }
0x150: {  	v1 =	vld [tilespmem:s18+$0x1900]  }
0x151: {  	v0 =	vld [tilespmem:s18+$0x1910]  }
0x152: {  	v4 =	vld [tilespmem:s18+$0xFA00]  }
0x153: {  	v7 =	vld [tilespmem:s18+$0x11300]  }
0x154: {  	v6 =	vld [tilespmem:s18+$0x12C00]  }
0x155: {  	v5 =	vld [tilespmem:s18+$0x14500]  }
0x156: {  	v2 =	vld [tilespmem:s18+$0xFA10]  }
0x157: {  	v3 =	vld [tilespmem:s18+$0x11310];
	v8 =	vadd.f32 v4, v1  }
0x158: {  	s8 =	simm.s32 $0x80;
	v7 =	vadd.f32 v7, v1;
	v4 =	vld [tilespmem:s18+$0x12C10]  }
.LBB2_14:
0x159: {  	s19 =	sshra.s32 s8, $0x2;
	p0 =	sne.s32 s8, $0x6380;
	[tilespmem:s18+$0xFA00] =	vst v8;
	v6 =	vadd.f32 v6, v1;
	v8 =	vld [tilespmem:s18+$0x14510]  }
0x15a: {  	[tilespmem:s18+$0x11300] =	vst v7;
	v5 =	vadd.f32 v5, v1;
	v1 =	vld [tilespmem:s19+$0x1900]  }
0x15b: {  	v7 =	vld [tilespmem:s19+$0x1910];
	[tilespmem:s18+$0x12C00] =	vst v6;
	v2 =	vadd.f32 v2, v0  }
0x15c: {  	v9 =	vld [tilespmem:s19+$0xFA00];
	[tilespmem:s18+$0x14500] =	vst v5;
	v3 =	vadd.f32 v3, v0  }
0x15d: {  	v10 =	vld [tilespmem:s19+$0x11300];
	[tilespmem:s18+$0xFA10] =	vst v2;
	v2 =	vadd.f32 v4, v0  }
.Ltmp6:
0x15e: {  	v6 =	vld [tilespmem:s19+$0x12C00];
	[tilespmem:s18+$0x11310] =	vst v3;
	v3 =	vadd.f32 v8, v0;
	(pc) =	sbr.rel @p0 .LBB2_14-.Ltmp6, $4  }
0x15f: {  	v5 =	vld [tilespmem:s19+$0x14500];
	[tilespmem:s18+$0x12C10] =	vst v2  }
0x160: {  	v2 =	vld [tilespmem:s19+$0xFA10];
	[tilespmem:s18+$0x14510] =	vst v3;
	v0 =	vmov v7;
	s18 =	smov.u32 s19  }
0x161: {  	v8 =	vadd.f32 v9, v1;
	v3 =	vld [tilespmem:s18+$0x11310]  }
0x162: {  	s8 =	sadd.s32 $0x80, s8;
	v7 =	vadd.f32 v10, v1;
	v4 =	vld [tilespmem:s18+$0x12C10]  }
0x163: {  	[tilespmem:s18+$0xFA00] =	vst v8;
	v6 =	vadd.f32 v6, v1;
	v8 =	vld [tilespmem:s18+$0x14510]  }
0x164: {  	[tilespmem:s18+$0x11300] =	vst v7;
	v1 =	vadd.f32 v5, v1  }
0x165: {  	[tilespmem:s18+$0x12C00] =	vst v6;
	v2 =	vadd.f32 v2, v0  }
0x166: {  	[tilespmem:s18+$0x14500] =	vst v1;
	v1 =	vadd.f32 v3, v0  }
0x167: {  	[tilespmem:s18+$0xFA10] =	vst v2;
	v2 =	vadd.f32 v4, v0  }
0x168: {  	[tilespmem:s18+$0x11310] =	vst v1;
	v0 =	vadd.f32 v8, v0  }
0x169: {  	[tilespmem:s18+$0x12C10] =	vst v2  }
0x16a: {  	s8 =	simm.s32 $0x0;
	s19 =	rddreg [dreg:$0x1b];
	[tilespmem:s18+$0x14510] =	vst v0  }
0x16b: {  	[hbm4b:s19+s8] =	stream.linear.scatter [tilespmem:s16], [sflag:$0x7], $0x1900, $0x38;
	[tilespmem:$0x1C200] =	vst v63  }
0x16c: {  	s19 =	rddreg [dreg:$0x1c]  }
0x16d: {  	[hbm4b:s19+s8] =	stream.linear.scatter [tilespmem:s28], [sflag:$0x7], $0x1900, $0x38;
	[tilespmem:$0x1C200] =	vst v63  }
0x16e: {  	s19 =	rddreg [dreg:$0x1d]  }
0x16f: {  	[hbm4b:s19+s8] =	stream.linear.scatter [tilespmem:s29], [sflag:$0x7], $0x1900, $0x38;
	[tilespmem:$0x1C200] =	vst v63  }
0x170: {  	s19 =	rddreg [dreg:$0x1e]  }
0x171: {  	[hbm4b:s19+s8] =	stream.linear.scatter [tilespmem:s30], [sflag:$0x7], $0x1900, $0x38;
	[tilespmem:$0x1C200] =	vst v63  }
0x172: {  	_ =	swait.ge [sflag:s31], $0x6400  }
0x173: {  	[sflag:s31] =	ssyncset.done $0x0  }
0x174: {  	s18 =	simm.s32 $0x0;
	[sflag:s31] =	ssyncadd.s32 $0xFFFF9C00  }
0x175: {  	v1 =	vld [tilespmem:s18+$0x1900]  }
0x176: {  	v0 =	vld [tilespmem:s18+$0x1910]  }
0x177: {  	v4 =	vld [tilespmem:s18+$0x15E00]  }
0x178: {  	v7 =	vld [tilespmem:s18+$0x17700]  }
0x179: {  	v6 =	vld [tilespmem:s18+$0x19000]  }
0x17a: {  	v5 =	vld [tilespmem:s18+$0x1A900]  }
0x17b: {  	v2 =	vld [tilespmem:s18+$0x15E10]  }
0x17c: {  	v3 =	vld [tilespmem:s18+$0x17710];
	v8 =	vadd.f32 v4, v1  }
0x17d: {  	s8 =	simm.s32 $0x80;
	v7 =	vadd.f32 v7, v1;
	v4 =	vld [tilespmem:s18+$0x19010]  }
.LBB2_16:
0x17e: {  	s19 =	sshra.s32 s8, $0x2;
	p0 =	sne.s32 s8, $0x6380;
	[tilespmem:s18+$0x15E00] =	vst v8;
	v6 =	vadd.f32 v6, v1;
	v8 =	vld [tilespmem:s18+$0x1A910]  }
0x17f: {  	[tilespmem:s18+$0x17700] =	vst v7;
	v5 =	vadd.f32 v5, v1;
	v1 =	vld [tilespmem:s19+$0x1900]  }
0x180: {  	v7 =	vld [tilespmem:s19+$0x1910];
	[tilespmem:s18+$0x19000] =	vst v6;
	v2 =	vadd.f32 v2, v0  }
0x181: {  	v9 =	vld [tilespmem:s19+$0x15E00];
	[tilespmem:s18+$0x1A900] =	vst v5;
	v3 =	vadd.f32 v3, v0  }
0x182: {  	v10 =	vld [tilespmem:s19+$0x17700];
	[tilespmem:s18+$0x15E10] =	vst v2;
	v2 =	vadd.f32 v4, v0  }
.Ltmp7:
0x183: {  	v6 =	vld [tilespmem:s19+$0x19000];
	[tilespmem:s18+$0x17710] =	vst v3;
	v3 =	vadd.f32 v8, v0;
	(pc) =	sbr.rel @p0 .LBB2_16-.Ltmp7, $4  }
0x184: {  	v5 =	vld [tilespmem:s19+$0x1A900];
	[tilespmem:s18+$0x19010] =	vst v2  }
0x185: {  	v2 =	vld [tilespmem:s19+$0x15E10];
	[tilespmem:s18+$0x1A910] =	vst v3;
	v0 =	vmov v7;
	s18 =	smov.u32 s19  }
0x186: {  	v8 =	vadd.f32 v9, v1;
	v3 =	vld [tilespmem:s18+$0x17710]  }
0x187: {  	s8 =	sadd.s32 $0x80, s8;
	v7 =	vadd.f32 v10, v1;
	v4 =	vld [tilespmem:s18+$0x19010]  }
0x188: {  	[tilespmem:s18+$0x15E00] =	vst v8;
	v6 =	vadd.f32 v6, v1;
	v59 =	vld [tilespmem:s18+$0x1A910]  }
0x189: {  	[tilespmem:s18+$0x17700] =	vst v7;
	v60 =	vadd.f32 v5, v1  }
0x18a: {  	[tilespmem:s18+$0x19000] =	vst v6;
	v2 =	vadd.f32 v2, v0  }
0x18b: {  	[tilespmem:s18+$0x1A900] =	vst v60;
	v61 =	vadd.f32 v3, v0  }
0x18c: {  	[tilespmem:s18+$0x15E10] =	vst v2;
	v62 =	vadd.f32 v4, v0  }
0x18d: {  	[tilespmem:s18+$0x17710] =	vst v61;
	v63 =	vadd.f32 v59, v0  }
0x18e: {  	s8 =	rddreg [dreg:$0x1f];
	[tilespmem:s18+$0x19010] =	vst v62  }
0x18f: {  	[tilespmem:s18+$0x1A910] =	vst v63;
	s18 =	sld [smem:$0x7FA]  }
0x190: {  	[hbm4b:s8+s2] =	stream.linear.scatter [tilespmem:s21], [sflag:$0x8], $0x1900, $0x38;
	[tilespmem:$0x1C200] =	vst v63  }
0x191: {  	s19 =	sld [smem:$0x7FB]  }
0x192: {  	[hbm4b:s18+s2] =	stream.linear.scatter [tilespmem:s0], [sflag:$0x8], $0x1900, $0x38;
	[tilespmem:$0x1C200] =	vst v63  }
0x193: {  	s18 =	sld [smem:$0x7FC]  }
0x194: {  	[hbm4b:s19+s2] =	stream.linear.scatter [tilespmem:s1], [sflag:$0x8], $0x1900, $0x38;
	[tilespmem:$0x1C200] =	vst v63  }
0x195: {  	_ = 	snop  }
0x196: {  	[hbm4b:s18+s2] =	stream.linear.scatter [tilespmem:s4], [sflag:$0x8], $0x1900, $0x38;
	[tilespmem:$0x1C200] =	vst v63  }
0x197: {  	_ =	swait.ge [sflag:s26], $0x1900  }
0x198: {  	[sflag:s26] =	ssyncset.done $0x0  }
0x199: {  	[sflag:s26] =	ssyncadd.s32 $0xFFFFE700  }
0x19a: {  	_ =	swait.ge [sflag:s26], $0x1900  }
0x19b: {  	[sflag:s26] =	ssyncset.done $0x0  }
0x19c: {  	[sflag:s26] =	ssyncadd.s32 $0xFFFFE700  }
0x19d: {  	_ =	swait.ge [sflag:s26], $0x1900  }
0x19e: {  	[sflag:s26] =	ssyncset.done $0x0  }
0x19f: {  	[sflag:s26] =	ssyncadd.s32 $0xFFFFE700  }
0x1a0: {  	_ =	swait.ge [sflag:s26], $0x1900  }
0x1a1: {  	[sflag:s26] =	ssyncset.done $0x0  }
0x1a2: {  	[sflag:s26] =	ssyncadd.s32 $0xFFFFE700  }
0x1a3: {  	_ =	swait.ge [sflag:s6], $0x1900  }
0x1a4: {  	[sflag:s6] =	ssyncset.done $0x0  }
0x1a5: {  	[sflag:s6] =	ssyncadd.s32 $0xFFFFE700  }
0x1a6: {  	_ =	swait.ge [sflag:s6], $0x1900  }
0x1a7: {  	[sflag:s6] =	ssyncset.done $0x0  }
0x1a8: {  	[sflag:s6] =	ssyncadd.s32 $0xFFFFE700  }
0x1a9: {  	_ =	swait.ge [sflag:s6], $0x1900  }
0x1aa: {  	[sflag:s6] =	ssyncset.done $0x0  }
0x1ab: {  	[sflag:s6] =	ssyncadd.s32 $0xFFFFE700  }
0x1ac: {  	_ =	swait.ge [sflag:s6], $0x1900  }
0x1ad: {  	[sflag:s6] =	ssyncset.done $0x0  }
0x1ae: {  	[sflag:s6] =	ssyncadd.s32 $0xFFFFE700  }
0x1af: {  	_ =	swait.ge [sflag:s5], $0x1900  }
0x1b0: {  	[sflag:s5] =	ssyncset.done $0x0  }
0x1b1: {  	[sflag:s5] =	ssyncadd.s32 $0xFFFFE700  }
0x1b2: {  	_ =	swait.ge [sflag:s5], $0x1900  }
0x1b3: {  	[sflag:s5] =	ssyncset.done $0x0  }
0x1b4: {  	[sflag:s5] =	ssyncadd.s32 $0xFFFFE700  }
0x1b5: {  	_ =	swait.ge [sflag:s5], $0x1900  }
0x1b6: {  	[sflag:s5] =	ssyncset.done $0x0  }
0x1b7: {  	[sflag:s5] =	ssyncadd.s32 $0xFFFFE700  }
0x1b8: {  	_ =	swait.ge [sflag:s5], $0x1900  }
0x1b9: {  	[sflag:s5] =	ssyncset.done $0x0  }
0x1ba: {  	[sflag:s5] =	ssyncadd.s32 $0xFFFFE700  }
0x1bb: {  	_ =	swait.ge [sflag:s17], $0x1900  }
0x1bc: {  	[sflag:s17] =	ssyncset.done $0x0  }
0x1bd: {  	[sflag:s17] =	ssyncadd.s32 $0xFFFFE700  }
0x1be: {  	_ =	swait.ge [sflag:s17], $0x1900  }
0x1bf: {  	[sflag:s17] =	ssyncset.done $0x0  }
0x1c0: {  	[sflag:s17] =	ssyncadd.s32 $0xFFFFE700  }
0x1c1: {  	_ =	swait.ge [sflag:s17], $0x1900  }
0x1c2: {  	[sflag:s17] =	ssyncset.done $0x0  }
0x1c3: {  	[sflag:s17] =	ssyncadd.s32 $0xFFFFE700  }
0x1c4: {  	_ =	swait.ge [sflag:s17], $0x1900  }
0x1c5: {  	s19 =	sld [smem:$0x7FD];
	_ =	sdelay $0x1  }
0x1c6: {  	s7 =	sadd.s32 $0x1, s7  }
0x1c7: {  	p0 =	sne.s32 s7, s19  }
.Ltmp8:
0x1c8: {  	_ = 	snop;
	(pc) =	sbr.rel @p0 .LBB2_1-.Ltmp8, $3  }
0x1c9: {  	_ =	sdelay $0x1  }
0x1ca: {  	[sflag:s17] =	ssyncset.done $0x0  }
0x1cb: {  	[sflag:s17] =	ssyncadd.s32 $0xFFFFE700  }
0x1cc: {  	_ =	sfence.sel $0x180000  }
0x1cd: {  	[bflag:$0x0] =	sbarrier.arrive $0xFFFF  }
0x1ce: {  	_ =	strace $0x90000047  }
0x1cf: {  	s0 =	stileid.u32;
	[bflag:$0x2] =	sbarrier.arrive $0xFFFF  }
0x1d0: {  	p0 =	sne.s32 s0, $0x0;
	s0 =	rddreg [dreg:$0x2]  }
0x1d1: {  	s0 =	sadd.s32 @!p0 $0x100000, s0  }
0x1d2: {  	[sflag:s0] =	ssyncadd.tile.s32 @!p0 $0x1;
	_ =	shalt  }
.Lfunc_end2:
_tile_overlayer_lowered:
.L_overlay_start_2:
0x1d3: {  	(tag) =	ssettag $0x2  }
0x1d4: {  	s0 =	rddreg [dreg:$0x0];
	s2 =	stileid.u32  }
0x1d5: {  	s1 =	rddreg [dreg:$0x1];
	p0 =	sne.s32 s2, $0x0  }
0x1d6: {  	s3 =	rddreg [dreg:$0x2];
	[bflag:$0x3] =	sbarrier.arrive $0xFFFF;
	s2 =	simm.s32 @!p0 $0x1C09  }
0x1d7: {  	[timem:s3], [sflag:s2] =	dma.local @!p0 [hbm:s0], s1  }
0x1d8: {  	s0 =	simm.s32 @!p0 $0x9  }
0x1d9: {  	_ =	swait.ge @!p0 [sflag:s0], s1  }
0x1da: {  	s1 =	ssub.s32 @!p0 $0x0, s1;
	[sflag:s0] =	ssyncset.done @!p0 $0x0  }
0x1db: {  	[sflag:s0] =	ssyncadd.s32 @!p0 s1  }
0x1dc: {  	[bflag:$0x3] =	sbarrier.arrive $0xFFFF  }
0x1dd: {  	_ =	shalt  }

</sc_bundles>
